<compile_context>
chip_gen: v7x
topology: tpu7x:2x2x1
jax: 0.10.2.dev20260603
libtpu: 0.0.44.dev20260713+nightly
codegen_flags: <defaults>
</compile_context>

<pallas_src>
import jax
import jax.numpy as jnp
import numpy as np
from jax import lax
from jax.experimental import pallas as pl
from jax.experimental.pallas import tpu as pltpu
from jax.experimental.pallas import tpu_sc as plsc

NN = 10000
EE = 160000
DD = 256
HH = 8
DHH = DD // HH

C = 128
NCH = EE // C
NS = 16
NCORE = 2
NW = NS * NCORE
NPAD = 10240
RPT = NPAD // NS
DH2 = DD // 2
C2 = 64
NCH2 = EE // C2

def _sc1_body(k_hbm, q_hbm, src_hbm, dst_hbm, pout_hbm,
              kbuf, qbuf, idxs_v, idxd_v, sem):
    c = lax.axis_index("c")
    s = lax.axis_index("s")
    wid = c * NS + s
    nch = (39 + jnp.where(wid < NCH - 39 * NW, 1, 0)).astype(jnp.int32)

    def chunk(j, _):
        base = (wid + NW * j) * C
        base = pl.multiple_of(base, C)
        pltpu.sync_copy(src_hbm.at[pl.ds(base, C)], idxs_v)
        pltpu.sync_copy(dst_hbm.at[pl.ds(base, C)], idxd_v)
        d1 = pltpu.async_copy(k_hbm.at[idxs_v], kbuf, sem)
        d2 = pltpu.async_copy(q_hbm.at[idxd_v], qbuf, sem)
        d1.wait()
        d2.wait()

        def mule(e, _):
            for jj in range(DD // 16):
                kbuf[e, pl.ds(jj * 16, 16)] = (
                    kbuf[e, pl.ds(jj * 16, 16)] * qbuf[e, pl.ds(jj * 16, 16)])
            return 0
        lax.fori_loop(0, C, mule, 0)
        pltpu.sync_copy(kbuf, pout_hbm.at[pl.ds(base, C), :])
        return 0

    lax.fori_loop(0, nch, chunk, 0)


def _sc1(kq, qq, src, dst):
    mesh = plsc.VectorSubcoreMesh(core_axis_name="c", subcore_axis_name="s")
    fn = pl.kernel(
        _sc1_body,
        out_type=[jax.ShapeDtypeStruct((EE, DD), jnp.float32)],
        mesh=mesh,
        scratch_types=[
            pltpu.VMEM((C, DD), jnp.float32),
            pltpu.VMEM((C, DD), jnp.float32),
            pltpu.VMEM((C,), jnp.int32),
            pltpu.VMEM((C,), jnp.int32),
            pltpu.SemaphoreType.DMA,
        ],
    )
    return fn(kq, qq, src, dst)[0]


def _sc2g_body(v_hbm, src_hbm, s_hbm, mout_hbm,
               vbuf, s16, idxs_v, sem):
    c = lax.axis_index("c")
    s = lax.axis_index("s")
    wid = c * NS + s
    nch = (39 + jnp.where(wid < NCH - 39 * NW, 1, 0)).astype(jnp.int32)

    def chunk(j, _):
        base = (wid + NW * j) * C
        base = pl.multiple_of(base, C)
        pltpu.sync_copy(src_hbm.at[pl.ds(base, C)], idxs_v)
        pltpu.sync_copy(s_hbm.at[pl.ds(base, C), :], s16)
        d1 = pltpu.async_copy(v_hbm.at[idxs_v], vbuf, sem)
        d1.wait()

        def mule(e, _):
            row = s16[e, pl.ds(0, 16)]
            for hh in range(HH):
                sv = jnp.broadcast_to(row[hh], (16,))
                vbuf[e, pl.ds(hh * 32, 16)] = vbuf[e, pl.ds(hh * 32, 16)] * sv
                vbuf[e, pl.ds(hh * 32 + 16, 16)] = (
                    vbuf[e, pl.ds(hh * 32 + 16, 16)] * sv)
            return 0
        lax.fori_loop(0, C, mule, 0)
        pltpu.sync_copy(vbuf, mout_hbm.at[pl.ds(base, C), :])
        return 0

    lax.fori_loop(0, nch, chunk, 0)


def _sc2g(v, src, srows):
    mesh = plsc.VectorSubcoreMesh(core_axis_name="c", subcore_axis_name="s")
    fn = pl.kernel(
        _sc2g_body,
        out_type=[jax.ShapeDtypeStruct((EE, DD), jnp.float32)],
        mesh=mesh,
        scratch_types=[
            pltpu.VMEM((C, DD), jnp.float32),
            pltpu.VMEM((C, 16), jnp.float32),
            pltpu.VMEM((C,), jnp.int32),
            pltpu.SemaphoreType.DMA,
        ],
    )
    return fn(v, src, srows)[0]



RB = 1000
EB = 2000


def _qkv_body(h_ref, wq_ref, wk_ref, wv_ref, q_ref, k_ref, v_ref):
    x = h_ref[...]
    q_ref[...] = jnp.dot(x, wq_ref[...], preferred_element_type=jnp.float32)
    k_ref[...] = jnp.dot(x, wk_ref[...], preferred_element_type=jnp.float32)
    v_ref[...] = jnp.dot(x, wv_ref[...], preferred_element_type=jnp.float32)


def _qkv(h, wqt, wkt, wvt):
    grid = (NN // RB,)
    return pl.pallas_call(
        _qkv_body,
        grid=grid,
        in_specs=[
            pl.BlockSpec((RB, DD), lambda i: (i, 0)),
            pl.BlockSpec((DD, DD), lambda i: (0, 0)),
            pl.BlockSpec((DD, DD), lambda i: (0, 0)),
            pl.BlockSpec((DD, DD), lambda i: (0, 0)),
        ],
        out_specs=[
            pl.BlockSpec((RB, DD), lambda i: (i, 0)),
            pl.BlockSpec((RB, DD), lambda i: (i, 0)),
            pl.BlockSpec((RB, DD), lambda i: (i, 0)),
        ],
        out_shape=[
            jax.ShapeDtypeStruct((NN, DD), jnp.float32),
            jax.ShapeDtypeStruct((NN, DD), jnp.float32),
            jax.ShapeDtypeStruct((NN, DD), jnp.float32),
        ],
    )(h, wqt, wkt, wvt)


def _ks_body(p_ref, s_ref):
    x = p_ref[...]
    t = jnp.reshape(x, (EB, HH, DHH))
    sums = jnp.sum(t, axis=-1)
    se = jnp.exp(jnp.clip(sums, -5.0, 5.0))
    s_ref[...] = jnp.concatenate([se, jnp.zeros((EB, 8), jnp.float32)], axis=1)


def _ks(prod):
    grid = (EE // EB,)
    return pl.pallas_call(
        _ks_body,
        grid=grid,
        in_specs=[pl.BlockSpec((EB, DD), lambda i: (i, 0))],
        out_specs=pl.BlockSpec((EB, 16), lambda i: (i, 0)),
        out_shape=jax.ShapeDtypeStruct((EE, 16), jnp.float32),
    )(prod)


NB = 2000
EB2 = 2000


def _kscat_body(dst_ref, msg_ref, srow_ref, wv_ref, z_ref):
    j = pl.program_id(0)

    @pl.when(j == 0)
    def _():
        wv_ref[...] = jnp.zeros_like(wv_ref)
        z_ref[...] = jnp.zeros_like(z_ref)

    dstb = dst_ref[0, 0, :]
    msgb = msg_ref[...].astype(jnp.bfloat16)
    srb = srow_ref[...].astype(jnp.bfloat16)
    for nb in range(NN // NB):
        rows = lax.broadcasted_iota(jnp.int32, (NB, EB2), 0) + nb * NB
        oh = (rows == dstb[None, :]).astype(jnp.bfloat16)
        wv_ref[pl.ds(nb * NB, NB), :] += jnp.dot(
            oh, msgb, preferred_element_type=jnp.float32)
        z_ref[pl.ds(nb * NB, NB), :] += jnp.dot(
            oh, srb, preferred_element_type=jnp.float32)


def _kscat(dst3d, msg, srows):
    grid = (EE // EB2,)
    return pl.pallas_call(
        _kscat_body,
        grid=grid,
        in_specs=[
            pl.BlockSpec((1, 1, EB2), lambda j: (j, 0, 0)),
            pl.BlockSpec((EB2, DD), lambda j: (j, 0)),
            pl.BlockSpec((EB2, 16), lambda j: (j, 0)),
        ],
        out_specs=[
            pl.BlockSpec((NN, DD), lambda j: (0, 0)),
            pl.BlockSpec((NN, 16), lambda j: (0, 0)),
        ],
        out_shape=[
            jax.ShapeDtypeStruct((NN, DD), jnp.float32),
            jax.ShapeDtypeStruct((NN, 16), jnp.float32),
        ],
    )(dst3d, msg, srows)


def _ka_body(h_ref, wv_ref, z_ref, owt_ref, ob_ref, y_ref, s_ref, q_ref):
    i = pl.program_id(0)
    z = z_ref[...][:, :HH]
    zz = jnp.reshape(z, (RB, HH, 1)) + 1e-6
    ha = jnp.reshape(jnp.reshape(wv_ref[...], (RB, HH, DHH)) / zz, (RB, DD))
    y = h_ref[...] + jnp.dot(ha, owt_ref[...], preferred_element_type=jnp.float32) + ob_ref[...]
    y_ref[...] = y

    @pl.when(i == 0)
    def _():
        s_ref[...] = jnp.zeros_like(s_ref)
        q_ref[...] = jnp.zeros_like(q_ref)

    s_ref[...] += jnp.sum(y, axis=0, keepdims=True)
    q_ref[...] += jnp.sum(y * y, axis=0, keepdims=True)


def _ka(h, wv, z, owt, ob):
    grid = (NN // RB,)
    return pl.pallas_call(
        _ka_body,
        grid=grid,
        in_specs=[
            pl.BlockSpec((RB, DD), lambda i: (i, 0)),
            pl.BlockSpec((RB, DD), lambda i: (i, 0)),
            pl.BlockSpec((RB, 16), lambda i: (i, 0)),
            pl.BlockSpec((DD, DD), lambda i: (0, 0)),
            pl.BlockSpec((1, DD), lambda i: (0, 0)),
        ],
        out_specs=[
            pl.BlockSpec((RB, DD), lambda i: (i, 0)),
            pl.BlockSpec((1, DD), lambda i: (0, 0)),
            pl.BlockSpec((1, DD), lambda i: (0, 0)),
        ],
        out_shape=[
            jax.ShapeDtypeStruct((NN, DD), jnp.float32),
            jax.ShapeDtypeStruct((1, DD), jnp.float32),
            jax.ShapeDtypeStruct((1, DD), jnp.float32),
        ],
    )(h, wv, z, owt, ob)


def _kb_body(y_ref, s1_ref, q1_ref, g1w_ref, g1b_ref, w1t_ref, b1_ref,
             w2t_ref, b2_ref, g_ref, s_ref, q_ref):
    i = pl.program_id(0)
    m = s1_ref[...] / NN
    v = q1_ref[...] / NN - m * m
    h1 = (y_ref[...] - m) * jax.lax.rsqrt(v + 1e-5) * g1w_ref[...] + g1b_ref[...]
    f = jnp.maximum(jnp.dot(h1, w1t_ref[...], preferred_element_type=jnp.float32) + b1_ref[...], 0.0)
    g = h1 + jnp.dot(f, w2t_ref[...], preferred_element_type=jnp.float32) + b2_ref[...]
    g_ref[...] = g

    @pl.when(i == 0)
    def _():
        s_ref[...] = jnp.zeros_like(s_ref)
        q_ref[...] = jnp.zeros_like(q_ref)

    s_ref[...] += jnp.sum(g, axis=0, keepdims=True)
    q_ref[...] += jnp.sum(g * g, axis=0, keepdims=True)


def _kb(y, s1, q1, g1w, g1b, w1t, b1, w2t, b2):
    grid = (NN // RB,)
    return pl.pallas_call(
        _kb_body,
        grid=grid,
        in_specs=[
            pl.BlockSpec((RB, DD), lambda i: (i, 0)),
            pl.BlockSpec((1, DD), lambda i: (0, 0)),
            pl.BlockSpec((1, DD), lambda i: (0, 0)),
            pl.BlockSpec((1, DD), lambda i: (0, 0)),
            pl.BlockSpec((1, DD), lambda i: (0, 0)),
            pl.BlockSpec((DD, 2 * DD), lambda i: (0, 0)),
            pl.BlockSpec((1, 2 * DD), lambda i: (0, 0)),
            pl.BlockSpec((2 * DD, DD), lambda i: (0, 0)),
            pl.BlockSpec((1, DD), lambda i: (0, 0)),
        ],
        out_specs=[
            pl.BlockSpec((RB, DD), lambda i: (i, 0)),
            pl.BlockSpec((1, DD), lambda i: (0, 0)),
            pl.BlockSpec((1, DD), lambda i: (0, 0)),
        ],
        out_shape=[
            jax.ShapeDtypeStruct((NN, DD), jnp.float32),
            jax.ShapeDtypeStruct((1, DD), jnp.float32),
            jax.ShapeDtypeStruct((1, DD), jnp.float32),
        ],
    )(y, s1, q1, g1w, g1b, w1t, b1, w2t, b2)


def _kc_body(g_ref, s2_ref, q2_ref, g2w_ref, g2b_ref, o_ref):
    m = s2_ref[...] / NN
    v = q2_ref[...] / NN - m * m
    o_ref[...] = (g_ref[...] - m) * jax.lax.rsqrt(v + 1e-5) * g2w_ref[...] + g2b_ref[...]


def _kc(g, s2, q2, g2w, g2b):
    grid = (NN // RB,)
    return pl.pallas_call(
        _kc_body,
        grid=grid,
        in_specs=[
            pl.BlockSpec((RB, DD), lambda i: (i, 0)),
            pl.BlockSpec((1, DD), lambda i: (0, 0)),
            pl.BlockSpec((1, DD), lambda i: (0, 0)),
            pl.BlockSpec((1, DD), lambda i: (0, 0)),
            pl.BlockSpec((1, DD), lambda i: (0, 0)),
        ],
        out_specs=pl.BlockSpec((RB, DD), lambda i: (i, 0)),
        out_shape=jax.ShapeDtypeStruct((NN, DD), jnp.float32),
    )(g, s2, q2, g2w, g2b)


@jax.jit
def _run(h, edge_index, Wq, Wk, Wv, Ow, Ob, W1, b1, W2, b2, bn1_w, bn1_b, bn2_w, bn2_b):
    wqt = Wq.T
    wkt = Wk.T * np.float32(1.0 / np.sqrt(DHH))
    wvt = Wv.T
    Q, K, V = _qkv(h, wqt, wkt, wvt)

    src = edge_index[0].astype(jnp.int32)
    dst = edge_index[1].astype(jnp.int32)

    prod = _sc1(K, Q, src, dst)
    srows = _ks(prod)
    msg = _sc2g(V, src, srows)
    wv, z = _kscat(dst.reshape(EE // EB2, 1, EB2), msg, srows)

    y, s1, q1 = _ka(h, wv, z, Ow.T, Ob[None, :])
    g, s2, q2 = _kb(y, s1, q1, bn1_w[None, :], bn1_b[None, :],
                    W1.T, b1[None, :], W2.T, b2[None, :])
    return _kc(g, s2, q2, bn2_w[None, :], bn2_b[None, :])


def kernel(h, edge_index, Wq, Wk, Wv, Ow, Ob, W1, b1, W2, b2, bn1_w, bn1_b, bn2_w, bn2_b):
    return _run(h, edge_index, Wq, Wk, Wv, Ow, Ob, W1, b1, W2, b2,
                bn1_w, bn1_b, bn2_w, bn2_b)

# --- scband reference (transcript-rebuilt; emitter-appended) ---
"""Pipeline reference for scband-graph-transformer-layer-29824252903964 (READ-ONLY COPY).

The authoritative reference and input builder live on the scoring server;
editing this copy changes nothing except your own understanding.
"""

import jax, jax.numpy as jnp
import numpy as np

N = 10000
E = 160000
D = 256
H = 8
DH = D // H


def setup_inputs(seed: int = 0):
    key = jax.random.key(seed)
    ks = jax.random.split(key, 12)
    h = jax.random.normal(ks[0], (N, D), dtype=jnp.float32)
    edge_index = jax.random.randint(ks[1], (2, E), 0, N)
    s = 1.0 / np.sqrt(D)
    Wq = jax.random.normal(ks[2], (D, D), dtype=jnp.float32) * s
    Wk = jax.random.normal(ks[3], (D, D), dtype=jnp.float32) * s
    Wv = jax.random.normal(ks[4], (D, D), dtype=jnp.float32) * s
    Ow = jax.random.normal(ks[5], (D, D), dtype=jnp.float32) * s
    Ob = jnp.zeros((D,), dtype=jnp.float32)
    W1 = jax.random.normal(ks[6], (2 * D, D), dtype=jnp.float32) * s
    b1 = jnp.zeros((2 * D,), dtype=jnp.float32)
    W2 = jax.random.normal(ks[7], (D, 2 * D), dtype=jnp.float32) * (1.0 / np.sqrt(2 * D))
    b2 = jnp.zeros((D,), dtype=jnp.float32)
    bn1_w = jnp.ones((D,), dtype=jnp.float32)
    bn1_b = jnp.zeros((D,), dtype=jnp.float32)
    bn2_w = jnp.ones((D,), dtype=jnp.float32)
    bn2_b = jnp.zeros((D,), dtype=jnp.float32)
    return {"h": h, "edge_index": edge_index, "Wq": Wq, "Wk": Wk, "Wv": Wv,
            "Ow": Ow, "Ob": Ob, "W1": W1, "b1": b1, "W2": W2, "b2": b2,
            "bn1_w": bn1_w, "bn1_b": bn1_b, "bn2_w": bn2_w, "bn2_b": bn2_b}


def _bn(x, w, b):
    m = jnp.mean(x, axis=0)
    v = jnp.var(x, axis=0)
    return (x - m) / jnp.sqrt(v + 1e-5) * w + b


def reference(h, edge_index, Wq, Wk, Wv, Ow, Ob, W1, b1, W2, b2, bn1_w, bn1_b, bn2_w, bn2_b):
    n = h.shape[0]
    Q = (h @ Wq.T).reshape(n, H, DH)
    K = (h @ Wk.T).reshape(n, H, DH)
    V = (h @ Wv.T).reshape(n, H, DH)
    src = edge_index[0]
    dst = edge_index[1]
    # src_dot_dst: elementwise K_h[src] * Q_h[dst], then scale by sqrt(out_dim per head)
    score = (K[src] * Q[dst]) / jnp.sqrt(jnp.float32(DH))
    score_soft = jnp.exp(jnp.clip(jnp.sum(score, axis=-1, keepdims=True), -5.0, 5.0))
    msg = V[src] * score_soft
    wV = jax.ops.segment_sum(msg, dst, num_segments=n)
    z = jax.ops.segment_sum(score_soft, dst, num_segments=n)
    h_attn = (wV / (z + 1e-6)).reshape(n, D)
    # O projection + residual + batchnorm (training-mode batch stats)
    h1 = h_attn @ Ow.T + Ob
    h1 = h + h1
    h1 = _bn(h1, bn1_w, bn1_b)
    # FFN + residual + batchnorm
    h2 = jax.nn.relu(h1 @ W1.T + b1)
    h2 = h2 @ W2.T + b2
    h2 = h1 + h2
    h2 = _bn(h2, bn2_w, bn2_b)
    return h2

if __name__ == "__main__":
    import jax
    _d = setup_inputs()
    print(jax.jit(kernel)(*tuple(_d.values())))

</pallas_src>

<mosaic_0001>
#map = affine_map<(d0, d1) -> (0, 0)>
#map1 = affine_map<(d0, d1) -> (0)>
module attributes {stable_mosaic.version = 14 : i64} {
  func.func @_sc1_body(%arg0: i32, %arg1: i32, %arg2: memref<10000x256xf32, #tpu.memory_space<hbm>>, %arg3: memref<10000x256xf32, #tpu.memory_space<hbm>>, %arg4: memref<160000xi32, #tpu.memory_space<hbm>>, %arg5: memref<160000xi32, #tpu.memory_space<hbm>>, %arg6: memref<160000x256xf32, #tpu.memory_space<hbm>>, %arg7: memref<128x256xf32, #tpu.memory_space<vmem>>, %arg8: memref<128x256xf32, #tpu.memory_space<vmem>>, %arg9: memref<128xi32, #tpu.memory_space<vmem>>, %arg10: memref<128xi32, #tpu.memory_space<vmem>>, %arg11: memref<!tpu.dma_semaphore, #tpu.memory_space<semaphore_mem>>) attributes {dimension_semantics = [#tpu.dimension_semantics<core_parallel>, #tpu.dimension_semantics<subcore_parallel>], iteration_bounds = array<i64: 2, 16>, scalar_prefetch = 0 : i64, scratch_operands = 5 : i64, tpu.core_type = #tpu.core_type<sc_vector_subcore>, window_params = [{transform_indices = #map}, {transform_indices = #map}, {transform_indices = #map1}, {transform_indices = #map1}, {transform_indices = #map}]} {
    %mul3A = arith.constant 16 : i32
    %mul3A_0 = arith.muli %arg0, %mul3A : i32
    %add3A = arith.addi %mul3A_0, %arg1 : i32
    %lt3A = arith.constant 2 : i32
    %lt3A_1 = arith.cmpi slt, %add3A, %lt3A : i32
    %jit3A = arith.constant 1 : i32
    %jit3A_2 = arith.constant 0 : i32
    %select_n3A = arith.select %lt3A_1, %jit3A, %jit3A_2 : i32
    %add3A_3 = arith.constant 39 : i32
    %add3A_4 = arith.addi %add3A_3, %select_n3A : i32
    %while3A = arith.constant 0 : i32
    %while3A_5 = arith.constant 0 : i32
    %while3A_6 = arith.subi %add3A_4, %while3A : i32
    %while3A_7 = arith.addi %while3A, %while3A_6 : i32
    %while3A_8 = arith.constant 1 : i32
    %while3A_9 = arith.divsi %while3A_6, %while3A_8 : i32
    %while3A_10 = arith.muli %while3A_9, %while3A_8 : i32
    %while3A_11 = arith.addi %while3A, %while3A_10 : i32
    %while3A_12 = arith.constant 1 : i32
    %while3A_13 = scf.for %while3A_16 = %while3A to %while3A_11 step %while3A_12 iter_args(%while3A_17 = %while3A_5) -> (i32)  : i32 {
      %mul3A_18 = arith.constant 32 : i32
      %mul3A_19 = arith.muli %mul3A_18, %while3A_16 : i32
      %add3A_20 = arith.addi %add3A, %mul3A_19 : i32
      %mul3A_21 = arith.constant 128 : i32
      %mul3A_22 = arith.muli %add3A_20, %mul3A_21 : i32
      %multiple_of3A = tpu.assume_multiple %mul3A_22, 128 : i32
      "tpu.region"() ({
        %run_scoped3A = tpu.sem_alloc : memref<!tpu.dma_semaphore, #tpu.memory_space<semaphore_mem>>
        %dma_start3A_40 = tpu.memref_slice %arg4[%multiple_of3A] : memref<160000xi32, #tpu.memory_space<hbm>> -> memref<128xi32, #tpu.memory_space<hbm>>
        %dma_start3A_41 = tpu.memref_slice %arg4[%multiple_of3A] : memref<160000xi32, #tpu.memory_space<hbm>> -> memref<128xi32, #tpu.memory_space<hbm>>
        tpu.enqueue_dma source(%dma_start3A_41 : memref<128xi32, #tpu.memory_space<hbm>>) target(%arg9 : memref<128xi32, #tpu.memory_space<vmem>>) target_semaphore(%run_scoped3A : memref<!tpu.dma_semaphore, #tpu.memory_space<semaphore_mem>>)
        %dma_wait3A_42 = tpu.memref_slice %arg4[%multiple_of3A] : memref<160000xi32, #tpu.memory_space<hbm>> -> memref<128xi32, #tpu.memory_space<hbm>>
        %dma_wait3A_43 = tpu.memref_slice %arg4[%multiple_of3A] : memref<160000xi32, #tpu.memory_space<hbm>> -> memref<128xi32, #tpu.memory_space<hbm>>
        tpu.wait_dma2 semaphore(%run_scoped3A : memref<!tpu.dma_semaphore, #tpu.memory_space<semaphore_mem>>) src(%dma_wait3A_43 : memref<128xi32, #tpu.memory_space<hbm>>) dst(%arg9 : memref<128xi32, #tpu.memory_space<vmem>>)
        tpu.yield
      }) : () -> ()
      "tpu.region"() ({
        %run_scoped3A = tpu.sem_alloc : memref<!tpu.dma_semaphore, #tpu.memory_space<semaphore_mem>>
        %dma_start3A_40 = tpu.memref_slice %arg5[%multiple_of3A] : memref<160000xi32, #tpu.memory_space<hbm>> -> memref<128xi32, #tpu.memory_space<hbm>>
        %dma_start3A_41 = tpu.memref_slice %arg5[%multiple_of3A] : memref<160000xi32, #tpu.memory_space<hbm>> -> memref<128xi32, #tpu.memory_space<hbm>>
        tpu.enqueue_dma source(%dma_start3A_41 : memref<128xi32, #tpu.memory_space<hbm>>) target(%arg10 : memref<128xi32, #tpu.memory_space<vmem>>) target_semaphore(%run_scoped3A : memref<!tpu.dma_semaphore, #tpu.memory_space<semaphore_mem>>)
        %dma_wait3A_42 = tpu.memref_slice %arg5[%multiple_of3A] : memref<160000xi32, #tpu.memory_space<hbm>> -> memref<128xi32, #tpu.memory_space<hbm>>
        %dma_wait3A_43 = tpu.memref_slice %arg5[%multiple_of3A] : memref<160000xi32, #tpu.memory_space<hbm>> -> memref<128xi32, #tpu.memory_space<hbm>>
        tpu.wait_dma2 semaphore(%run_scoped3A : memref<!tpu.dma_semaphore, #tpu.memory_space<semaphore_mem>>) src(%dma_wait3A_43 : memref<128xi32, #tpu.memory_space<hbm>>) dst(%arg10 : memref<128xi32, #tpu.memory_space<vmem>>)
        tpu.yield
      }) : () -> ()
      %dma_start3A = arith.constant 0 : i32
      %dma_start3A_23 = arith.constant 0 : i32
      %dma_start3A_24 = tpu.memref_slice %arg2[%dma_start3A, %dma_start3A_23] : memref<10000x256xf32, #tpu.memory_space<hbm>> -> memref<10000x256xf32, #tpu.memory_space<hbm>>
      tpu.enqueue_indirect_dma source(%dma_start3A_24 : memref<10000x256xf32, #tpu.memory_space<hbm>>) target(%arg7 : memref<128x256xf32, #tpu.memory_space<vmem>>) offsets(%arg9 : memref<128xi32, #tpu.memory_space<vmem>>) semaphore(%arg11 : memref<!tpu.dma_semaphore, #tpu.memory_space<semaphore_mem>>)
      %dma_start3A_25 = arith.constant 0 : i32
      %dma_start3A_26 = arith.constant 0 : i32
      %dma_start3A_27 = tpu.memref_slice %arg3[%dma_start3A_25, %dma_start3A_26] : memref<10000x256xf32, #tpu.memory_space<hbm>> -> memref<10000x256xf32, #tpu.memory_space<hbm>>
      tpu.enqueue_indirect_dma source(%dma_start3A_27 : memref<10000x256xf32, #tpu.memory_space<hbm>>) target(%arg8 : memref<128x256xf32, #tpu.memory_space<vmem>>) offsets(%arg10 : memref<128xi32, #tpu.memory_space<vmem>>) semaphore(%arg11 : memref<!tpu.dma_semaphore, #tpu.memory_space<semaphore_mem>>)
      %dma_wait3A = arith.constant 0 : i32
      %dma_wait3A_28 = arith.constant 0 : i32
      %dma_wait3A_29 = tpu.memref_slice %arg2[%dma_wait3A, %dma_wait3A_28] : memref<10000x256xf32, #tpu.memory_space<hbm>> -> memref<10000x256xf32, #tpu.memory_space<hbm>>
      tpu.wait_indirect_dma semaphore(%arg11 : memref<!tpu.dma_semaphore, #tpu.memory_space<semaphore_mem>>) src(%dma_wait3A_29 : memref<10000x256xf32, #tpu.memory_space<hbm>>) dst(%arg7 : memref<128x256xf32, #tpu.memory_space<vmem>>)
      %dma_wait3A_30 = arith.constant 0 : i32
      %dma_wait3A_31 = arith.constant 0 : i32
      %dma_wait3A_32 = tpu.memref_slice %arg3[%dma_wait3A_30, %dma_wait3A_31] : memref<10000x256xf32, #tpu.memory_space<hbm>> -> memref<10000x256xf32, #tpu.memory_space<hbm>>
      tpu.wait_indirect_dma semaphore(%arg11 : memref<!tpu.dma_semaphore, #tpu.memory_space<semaphore_mem>>) src(%dma_wait3A_32 : memref<10000x256xf32, #tpu.memory_space<hbm>>) dst(%arg8 : memref<128x256xf32, #tpu.memory_space<vmem>>)
      %scan3A = arith.constant 0 : i32
      %scan3A_33 = arith.constant 0 : i32
      %scan3A_34 = arith.constant 128 : i32
      %scan3A_35 = arith.addi %scan3A_33, %scan3A_34 : i32
      %scan3A_36 = arith.constant 1 : i32
      %scan3A_37 = scf.for %scan3A_40 = %scan3A_33 to %scan3A_35 step %scan3A_36 iter_args(%scan3A_41 = %scan3A) -> (i32)  : i32 {
        %get3A = arith.index_cast %scan3A_40 : i32 to index
        %get3A_42 = arith.constant 0 : index
        %get3A_43 = tpu.vector_load %arg7[%get3A, %get3A_42] {strides = array<i32>} : memref<128x256xf32, #tpu.memory_space<vmem>>, vector<1x16xf32>,
        %get3A_44 = vector.shape_cast %get3A_43 : vector<1x16xf32> to vector<16xf32>
        %get3A_45 = arith.index_cast %scan3A_40 : i32 to index
        %get3A_46 = arith.constant 0 : index
        %get3A_47 = tpu.vector_load %arg8[%get3A_45, %get3A_46] {strides = array<i32>} : memref<128x256xf32, #tpu.memory_space<vmem>>, vector<1x16xf32>,
        %get3A_48 = vector.shape_cast %get3A_47 : vector<1x16xf32> to vector<16xf32>
        %mul3A_49 = arith.mulf %get3A_44, %get3A_48 : vector<16xf32>
        %swap3A = arith.index_cast %scan3A_40 : i32 to index
        %swap3A_50 = arith.constant 0 : index
        %swap3A_51 = tpu.vector_load %arg7[%swap3A, %swap3A_50] {strides = array<i32>} : memref<128x256xf32, #tpu.memory_space<vmem>>, vector<1x16xf32>,
        %swap3A_52 = vector.shape_cast %swap3A_51 : vector<1x16xf32> to vector<16xf32>
        %swap3A_53 = vector.shape_cast %mul3A_49 : vector<16xf32> to vector<1x16xf32>
        tpu.vector_store %arg7[%swap3A, %swap3A_50], %swap3A_53 {strides = array<i32>} : memref<128x256xf32, #tpu.memory_space<vmem>>, vector<1x16xf32>,
        %get3A_54 = arith.index_cast %scan3A_40 : i32 to index
        %get3A_55 = arith.constant 16 : index
        %get3A_56 = tpu.vector_load %arg7[%get3A_54, %get3A_55] {strides = array<i32>} : memref<128x256xf32, #tpu.memory_space<vmem>>, vector<1x16xf32>,
        %get3A_57 = vector.shape_cast %get3A_56 : vector<1x16xf32> to vector<16xf32>
        %get3A_58 = arith.index_cast %scan3A_40 : i32 to index
        %get3A_59 = arith.constant 16 : index
        %get3A_60 = tpu.vector_load %arg8[%get3A_58, %get3A_59] {strides = array<i32>} : memref<128x256xf32, #tpu.memory_space<vmem>>, vector<1x16xf32>,
        %get3A_61 = vector.shape_cast %get3A_60 : vector<1x16xf32> to vector<16xf32>
        %mul3A_62 = arith.mulf %get3A_57, %get3A_61 : vector<16xf32>
        %swap3A_63 = arith.index_cast %scan3A_40 : i32 to index
        %swap3A_64 = arith.constant 16 : index
        %swap3A_65 = tpu.vector_load %arg7[%swap3A_63, %swap3A_64] {strides = array<i32>} : memref<128x256xf32, #tpu.memory_space<vmem>>, vector<1x16xf32>,
        %swap3A_66 = vector.shape_cast %swap3A_65 : vector<1x16xf32> to vector<16xf32>
        %swap3A_67 = vector.shape_cast %mul3A_62 : vector<16xf32> to vector<1x16xf32>
        tpu.vector_store %arg7[%swap3A_63, %swap3A_64], %swap3A_67 {strides = array<i32>} : memref<128x256xf32, #tpu.memory_space<vmem>>, vector<1x16xf32>,
        %get3A_68 = arith.index_cast %scan3A_40 : i32 to index
        %get3A_69 = arith.constant 32 : index
        %get3A_70 = tpu.vector_load %arg7[%get3A_68, %get3A_69] {strides = array<i32>} : memref<128x256xf32, #tpu.memory_space<vmem>>, vector<1x16xf32>,
        %get3A_71 = vector.shape_cast %get3A_70 : vector<1x16xf32> to vector<16xf32>
        %get3A_72 = arith.index_cast %scan3A_40 : i32 to index
        %get3A_73 = arith.constant 32 : index
        %get3A_74 = tpu.vector_load %arg8[%get3A_72, %get3A_73] {strides = array<i32>} : memref<128x256xf32, #tpu.memory_space<vmem>>, vector<1x16xf32>,
        %get3A_75 = vector.shape_cast %get3A_74 : vector<1x16xf32> to vector<16xf32>
        %mul3A_76 = arith.mulf %get3A_71, %get3A_75 : vector<16xf32>
        %swap3A_77 = arith.index_cast %scan3A_40 : i32 to index
        %swap3A_78 = arith.constant 32 : index
        %swap3A_79 = tpu.vector_load %arg7[%swap3A_77, %swap3A_78] {strides = array<i32>} : memref<128x256xf32, #tpu.memory_space<vmem>>, vector<1x16xf32>,
        %swap3A_80 = vector.shape_cast %swap3A_79 : vector<1x16xf32> to vector<16xf32>
        %swap3A_81 = vector.shape_cast %mul3A_76 : vector<16xf32> to vector<1x16xf32>
        tpu.vector_store %arg7[%swap3A_77, %swap3A_78], %swap3A_81 {strides = array<i32>} : memref<128x256xf32, #tpu.memory_space<vmem>>, vector<1x16xf32>,
        %get3A_82 = arith.index_cast %scan3A_40 : i32 to index
        %get3A_83 = arith.constant 48 : index
        %get3A_84 = tpu.vector_load %arg7[%get3A_82, %get3A_83] {strides = array<i32>} : memref<128x256xf32, #tpu.memory_space<vmem>>, vector<1x16xf32>,
        %get3A_85 = vector.shape_cast %get3A_84 : vector<1x16xf32> to vector<16xf32>
        %get3A_86 = arith.index_cast %scan3A_40 : i32 to index
        %get3A_87 = arith.constant 48 : index
        %get3A_88 = tpu.vector_load %arg8[%get3A_86, %get3A_87] {strides = array<i32>} : memref<128x256xf32, #tpu.memory_space<vmem>>, vector<1x16xf32>,
        %get3A_89 = vector.shape_cast %get3A_88 : vector<1x16xf32> to vector<16xf32>
        %mul3A_90 = arith.mulf %get3A_85, %get3A_89 : vector<16xf32>
        %swap3A_91 = arith.index_cast %scan3A_40 : i32 to index
        %swap3A_92 = arith.constant 48 : index
        %swap3A_93 = tpu.vector_load %arg7[%swap3A_91, %swap3A_92] {strides = array<i32>} : memref<128x256xf32, #tpu.memory_space<vmem>>, vector<1x16xf32>,
        %swap3A_94 = vector.shape_cast %swap3A_93 : vector<1x16xf32> to vector<16xf32>
        %swap3A_95 = vector.shape_cast %mul3A_90 : vector<16xf32> to vector<1x16xf32>
        tpu.vector_store %arg7[%swap3A_91, %swap3A_92], %swap3A_95 {strides = array<i32>} : memref<128x256xf32, #tpu.memory_space<vmem>>, vector<1x16xf32>,
        %get3A_96 = arith.index_cast %scan3A_40 : i32 to index
        %get3A_97 = arith.constant 64 : index
        %get3A_98 = tpu.vector_load %arg7[%get3A_96, %get3A_97] {strides = array<i32>} : memref<128x256xf32, #tpu.memory_space<vmem>>, vector<1x16xf32>,
        %get3A_99 = vector.shape_cast %get3A_98 : vector<1x16xf32> to vector<16xf32>
        %get3A_100 = arith.index_cast %scan3A_40 : i32 to index
        %get3A_101 = arith.constant 64 : index
        %get3A_102 = tpu.vector_load %arg8[%get3A_100, %get3A_101] {strides = array<i32>} : memref<128x256xf32, #tpu.memory_space<vmem>>, vector<1x16xf32>,
        %get3A_103 = vector.shape_cast %get3A_102 : vector<1x16xf32> to vector<16xf32>
        %mul3A_104 = arith.mulf %get3A_99, %get3A_103 : vector<16xf32>
        %swap3A_105 = arith.index_cast %scan3A_40 : i32 to index
        %swap3A_106 = arith.constant 64 : index
        %swap3A_107 = tpu.vector_load %arg7[%swap3A_105, %swap3A_106] {strides = array<i32>} : memref<128x256xf32, #tpu.memory_space<vmem>>, vector<1x16xf32>,
        %swap3A_108 = vector.shape_cast %swap3A_107 : vector<1x16xf32> to vector<16xf32>
        %swap3A_109 = vector.shape_cast %mul3A_104 : vector<16xf32> to vector<1x16xf32>
        tpu.vector_store %arg7[%swap3A_105, %swap3A_106], %swap3A_109 {strides = array<i32>} : memref<128x256xf32, #tpu.memory_space<vmem>>, vector<1x16xf32>,
        %get3A_110 = arith.index_cast %scan3A_40 : i32 to index
        %get3A_111 = arith.constant 80 : index
        %get3A_112 = tpu.vector_load %arg7[%get3A_110, %get3A_111] {strides = array<i32>} : memref<128x256xf32, #tpu.memory_space<vmem>>, vector<1x16xf32>,
        %get3A_113 = vector.shape_cast %get3A_112 : vector<1x16xf32> to vector<16xf32>
        %get3A_114 = arith.index_cast %scan3A_40 : i32 to index
        %get3A_115 = arith.constant 80 : index
        %get3A_116 = tpu.vector_load %arg8[%get3A_114, %get3A_115] {strides = array<i32>} : memref<128x256xf32, #tpu.memory_space<vmem>>, vector<1x16xf32>,
        %get3A_117 = vector.shape_cast %get3A_116 : vector<1x16xf32> to vector<16xf32>
        %mul3A_118 = arith.mulf %get3A_113, %get3A_117 : vector<16xf32>
        %swap3A_119 = arith.index_cast %scan3A_40 : i32 to index
        %swap3A_120 = arith.constant 80 : index
        %swap3A_121 = tpu.vector_load %arg7[%swap3A_119, %swap3A_120] {strides = array<i32>} : memref<128x256xf32, #tpu.memory_space<vmem>>, vector<1x16xf32>,
        %swap3A_122 = vector.shape_cast %swap3A_121 : vector<1x16xf32> to vector<16xf32>
        %swap3A_123 = vector.shape_cast %mul3A_118 : vector<16xf32> to vector<1x16xf32>
        tpu.vector_store %arg7[%swap3A_119, %swap3A_120], %swap3A_123 {strides = array<i32>} : memref<128x256xf32, #tpu.memory_space<vmem>>, vector<1x16xf32>,
        %get3A_124 = arith.index_cast %scan3A_40 : i32 to index
        %get3A_125 = arith.constant 96 : index
        %get3A_126 = tpu.vector_load %arg7[%get3A_124, %get3A_125] {strides = array<i32>} : memref<128x256xf32, #tpu.memory_space<vmem>>, vector<1x16xf32>,
        %get3A_127 = vector.shape_cast %get3A_126 : vector<1x16xf32> to vector<16xf32>
        %get3A_128 = arith.index_cast %scan3A_40 : i32 to index
        %get3A_129 = arith.constant 96 : index
        %get3A_130 = tpu.vector_load %arg8[%get3A_128, %get3A_129] {strides = array<i32>} : memref<128x256xf32, #tpu.memory_space<vmem>>, vector<1x16xf32>,
        %get3A_131 = vector.shape_cast %get3A_130 : vector<1x16xf32> to vector<16xf32>
        %mul3A_132 = arith.mulf %get3A_127, %get3A_131 : vector<16xf32>
        %swap3A_133 = arith.index_cast %scan3A_40 : i32 to index
        %swap3A_134 = arith.constant 96 : index
        %swap3A_135 = tpu.vector_load %arg7[%swap3A_133, %swap3A_134] {strides = array<i32>} : memref<128x256xf32, #tpu.memory_space<vmem>>, vector<1x16xf32>,
        %swap3A_136 = vector.shape_cast %swap3A_135 : vector<1x16xf32> to vector<16xf32>
        %swap3A_137 = vector.shape_cast %mul3A_132 : vector<16xf32> to vector<1x16xf32>
        tpu.vector_store %arg7[%swap3A_133, %swap3A_134], %swap3A_137 {strides = array<i32>} : memref<128x256xf32, #tpu.memory_space<vmem>>, vector<1x16xf32>,
        %get3A_138 = arith.index_cast %scan3A_40 : i32 to index
        %get3A_139 = arith.constant 112 : index
        %get3A_140 = tpu.vector_load %arg7[%get3A_138, %get3A_139] {strides = array<i32>} : memref<128x256xf32, #tpu.memory_space<vmem>>, vector<1x16xf32>,
        %get3A_141 = vector.shape_cast %get3A_140 : vector<1x16xf32> to vector<16xf32>
        %get3A_142 = arith.index_cast %scan3A_40 : i32 to index
        %get3A_143 = arith.constant 112 : index
        %get3A_144 = tpu.vector_load %arg8[%get3A_142, %get3A_143] {strides = array<i32>} : memref<128x256xf32, #tpu.memory_space<vmem>>, vector<1x16xf32>,
        %get3A_145 = vector.shape_cast %get3A_144 : vector<1x16xf32> to vector<16xf32>
        %mul3A_146 = arith.mulf %get3A_141, %get3A_145 : vector<16xf32>
        %swap3A_147 = arith.index_cast %scan3A_40 : i32 to index
        %swap3A_148 = arith.constant 112 : index
        %swap3A_149 = tpu.vector_load %arg7[%swap3A_147, %swap3A_148] {strides = array<i32>} : memref<128x256xf32, #tpu.memory_space<vmem>>, vector<1x16xf32>,
        %swap3A_150 = vector.shape_cast %swap3A_149 : vector<1x16xf32> to vector<16xf32>
        %swap3A_151 = vector.shape_cast %mul3A_146 : vector<16xf32> to vector<1x16xf32>
        tpu.vector_store %arg7[%swap3A_147, %swap3A_148], %swap3A_151 {strides = array<i32>} : memref<128x256xf32, #tpu.memory_space<vmem>>, vector<1x16xf32>,
        %get3A_152 = arith.index_cast %scan3A_40 : i32 to index
        %get3A_153 = arith.constant 128 : index
        %get3A_154 = tpu.vector_load %arg7[%get3A_152, %get3A_153] {strides = array<i32>} : memref<128x256xf32, #tpu.memory_space<vmem>>, vector<1x16xf32>,
        %get3A_155 = vector.shape_cast %get3A_154 : vector<1x16xf32> to vector<16xf32>
        %get3A_156 = arith.index_cast %scan3A_40 : i32 to index
        %get3A_157 = arith.constant 128 : index
        %get3A_158 = tpu.vector_load %arg8[%get3A_156, %get3A_157] {strides = array<i32>} : memref<128x256xf32, #tpu.memory_space<vmem>>, vector<1x16xf32>,
        %get3A_159 = vector.shape_cast %get3A_158 : vector<1x16xf32> to vector<16xf32>
        %mul3A_160 = arith.mulf %get3A_155, %get3A_159 : vector<16xf32>
        %swap3A_161 = arith.index_cast %scan3A_40 : i32 to index
        %swap3A_162 = arith.constant 128 : index
        %swap3A_163 = tpu.vector_load %arg7[%swap3A_161, %swap3A_162] {strides = array<i32>} : memref<128x256xf32, #tpu.memory_space<vmem>>, vector<1x16xf32>,
        %swap3A_164 = vector.shape_cast %swap3A_163 : vector<1x16xf32> to vector<16xf32>
        %swap3A_165 = vector.shape_cast %mul3A_160 : vector<16xf32> to vector<1x16xf32>
        tpu.vector_store %arg7[%swap3A_161, %swap3A_162], %swap3A_165 {strides = array<i32>} : memref<128x256xf32, #tpu.memory_space<vmem>>, vector<1x16xf32>,
        %get3A_166 = arith.index_cast %scan3A_40 : i32 to index
        %get3A_167 = arith.constant 144 : index
        %get3A_168 = tpu.vector_load %arg7[%get3A_166, %get3A_167] {strides = array<i32>} : memref<128x256xf32, #tpu.memory_space<vmem>>, vector<1x16xf32>,
        %get3A_169 = vector.shape_cast %get3A_168 : vector<1x16xf32> to vector<16xf32>
        %get3A_170 = arith.index_cast %scan3A_40 : i32 to index
        %get3A_171 = arith.constant 144 : index
        %get3A_172 = tpu.vector_load %arg8[%get3A_170, %get3A_171] {strides = array<i32>} : memref<128x256xf32, #tpu.memory_space<vmem>>, vector<1x16xf32>,
        %get3A_173 = vector.shape_cast %get3A_172 : vector<1x16xf32> to vector<16xf32>
        %mul3A_174 = arith.mulf %get3A_169, %get3A_173 : vector<16xf32>
        %swap3A_175 = arith.index_cast %scan3A_40 : i32 to index
        %swap3A_176 = arith.constant 144 : index
        %swap3A_177 = tpu.vector_load %arg7[%swap3A_175, %swap3A_176] {strides = array<i32>} : memref<128x256xf32, #tpu.memory_space<vmem>>, vector<1x16xf32>,
        %swap3A_178 = vector.shape_cast %swap3A_177 : vector<1x16xf32> to vector<16xf32>
        %swap3A_179 = vector.shape_cast %mul3A_174 : vector<16xf32> to vector<1x16xf32>
        tpu.vector_store %arg7[%swap3A_175, %swap3A_176], %swap3A_179 {strides = array<i32>} : memref<128x256xf32, #tpu.memory_space<vmem>>, vector<1x16xf32>,
        %get3A_180 = arith.index_cast %scan3A_40 : i32 to index
        %get3A_181 = arith.constant 160 : index
        %get3A_182 = tpu.vector_load %arg7[%get3A_180, %get3A_181] {strides = array<i32>} : memref<128x256xf32, #tpu.memory_space<vmem>>, vector<1x16xf32>,
        %get3A_183 = vector.shape_cast %get3A_182 : vector<1x16xf32> to vector<16xf32>
        %get3A_184 = arith.index_cast %scan3A_40 : i32 to index
        %get3A_185 = arith.constant 160 : index
        %get3A_186 = tpu.vector_load %arg8[%get3A_184, %get3A_185] {strides = array<i32>} : memref<128x256xf32, #tpu.memory_space<vmem>>, vector<1x16xf32>,
        %get3A_187 = vector.shape_cast %get3A_186 : vector<1x16xf32> to vector<16xf32>
        %mul3A_188 = arith.mulf %get3A_183, %get3A_187 : vector<16xf32>
        %swap3A_189 = arith.index_cast %scan3A_40 : i32 to index
        %swap3A_190 = arith.constant 160 : index
        %swap3A_191 = tpu.vector_load %arg7[%swap3A_189, %swap3A_190] {strides = array<i32>} : memref<128x256xf32, #tpu.memory_space<vmem>>, vector<1x16xf32>,
        %swap3A_192 = vector.shape_cast %swap3A_191 : vector<1x16xf32> to vector<16xf32>
        %swap3A_193 = vector.shape_cast %mul3A_188 : vector<16xf32> to vector<1x16xf32>
        tpu.vector_store %arg7[%swap3A_189, %swap3A_190], %swap3A_193 {strides = array<i32>} : memref<128x256xf32, #tpu.memory_space<vmem>>, vector<1x16xf32>,
        %get3A_194 = arith.index_cast %scan3A_40 : i32 to index
        %get3A_195 = arith.constant 176 : index
        %get3A_196 = tpu.vector_load %arg7[%get3A_194, %get3A_195] {strides = array<i32>} : memref<128x256xf32, #tpu.memory_space<vmem>>, vector<1x16xf32>,
        %get3A_197 = vector.shape_cast %get3A_196 : vector<1x16xf32> to vector<16xf32>
        %get3A_198 = arith.index_cast %scan3A_40 : i32 to index
        %get3A_199 = arith.constant 176 : index
        %get3A_200 = tpu.vector_load %arg8[%get3A_198, %get3A_199] {strides = array<i32>} : memref<128x256xf32, #tpu.memory_space<vmem>>, vector<1x16xf32>,
        %get3A_201 = vector.shape_cast %get3A_200 : vector<1x16xf32> to vector<16xf32>
        %mul3A_202 = arith.mulf %get3A_197, %get3A_201 : vector<16xf32>
        %swap3A_203 = arith.index_cast %scan3A_40 : i32 to index
        %swap3A_204 = arith.constant 176 : index
        %swap3A_205 = tpu.vector_load %arg7[%swap3A_203, %swap3A_204] {strides = array<i32>} : memref<128x256xf32, #tpu.memory_space<vmem>>, vector<1x16xf32>,
        %swap3A_206 = vector.shape_cast %swap3A_205 : vector<1x16xf32> to vector<16xf32>
        %swap3A_207 = vector.shape_cast %mul3A_202 : vector<16xf32> to vector<1x16xf32>
        tpu.vector_store %arg7[%swap3A_203, %swap3A_204], %swap3A_207 {strides = array<i32>} : memref<128x256xf32, #tpu.memory_space<vmem>>, vector<1x16xf32>,
        %get3A_208 = arith.index_cast %scan3A_40 : i32 to index
        %get3A_209 = arith.constant 192 : index
        %get3A_210 = tpu.vector_load %arg7[%get3A_208, %get3A_209] {strides = array<i32>} : memref<128x256xf32, #tpu.memory_space<vmem>>, vector<1x16xf32>,
        %get3A_211 = vector.shape_cast %get3A_210 : vector<1x16xf32> to vector<16xf32>
        %get3A_212 = arith.index_cast %scan3A_40 : i32 to index
        %get3A_213 = arith.constant 192 : index
        %get3A_214 = tpu.vector_load %arg8[%get3A_212, %get3A_213] {strides = array<i32>} : memref<128x256xf32, #tpu.memory_space<vmem>>, vector<1x16xf32>,
        %get3A_215 = vector.shape_cast %get3A_214 : vector<1x16xf32> to vector<16xf32>
        %mul3A_216 = arith.mulf %get3A_211, %get3A_215 : vector<16xf32>
        %swap3A_217 = arith.index_cast %scan3A_40 : i32 to index
        %swap3A_218 = arith.constant 192 : index
        %swap3A_219 = tpu.vector_load %arg7[%swap3A_217, %swap3A_218] {strides = array<i32>} : memref<128x256xf32, #tpu.memory_space<vmem>>, vector<1x16xf32>,
        %swap3A_220 = vector.shape_cast %swap3A_219 : vector<1x16xf32> to vector<16xf32>
        %swap3A_221 = vector.shape_cast %mul3A_216 : vector<16xf32> to vector<1x16xf32>
        tpu.vector_store %arg7[%swap3A_217, %swap3A_218], %swap3A_221 {strides = array<i32>} : memref<128x256xf32, #tpu.memory_space<vmem>>, vector<1x16xf32>,
        %get3A_222 = arith.index_cast %scan3A_40 : i32 to index
        %get3A_223 = arith.constant 208 : index
        %get3A_224 = tpu.vector_load %arg7[%get3A_222, %get3A_223] {strides = array<i32>} : memref<128x256xf32, #tpu.memory_space<vmem>>, vector<1x16xf32>,
        %get3A_225 = vector.shape_cast %get3A_224 : vector<1x16xf32> to vector<16xf32>
        %get3A_226 = arith.index_cast %scan3A_40 : i32 to index
        %get3A_227 = arith.constant 208 : index
        %get3A_228 = tpu.vector_load %arg8[%get3A_226, %get3A_227] {strides = array<i32>} : memref<128x256xf32, #tpu.memory_space<vmem>>, vector<1x16xf32>,
        %get3A_229 = vector.shape_cast %get3A_228 : vector<1x16xf32> to vector<16xf32>
        %mul3A_230 = arith.mulf %get3A_225, %get3A_229 : vector<16xf32>
        %swap3A_231 = arith.index_cast %scan3A_40 : i32 to index
        %swap3A_232 = arith.constant 208 : index
        %swap3A_233 = tpu.vector_load %arg7[%swap3A_231, %swap3A_232] {strides = array<i32>} : memref<128x256xf32, #tpu.memory_space<vmem>>, vector<1x16xf32>,
        %swap3A_234 = vector.shape_cast %swap3A_233 : vector<1x16xf32> to vector<16xf32>
        %swap3A_235 = vector.shape_cast %mul3A_230 : vector<16xf32> to vector<1x16xf32>
        tpu.vector_store %arg7[%swap3A_231, %swap3A_232], %swap3A_235 {strides = array<i32>} : memref<128x256xf32, #tpu.memory_space<vmem>>, vector<1x16xf32>,
        %get3A_236 = arith.index_cast %scan3A_40 : i32 to index
        %get3A_237 = arith.constant 224 : index
        %get3A_238 = tpu.vector_load %arg7[%get3A_236, %get3A_237] {strides = array<i32>} : memref<128x256xf32, #tpu.memory_space<vmem>>, vector<1x16xf32>,
        %get3A_239 = vector.shape_cast %get3A_238 : vector<1x16xf32> to vector<16xf32>
        %get3A_240 = arith.index_cast %scan3A_40 : i32 to index
        %get3A_241 = arith.constant 224 : index
        %get3A_242 = tpu.vector_load %arg8[%get3A_240, %get3A_241] {strides = array<i32>} : memref<128x256xf32, #tpu.memory_space<vmem>>, vector<1x16xf32>,
        %get3A_243 = vector.shape_cast %get3A_242 : vector<1x16xf32> to vector<16xf32>
        %mul3A_244 = arith.mulf %get3A_239, %get3A_243 : vector<16xf32>
        %swap3A_245 = arith.index_cast %scan3A_40 : i32 to index
        %swap3A_246 = arith.constant 224 : index
        %swap3A_247 = tpu.vector_load %arg7[%swap3A_245, %swap3A_246] {strides = array<i32>} : memref<128x256xf32, #tpu.memory_space<vmem>>, vector<1x16xf32>,
        %swap3A_248 = vector.shape_cast %swap3A_247 : vector<1x16xf32> to vector<16xf32>
        %swap3A_249 = vector.shape_cast %mul3A_244 : vector<16xf32> to vector<1x16xf32>
        tpu.vector_store %arg7[%swap3A_245, %swap3A_246], %swap3A_249 {strides = array<i32>} : memref<128x256xf32, #tpu.memory_space<vmem>>, vector<1x16xf32>,
        %get3A_250 = arith.index_cast %scan3A_40 : i32 to index
        %get3A_251 = arith.constant 240 : index
        %get3A_252 = tpu.vector_load %arg7[%get3A_250, %get3A_251] {strides = array<i32>} : memref<128x256xf32, #tpu.memory_space<vmem>>, vector<1x16xf32>,
        %get3A_253 = vector.shape_cast %get3A_252 : vector<1x16xf32> to vector<16xf32>
        %get3A_254 = arith.index_cast %scan3A_40 : i32 to index
        %get3A_255 = arith.constant 240 : index
        %get3A_256 = tpu.vector_load %arg8[%get3A_254, %get3A_255] {strides = array<i32>} : memref<128x256xf32, #tpu.memory_space<vmem>>, vector<1x16xf32>,
        %get3A_257 = vector.shape_cast %get3A_256 : vector<1x16xf32> to vector<16xf32>
        %mul3A_258 = arith.mulf %get3A_253, %get3A_257 : vector<16xf32>
        %swap3A_259 = arith.index_cast %scan3A_40 : i32 to index
        %swap3A_260 = arith.constant 240 : index
        %swap3A_261 = tpu.vector_load %arg7[%swap3A_259, %swap3A_260] {strides = array<i32>} : memref<128x256xf32, #tpu.memory_space<vmem>>, vector<1x16xf32>,
        %swap3A_262 = vector.shape_cast %swap3A_261 : vector<1x16xf32> to vector<16xf32>
        %swap3A_263 = vector.shape_cast %mul3A_258 : vector<16xf32> to vector<1x16xf32>
        tpu.vector_store %arg7[%swap3A_259, %swap3A_260], %swap3A_263 {strides = array<i32>} : memref<128x256xf32, #tpu.memory_space<vmem>>, vector<1x16xf32>,
        %scan3A_264 = arith.constant 0 : i32
        scf.yield %scan3A_264 : i32
      }
      %scan3A_38 = arith.constant 128 : i32
      "tpu.region"() ({
        %run_scoped3A = tpu.sem_alloc : memref<!tpu.dma_semaphore, #tpu.memory_space<semaphore_mem>>
        %dma_start3A_40 = arith.constant 0 : i32
        %dma_start3A_41 = tpu.memref_slice %arg6[%multiple_of3A, %dma_start3A_40] : memref<160000x256xf32, #tpu.memory_space<hbm>> -> memref<128x256xf32, #tpu.memory_space<hbm>>
        %dma_start3A_42 = arith.constant 0 : i32
        %dma_start3A_43 = tpu.memref_slice %arg6[%multiple_of3A, %dma_start3A_42] : memref<160000x256xf32, #tpu.memory_space<hbm>> -> memref<128x256xf32, #tpu.memory_space<hbm>>
        tpu.enqueue_dma source(%arg7 : memref<128x256xf32, #tpu.memory_space<vmem>>) target(%dma_start3A_43 : memref<128x256xf32, #tpu.memory_space<hbm>>) target_semaphore(%run_scoped3A : memref<!tpu.dma_semaphore, #tpu.memory_space<semaphore_mem>>)
        %dma_wait3A_44 = arith.constant 0 : i32
        %dma_wait3A_45 = tpu.memref_slice %arg6[%multiple_of3A, %dma_wait3A_44] : memref<160000x256xf32, #tpu.memory_space<hbm>> -> memref<128x256xf32, #tpu.memory_space<hbm>>
        %dma_wait3A_46 = arith.constant 0 : i32
        %dma_wait3A_47 = tpu.memref_slice %arg6[%multiple_of3A, %dma_wait3A_46] : memref<160000x256xf32, #tpu.memory_space<hbm>> -> memref<128x256xf32, #tpu.memory_space<hbm>>
        tpu.wait_dma2 semaphore(%run_scoped3A : memref<!tpu.dma_semaphore, #tpu.memory_space<semaphore_mem>>) src(%arg7 : memref<128x256xf32, #tpu.memory_space<vmem>>) dst(%dma_wait3A_47 : memref<128x256xf32, #tpu.memory_space<hbm>>)
        tpu.yield
      }) : () -> ()
      %while3A_39 = arith.constant 0 : i32
      scf.yield %while3A_39 : i32
    }
    %while3A_14 = arith.constant 1 : i32
    %while3A_15 = scf.for %while3A_16 = %while3A_11 to %while3A_7 step %while3A_14 iter_args(%while3A_17 = %while3A_13) -> (i32)  : i32 {
      %mul3A_18 = arith.constant 32 : i32
      %mul3A_19 = arith.muli %mul3A_18, %while3A_16 : i32
      %add3A_20 = arith.addi %add3A, %mul3A_19 : i32
      %mul3A_21 = arith.constant 128 : i32
      %mul3A_22 = arith.muli %add3A_20, %mul3A_21 : i32
      %multiple_of3A = tpu.assume_multiple %mul3A_22, 128 : i32
      "tpu.region"() ({
        %run_scoped3A = tpu.sem_alloc : memref<!tpu.dma_semaphore, #tpu.memory_space<semaphore_mem>>
        %dma_start3A_40 = tpu.memref_slice %arg4[%multiple_of3A] : memref<160000xi32, #tpu.memory_space<hbm>> -> memref<128xi32, #tpu.memory_space<hbm>>
        %dma_start3A_41 = tpu.memref_slice %arg4[%multiple_of3A] : memref<160000xi32, #tpu.memory_space<hbm>> -> memref<128xi32, #tpu.memory_space<hbm>>
        tpu.enqueue_dma source(%dma_start3A_41 : memref<128xi32, #tpu.memory_space<hbm>>) target(%arg9 : memref<128xi32, #tpu.memory_space<vmem>>) target_semaphore(%run_scoped3A : memref<!tpu.dma_semaphore, #tpu.memory_space<semaphore_mem>>)
        %dma_wait3A_42 = tpu.memref_slice %arg4[%multiple_of3A] : memref<160000xi32, #tpu.memory_space<hbm>> -> memref<128xi32, #tpu.memory_space<hbm>>
        %dma_wait3A_43 = tpu.memref_slice %arg4[%multiple_of3A] : memref<160000xi32, #tpu.memory_space<hbm>> -> memref<128xi32, #tpu.memory_space<hbm>>
        tpu.wait_dma2 semaphore(%run_scoped3A : memref<!tpu.dma_semaphore, #tpu.memory_space<semaphore_mem>>) src(%dma_wait3A_43 : memref<128xi32, #tpu.memory_space<hbm>>) dst(%arg9 : memref<128xi32, #tpu.memory_space<vmem>>)
        tpu.yield
      }) : () -> ()
      "tpu.region"() ({
        %run_scoped3A = tpu.sem_alloc : memref<!tpu.dma_semaphore, #tpu.memory_space<semaphore_mem>>
        %dma_start3A_40 = tpu.memref_slice %arg5[%multiple_of3A] : memref<160000xi32, #tpu.memory_space<hbm>> -> memref<128xi32, #tpu.memory_space<hbm>>
        %dma_start3A_41 = tpu.memref_slice %arg5[%multiple_of3A] : memref<160000xi32, #tpu.memory_space<hbm>> -> memref<128xi32, #tpu.memory_space<hbm>>
        tpu.enqueue_dma source(%dma_start3A_41 : memref<128xi32, #tpu.memory_space<hbm>>) target(%arg10 : memref<128xi32, #tpu.memory_space<vmem>>) target_semaphore(%run_scoped3A : memref<!tpu.dma_semaphore, #tpu.memory_space<semaphore_mem>>)
        %dma_wait3A_42 = tpu.memref_slice %arg5[%multiple_of3A] : memref<160000xi32, #tpu.memory_space<hbm>> -> memref<128xi32, #tpu.memory_space<hbm>>
        %dma_wait3A_43 = tpu.memref_slice %arg5[%multiple_of3A] : memref<160000xi32, #tpu.memory_space<hbm>> -> memref<128xi32, #tpu.memory_space<hbm>>
        tpu.wait_dma2 semaphore(%run_scoped3A : memref<!tpu.dma_semaphore, #tpu.memory_space<semaphore_mem>>) src(%dma_wait3A_43 : memref<128xi32, #tpu.memory_space<hbm>>) dst(%arg10 : memref<128xi32, #tpu.memory_space<vmem>>)
        tpu.yield
      }) : () -> ()
      %dma_start3A = arith.constant 0 : i32
      %dma_start3A_23 = arith.constant 0 : i32
      %dma_start3A_24 = tpu.memref_slice %arg2[%dma_start3A, %dma_start3A_23] : memref<10000x256xf32, #tpu.memory_space<hbm>> -> memref<10000x256xf32, #tpu.memory_space<hbm>>
      tpu.enqueue_indirect_dma source(%dma_start3A_24 : memref<10000x256xf32, #tpu.memory_space<hbm>>) target(%arg7 : memref<128x256xf32, #tpu.memory_space<vmem>>) offsets(%arg9 : memref<128xi32, #tpu.memory_space<vmem>>) semaphore(%arg11 : memref<!tpu.dma_semaphore, #tpu.memory_space<semaphore_mem>>)
      %dma_start3A_25 = arith.constant 0 : i32
      %dma_start3A_26 = arith.constant 0 : i32
      %dma_start3A_27 = tpu.memref_slice %arg3[%dma_start3A_25, %dma_start3A_26] : memref<10000x256xf32, #tpu.memory_space<hbm>> -> memref<10000x256xf32, #tpu.memory_space<hbm>>
      tpu.enqueue_indirect_dma source(%dma_start3A_27 : memref<10000x256xf32, #tpu.memory_space<hbm>>) target(%arg8 : memref<128x256xf32, #tpu.memory_space<vmem>>) offsets(%arg10 : memref<128xi32, #tpu.memory_space<vmem>>) semaphore(%arg11 : memref<!tpu.dma_semaphore, #tpu.memory_space<semaphore_mem>>)
      %dma_wait3A = arith.constant 0 : i32
      %dma_wait3A_28 = arith.constant 0 : i32
      %dma_wait3A_29 = tpu.memref_slice %arg2[%dma_wait3A, %dma_wait3A_28] : memref<10000x256xf32, #tpu.memory_space<hbm>> -> memref<10000x256xf32, #tpu.memory_space<hbm>>
      tpu.wait_indirect_dma semaphore(%arg11 : memref<!tpu.dma_semaphore, #tpu.memory_space<semaphore_mem>>) src(%dma_wait3A_29 : memref<10000x256xf32, #tpu.memory_space<hbm>>) dst(%arg7 : memref<128x256xf32, #tpu.memory_space<vmem>>)
      %dma_wait3A_30 = arith.constant 0 : i32
      %dma_wait3A_31 = arith.constant 0 : i32
      %dma_wait3A_32 = tpu.memref_slice %arg3[%dma_wait3A_30, %dma_wait3A_31] : memref<10000x256xf32, #tpu.memory_space<hbm>> -> memref<10000x256xf32, #tpu.memory_space<hbm>>
      tpu.wait_indirect_dma semaphore(%arg11 : memref<!tpu.dma_semaphore, #tpu.memory_space<semaphore_mem>>) src(%dma_wait3A_32 : memref<10000x256xf32, #tpu.memory_space<hbm>>) dst(%arg8 : memref<128x256xf32, #tpu.memory_space<vmem>>)
      %scan3A = arith.constant 0 : i32
      %scan3A_33 = arith.constant 0 : i32
      %scan3A_34 = arith.constant 128 : i32
      %scan3A_35 = arith.addi %scan3A_33, %scan3A_34 : i32
      %scan3A_36 = arith.constant 1 : i32
      %scan3A_37 = scf.for %scan3A_40 = %scan3A_33 to %scan3A_35 step %scan3A_36 iter_args(%scan3A_41 = %scan3A) -> (i32)  : i32 {
        %get3A = arith.index_cast %scan3A_40 : i32 to index
        %get3A_42 = arith.constant 0 : index
        %get3A_43 = tpu.vector_load %arg7[%get3A, %get3A_42] {strides = array<i32>} : memref<128x256xf32, #tpu.memory_space<vmem>>, vector<1x16xf32>,
        %get3A_44 = vector.shape_cast %get3A_43 : vector<1x16xf32> to vector<16xf32>
        %get3A_45 = arith.index_cast %scan3A_40 : i32 to index
        %get3A_46 = arith.constant 0 : index
        %get3A_47 = tpu.vector_load %arg8[%get3A_45, %get3A_46] {strides = array<i32>} : memref<128x256xf32, #tpu.memory_space<vmem>>, vector<1x16xf32>,
        %get3A_48 = vector.shape_cast %get3A_47 : vector<1x16xf32> to vector<16xf32>
        %mul3A_49 = arith.mulf %get3A_44, %get3A_48 : vector<16xf32>
        %swap3A = arith.index_cast %scan3A_40 : i32 to index
        %swap3A_50 = arith.constant 0 : index
        %swap3A_51 = tpu.vector_load %arg7[%swap3A, %swap3A_50] {strides = array<i32>} : memref<128x256xf32, #tpu.memory_space<vmem>>, vector<1x16xf32>,
        %swap3A_52 = vector.shape_cast %swap3A_51 : vector<1x16xf32> to vector<16xf32>
        %swap3A_53 = vector.shape_cast %mul3A_49 : vector<16xf32> to vector<1x16xf32>
        tpu.vector_store %arg7[%swap3A, %swap3A_50], %swap3A_53 {strides = array<i32>} : memref<128x256xf32, #tpu.memory_space<vmem>>, vector<1x16xf32>,
        %get3A_54 = arith.index_cast %scan3A_40 : i32 to index
        %get3A_55 = arith.constant 16 : index
        %get3A_56 = tpu.vector_load %arg7[%get3A_54, %get3A_55] {strides = array<i32>} : memref<128x256xf32, #tpu.memory_space<vmem>>, vector<1x16xf32>,
        %get3A_57 = vector.shape_cast %get3A_56 : vector<1x16xf32> to vector<16xf32>
        %get3A_58 = arith.index_cast %scan3A_40 : i32 to index
        %get3A_59 = arith.constant 16 : index
        %get3A_60 = tpu.vector_load %arg8[%get3A_58, %get3A_59] {strides = array<i32>} : memref<128x256xf32, #tpu.memory_space<vmem>>, vector<1x16xf32>,
        %get3A_61 = vector.shape_cast %get3A_60 : vector<1x16xf32> to vector<16xf32>
        %mul3A_62 = arith.mulf %get3A_57, %get3A_61 : vector<16xf32>
        %swap3A_63 = arith.index_cast %scan3A_40 : i32 to index
        %swap3A_64 = arith.constant 16 : index
        %swap3A_65 = tpu.vector_load %arg7[%swap3A_63, %swap3A_64] {strides = array<i32>} : memref<128x256xf32, #tpu.memory_space<vmem>>, vector<1x16xf32>,
        %swap3A_66 = vector.shape_cast %swap3A_65 : vector<1x16xf32> to vector<16xf32>
        %swap3A_67 = vector.shape_cast %mul3A_62 : vector<16xf32> to vector<1x16xf32>
        tpu.vector_store %arg7[%swap3A_63, %swap3A_64], %swap3A_67 {strides = array<i32>} : memref<128x256xf32, #tpu.memory_space<vmem>>, vector<1x16xf32>,
        %get3A_68 = arith.index_cast %scan3A_40 : i32 to index
        %get3A_69 = arith.constant 32 : index
        %get3A_70 = tpu.vector_load %arg7[%get3A_68, %get3A_69] {strides = array<i32>} : memref<128x256xf32, #tpu.memory_space<vmem>>, vector<1x16xf32>,
        %get3A_71 = vector.shape_cast %get3A_70 : vector<1x16xf32> to vector<16xf32>
        %get3A_72 = arith.index_cast %scan3A_40 : i32 to index
        %get3A_73 = arith.constant 32 : index
        %get3A_74 = tpu.vector_load %arg8[%get3A_72, %get3A_73] {strides = array<i32>} : memref<128x256xf32, #tpu.memory_space<vmem>>, vector<1x16xf32>,
        %get3A_75 = vector.shape_cast %get3A_74 : vector<1x16xf32> to vector<16xf32>
        %mul3A_76 = arith.mulf %get3A_71, %get3A_75 : vector<16xf32>
        %swap3A_77 = arith.index_cast %scan3A_40 : i32 to index
        %swap3A_78 = arith.constant 32 : index
        %swap3A_79 = tpu.vector_load %arg7[%swap3A_77, %swap3A_78] {strides = array<i32>} : memref<128x256xf32, #tpu.memory_space<vmem>>, vector<1x16xf32>,
        %swap3A_80 = vector.shape_cast %swap3A_79 : vector<1x16xf32> to vector<16xf32>
        %swap3A_81 = vector.shape_cast %mul3A_76 : vector<16xf32> to vector<1x16xf32>
        tpu.vector_store %arg7[%swap3A_77, %swap3A_78], %swap3A_81 {strides = array<i32>} : memref<128x256xf32, #tpu.memory_space<vmem>>, vector<1x16xf32>,
        %get3A_82 = arith.index_cast %scan3A_40 : i32 to index
        %get3A_83 = arith.constant 48 : index
        %get3A_84 = tpu.vector_load %arg7[%get3A_82, %get3A_83] {strides = array<i32>} : memref<128x256xf32, #tpu.memory_space<vmem>>, vector<1x16xf32>,
        %get3A_85 = vector.shape_cast %get3A_84 : vector<1x16xf32> to vector<16xf32>
        %get3A_86 = arith.index_cast %scan3A_40 : i32 to index
        %get3A_87 = arith.constant 48 : index
        %get3A_88 = tpu.vector_load %arg8[%get3A_86, %get3A_87] {strides = array<i32>} : memref<128x256xf32, #tpu.memory_space<vmem>>, vector<1x16xf32>,
        %get3A_89 = vector.shape_cast %get3A_88 : vector<1x16xf32> to vector<16xf32>
        %mul3A_90 = arith.mulf %get3A_85, %get3A_89 : vector<16xf32>
        %swap3A_91 = arith.index_cast %scan3A_40 : i32 to index
        %swap3A_92 = arith.constant 48 : index
        %swap3A_93 = tpu.vector_load %arg7[%swap3A_91, %swap3A_92] {strides = array<i32>} : memref<128x256xf32, #tpu.memory_space<vmem>>, vector<1x16xf32>,
        %swap3A_94 = vector.shape_cast %swap3A_93 : vector<1x16xf32> to vector<16xf32>
        %swap3A_95 = vector.shape_cast %mul3A_90 : vector<16xf32> to vector<1x16xf32>
        tpu.vector_store %arg7[%swap3A_91, %swap3A_92], %swap3A_95 {strides = array<i32>} : memref<128x256xf32, #tpu.memory_space<vmem>>, vector<1x16xf32>,
        %get3A_96 = arith.index_cast %scan3A_40 : i32 to index
        %get3A_97 = arith.constant 64 : index
        %get3A_98 = tpu.vector_load %arg7[%get3A_96, %get3A_97] {strides = array<i32>} : memref<128x256xf32, #tpu.memory_space<vmem>>, vector<1x16xf32>,
        %get3A_99 = vector.shape_cast %get3A_98 : vector<1x16xf32> to vector<16xf32>
        %get3A_100 = arith.index_cast %scan3A_40 : i32 to index
        %get3A_101 = arith.constant 64 : index
        %get3A_102 = tpu.vector_load %arg8[%get3A_100, %get3A_101] {strides = array<i32>} : memref<128x256xf32, #tpu.memory_space<vmem>>, vector<1x16xf32>,
        %get3A_103 = vector.shape_cast %get3A_102 : vector<1x16xf32> to vector<16xf32>
        %mul3A_104 = arith.mulf %get3A_99, %get3A_103 : vector<16xf32>
        %swap3A_105 = arith.index_cast %scan3A_40 : i32 to index
        %swap3A_106 = arith.constant 64 : index
        %swap3A_107 = tpu.vector_load %arg7[%swap3A_105, %swap3A_106] {strides = array<i32>} : memref<128x256xf32, #tpu.memory_space<vmem>>, vector<1x16xf32>,
        %swap3A_108 = vector.shape_cast %swap3A_107 : vector<1x16xf32> to vector<16xf32>
        %swap3A_109 = vector.shape_cast %mul3A_104 : vector<16xf32> to vector<1x16xf32>
        tpu.vector_store %arg7[%swap3A_105, %swap3A_106], %swap3A_109 {strides = array<i32>} : memref<128x256xf32, #tpu.memory_space<vmem>>, vector<1x16xf32>,
        %get3A_110 = arith.index_cast %scan3A_40 : i32 to index
        %get3A_111 = arith.constant 80 : index
        %get3A_112 = tpu.vector_load %arg7[%get3A_110, %get3A_111] {strides = array<i32>} : memref<128x256xf32, #tpu.memory_space<vmem>>, vector<1x16xf32>,
        %get3A_113 = vector.shape_cast %get3A_112 : vector<1x16xf32> to vector<16xf32>
        %get3A_114 = arith.index_cast %scan3A_40 : i32 to index
        %get3A_115 = arith.constant 80 : index
        %get3A_116 = tpu.vector_load %arg8[%get3A_114, %get3A_115] {strides = array<i32>} : memref<128x256xf32, #tpu.memory_space<vmem>>, vector<1x16xf32>,
        %get3A_117 = vector.shape_cast %get3A_116 : vector<1x16xf32> to vector<16xf32>
        %mul3A_118 = arith.mulf %get3A_113, %get3A_117 : vector<16xf32>
        %swap3A_119 = arith.index_cast %scan3A_40 : i32 to index
        %swap3A_120 = arith.constant 80 : index
        %swap3A_121 = tpu.vector_load %arg7[%swap3A_119, %swap3A_120] {strides = array<i32>} : memref<128x256xf32, #tpu.memory_space<vmem>>, vector<1x16xf32>,
        %swap3A_122 = vector.shape_cast %swap3A_121 : vector<1x16xf32> to vector<16xf32>
        %swap3A_123 = vector.shape_cast %mul3A_118 : vector<16xf32> to vector<1x16xf32>
        tpu.vector_store %arg7[%swap3A_119, %swap3A_120], %swap3A_123 {strides = array<i32>} : memref<128x256xf32, #tpu.memory_space<vmem>>, vector<1x16xf32>,
        %get3A_124 = arith.index_cast %scan3A_40 : i32 to index
        %get3A_125 = arith.constant 96 : index
        %get3A_126 = tpu.vector_load %arg7[%get3A_124, %get3A_125] {strides = array<i32>} : memref<128x256xf32, #tpu.memory_space<vmem>>, vector<1x16xf32>,
        %get3A_127 = vector.shape_cast %get3A_126 : vector<1x16xf32> to vector<16xf32>
        %get3A_128 = arith.index_cast %scan3A_40 : i32 to index
        %get3A_129 = arith.constant 96 : index
        %get3A_130 = tpu.vector_load %arg8[%get3A_128, %get3A_129] {strides = array<i32>} : memref<128x256xf32, #tpu.memory_space<vmem>>, vector<1x16xf32>,
        %get3A_131 = vector.shape_cast %get3A_130 : vector<1x16xf32> to vector<16xf32>
        %mul3A_132 = arith.mulf %get3A_127, %get3A_131 : vector<16xf32>
        %swap3A_133 = arith.index_cast %scan3A_40 : i32 to index
        %swap3A_134 = arith.constant 96 : index
        %swap3A_135 = tpu.vector_load %arg7[%swap3A_133, %swap3A_134] {strides = array<i32>} : memref<128x256xf32, #tpu.memory_space<vmem>>, vector<1x16xf32>,
        %swap3A_136 = vector.shape_cast %swap3A_135 : vector<1x16xf32> to vector<16xf32>
        %swap3A_137 = vector.shape_cast %mul3A_132 : vector<16xf32> to vector<1x16xf32>
        tpu.vector_store %arg7[%swap3A_133, %swap3A_134], %swap3A_137 {strides = array<i32>} : memref<128x256xf32, #tpu.memory_space<vmem>>, vector<1x16xf32>,
        %get3A_138 = arith.index_cast %scan3A_40 : i32 to index
        %get3A_139 = arith.constant 112 : index
        %get3A_140 = tpu.vector_load %arg7[%get3A_138, %get3A_139] {strides = array<i32>} : memref<128x256xf32, #tpu.memory_space<vmem>>, vector<1x16xf32>,
        %get3A_141 = vector.shape_cast %get3A_140 : vector<1x16xf32> to vector<16xf32>
        %get3A_142 = arith.index_cast %scan3A_40 : i32 to index
        %get3A_143 = arith.constant 112 : index
        %get3A_144 = tpu.vector_load %arg8[%get3A_142, %get3A_143] {strides = array<i32>} : memref<128x256xf32, #tpu.memory_space<vmem>>, vector<1x16xf32>,
        %get3A_145 = vector.shape_cast %get3A_144 : vector<1x16xf32> to vector<16xf32>
        %mul3A_146 = arith.mulf %get3A_141, %get3A_145 : vector<16xf32>
        %swap3A_147 = arith.index_cast %scan3A_40 : i32 to index
        %swap3A_148 = arith.constant 112 : index
        %swap3A_149 = tpu.vector_load %arg7[%swap3A_147, %swap3A_148] {strides = array<i32>} : memref<128x256xf32, #tpu.memory_space<vmem>>, vector<1x16xf32>,
        %swap3A_150 = vector.shape_cast %swap3A_149 : vector<1x16xf32> to vector<16xf32>
        %swap3A_151 = vector.shape_cast %mul3A_146 : vector<16xf32> to vector<1x16xf32>
        tpu.vector_store %arg7[%swap3A_147, %swap3A_148], %swap3A_151 {strides = array<i32>} : memref<128x256xf32, #tpu.memory_space<vmem>>, vector<1x16xf32>,
        %get3A_152 = arith.index_cast %scan3A_40 : i32 to index
        %get3A_153 = arith.constant 128 : index
        %get3A_154 = tpu.vector_load %arg7[%get3A_152, %get3A_153] {strides = array<i32>} : memref<128x256xf32, #tpu.memory_space<vmem>>, vector<1x16xf32>,
        %get3A_155 = vector.shape_cast %get3A_154 : vector<1x16xf32> to vector<16xf32>
        %get3A_156 = arith.index_cast %scan3A_40 : i32 to index
        %get3A_157 = arith.constant 128 : index
        %get3A_158 = tpu.vector_load %arg8[%get3A_156, %get3A_157] {strides = array<i32>} : memref<128x256xf32, #tpu.memory_space<vmem>>, vector<1x16xf32>,
        %get3A_159 = vector.shape_cast %get3A_158 : vector<1x16xf32> to vector<16xf32>
        %mul3A_160 = arith.mulf %get3A_155, %get3A_159 : vector<16xf32>
        %swap3A_161 = arith.index_cast %scan3A_40 : i32 to index
        %swap3A_162 = arith.constant 128 : index
        %swap3A_163 = tpu.vector_load %arg7[%swap3A_161, %swap3A_162] {strides = array<i32>} : memref<128x256xf32, #tpu.memory_space<vmem>>, vector<1x16xf32>,
        %swap3A_164 = vector.shape_cast %swap3A_163 : vector<1x16xf32> to vector<16xf32>
        %swap3A_165 = vector.shape_cast %mul3A_160 : vector<16xf32> to vector<1x16xf32>
        tpu.vector_store %arg7[%swap3A_161, %swap3A_162], %swap3A_165 {strides = array<i32>} : memref<128x256xf32, #tpu.memory_space<vmem>>, vector<1x16xf32>,
        %get3A_166 = arith.index_cast %scan3A_40 : i32 to index
        %get3A_167 = arith.constant 144 : index
        %get3A_168 = tpu.vector_load %arg7[%get3A_166, %get3A_167] {strides = array<i32>} : memref<128x256xf32, #tpu.memory_space<vmem>>, vector<1x16xf32>,
        %get3A_169 = vector.shape_cast %get3A_168 : vector<1x16xf32> to vector<16xf32>
        %get3A_170 = arith.index_cast %scan3A_40 : i32 to index
        %get3A_171 = arith.constant 144 : index
        %get3A_172 = tpu.vector_load %arg8[%get3A_170, %get3A_171] {strides = array<i32>} : memref<128x256xf32, #tpu.memory_space<vmem>>, vector<1x16xf32>,
        %get3A_173 = vector.shape_cast %get3A_172 : vector<1x16xf32> to vector<16xf32>
        %mul3A_174 = arith.mulf %get3A_169, %get3A_173 : vector<16xf32>
        %swap3A_175 = arith.index_cast %scan3A_40 : i32 to index
        %swap3A_176 = arith.constant 144 : index
        %swap3A_177 = tpu.vector_load %arg7[%swap3A_175, %swap3A_176] {strides = array<i32>} : memref<128x256xf32, #tpu.memory_space<vmem>>, vector<1x16xf32>,
        %swap3A_178 = vector.shape_cast %swap3A_177 : vector<1x16xf32> to vector<16xf32>
        %swap3A_179 = vector.shape_cast %mul3A_174 : vector<16xf32> to vector<1x16xf32>
        tpu.vector_store %arg7[%swap3A_175, %swap3A_176], %swap3A_179 {strides = array<i32>} : memref<128x256xf32, #tpu.memory_space<vmem>>, vector<1x16xf32>,
        %get3A_180 = arith.index_cast %scan3A_40 : i32 to index
        %get3A_181 = arith.constant 160 : index
        %get3A_182 = tpu.vector_load %arg7[%get3A_180, %get3A_181] {strides = array<i32>} : memref<128x256xf32, #tpu.memory_space<vmem>>, vector<1x16xf32>,
        %get3A_183 = vector.shape_cast %get3A_182 : vector<1x16xf32> to vector<16xf32>
        %get3A_184 = arith.index_cast %scan3A_40 : i32 to index
        %get3A_185 = arith.constant 160 : index
        %get3A_186 = tpu.vector_load %arg8[%get3A_184, %get3A_185] {strides = array<i32>} : memref<128x256xf32, #tpu.memory_space<vmem>>, vector<1x16xf32>,
        %get3A_187 = vector.shape_cast %get3A_186 : vector<1x16xf32> to vector<16xf32>
        %mul3A_188 = arith.mulf %get3A_183, %get3A_187 : vector<16xf32>
        %swap3A_189 = arith.index_cast %scan3A_40 : i32 to index
        %swap3A_190 = arith.constant 160 : index
        %swap3A_191 = tpu.vector_load %arg7[%swap3A_189, %swap3A_190] {strides = array<i32>} : memref<128x256xf32, #tpu.memory_space<vmem>>, vector<1x16xf32>,
        %swap3A_192 = vector.shape_cast %swap3A_191 : vector<1x16xf32> to vector<16xf32>
        %swap3A_193 = vector.shape_cast %mul3A_188 : vector<16xf32> to vector<1x16xf32>
        tpu.vector_store %arg7[%swap3A_189, %swap3A_190], %swap3A_193 {strides = array<i32>} : memref<128x256xf32, #tpu.memory_space<vmem>>, vector<1x16xf32>,
        %get3A_194 = arith.index_cast %scan3A_40 : i32 to index
        %get3A_195 = arith.constant 176 : index
        %get3A_196 = tpu.vector_load %arg7[%get3A_194, %get3A_195] {strides = array<i32>} : memref<128x256xf32, #tpu.memory_space<vmem>>, vector<1x16xf32>,
        %get3A_197 = vector.shape_cast %get3A_196 : vector<1x16xf32> to vector<16xf32>
        %get3A_198 = arith.index_cast %scan3A_40 : i32 to index
        %get3A_199 = arith.constant 176 : index
        %get3A_200 = tpu.vector_load %arg8[%get3A_198, %get3A_199] {strides = array<i32>} : memref<128x256xf32, #tpu.memory_space<vmem>>, vector<1x16xf32>,
        %get3A_201 = vector.shape_cast %get3A_200 : vector<1x16xf32> to vector<16xf32>
        %mul3A_202 = arith.mulf %get3A_197, %get3A_201 : vector<16xf32>
        %swap3A_203 = arith.index_cast %scan3A_40 : i32 to index
        %swap3A_204 = arith.constant 176 : index
        %swap3A_205 = tpu.vector_load %arg7[%swap3A_203, %swap3A_204] {strides = array<i32>} : memref<128x256xf32, #tpu.memory_space<vmem>>, vector<1x16xf32>,
        %swap3A_206 = vector.shape_cast %swap3A_205 : vector<1x16xf32> to vector<16xf32>
        %swap3A_207 = vector.shape_cast %mul3A_202 : vector<16xf32> to vector<1x16xf32>
        tpu.vector_store %arg7[%swap3A_203, %swap3A_204], %swap3A_207 {strides = array<i32>} : memref<128x256xf32, #tpu.memory_space<vmem>>, vector<1x16xf32>,
        %get3A_208 = arith.index_cast %scan3A_40 : i32 to index
        %get3A_209 = arith.constant 192 : index
        %get3A_210 = tpu.vector_load %arg7[%get3A_208, %get3A_209] {strides = array<i32>} : memref<128x256xf32, #tpu.memory_space<vmem>>, vector<1x16xf32>,
        %get3A_211 = vector.shape_cast %get3A_210 : vector<1x16xf32> to vector<16xf32>
        %get3A_212 = arith.index_cast %scan3A_40 : i32 to index
        %get3A_213 = arith.constant 192 : index
        %get3A_214 = tpu.vector_load %arg8[%get3A_212, %get3A_213] {strides = array<i32>} : memref<128x256xf32, #tpu.memory_space<vmem>>, vector<1x16xf32>,
        %get3A_215 = vector.shape_cast %get3A_214 : vector<1x16xf32> to vector<16xf32>
        %mul3A_216 = arith.mulf %get3A_211, %get3A_215 : vector<16xf32>
        %swap3A_217 = arith.index_cast %scan3A_40 : i32 to index
        %swap3A_218 = arith.constant 192 : index
        %swap3A_219 = tpu.vector_load %arg7[%swap3A_217, %swap3A_218] {strides = array<i32>} : memref<128x256xf32, #tpu.memory_space<vmem>>, vector<1x16xf32>,
        %swap3A_220 = vector.shape_cast %swap3A_219 : vector<1x16xf32> to vector<16xf32>
        %swap3A_221 = vector.shape_cast %mul3A_216 : vector<16xf32> to vector<1x16xf32>
        tpu.vector_store %arg7[%swap3A_217, %swap3A_218], %swap3A_221 {strides = array<i32>} : memref<128x256xf32, #tpu.memory_space<vmem>>, vector<1x16xf32>,
        %get3A_222 = arith.index_cast %scan3A_40 : i32 to index
        %get3A_223 = arith.constant 208 : index
        %get3A_224 = tpu.vector_load %arg7[%get3A_222, %get3A_223] {strides = array<i32>} : memref<128x256xf32, #tpu.memory_space<vmem>>, vector<1x16xf32>,
        %get3A_225 = vector.shape_cast %get3A_224 : vector<1x16xf32> to vector<16xf32>
        %get3A_226 = arith.index_cast %scan3A_40 : i32 to index
        %get3A_227 = arith.constant 208 : index
        %get3A_228 = tpu.vector_load %arg8[%get3A_226, %get3A_227] {strides = array<i32>} : memref<128x256xf32, #tpu.memory_space<vmem>>, vector<1x16xf32>,
        %get3A_229 = vector.shape_cast %get3A_228 : vector<1x16xf32> to vector<16xf32>
        %mul3A_230 = arith.mulf %get3A_225, %get3A_229 : vector<16xf32>
        %swap3A_231 = arith.index_cast %scan3A_40 : i32 to index
        %swap3A_232 = arith.constant 208 : index
        %swap3A_233 = tpu.vector_load %arg7[%swap3A_231, %swap3A_232] {strides = array<i32>} : memref<128x256xf32, #tpu.memory_space<vmem>>, vector<1x16xf32>,
        %swap3A_234 = vector.shape_cast %swap3A_233 : vector<1x16xf32> to vector<16xf32>
        %swap3A_235 = vector.shape_cast %mul3A_230 : vector<16xf32> to vector<1x16xf32>
        tpu.vector_store %arg7[%swap3A_231, %swap3A_232], %swap3A_235 {strides = array<i32>} : memref<128x256xf32, #tpu.memory_space<vmem>>, vector<1x16xf32>,
        %get3A_236 = arith.index_cast %scan3A_40 : i32 to index
        %get3A_237 = arith.constant 224 : index
        %get3A_238 = tpu.vector_load %arg7[%get3A_236, %get3A_237] {strides = array<i32>} : memref<128x256xf32, #tpu.memory_space<vmem>>, vector<1x16xf32>,
        %get3A_239 = vector.shape_cast %get3A_238 : vector<1x16xf32> to vector<16xf32>
        %get3A_240 = arith.index_cast %scan3A_40 : i32 to index
        %get3A_241 = arith.constant 224 : index
        %get3A_242 = tpu.vector_load %arg8[%get3A_240, %get3A_241] {strides = array<i32>} : memref<128x256xf32, #tpu.memory_space<vmem>>, vector<1x16xf32>,
        %get3A_243 = vector.shape_cast %get3A_242 : vector<1x16xf32> to vector<16xf32>
        %mul3A_244 = arith.mulf %get3A_239, %get3A_243 : vector<16xf32>
        %swap3A_245 = arith.index_cast %scan3A_40 : i32 to index
        %swap3A_246 = arith.constant 224 : index
        %swap3A_247 = tpu.vector_load %arg7[%swap3A_245, %swap3A_246] {strides = array<i32>} : memref<128x256xf32, #tpu.memory_space<vmem>>, vector<1x16xf32>,
        %swap3A_248 = vector.shape_cast %swap3A_247 : vector<1x16xf32> to vector<16xf32>
        %swap3A_249 = vector.shape_cast %mul3A_244 : vector<16xf32> to vector<1x16xf32>
        tpu.vector_store %arg7[%swap3A_245, %swap3A_246], %swap3A_249 {strides = array<i32>} : memref<128x256xf32, #tpu.memory_space<vmem>>, vector<1x16xf32>,
        %get3A_250 = arith.index_cast %scan3A_40 : i32 to index
        %get3A_251 = arith.constant 240 : index
        %get3A_252 = tpu.vector_load %arg7[%get3A_250, %get3A_251] {strides = array<i32>} : memref<128x256xf32, #tpu.memory_space<vmem>>, vector<1x16xf32>,
        %get3A_253 = vector.shape_cast %get3A_252 : vector<1x16xf32> to vector<16xf32>
        %get3A_254 = arith.index_cast %scan3A_40 : i32 to index
        %get3A_255 = arith.constant 240 : index
        %get3A_256 = tpu.vector_load %arg8[%get3A_254, %get3A_255] {strides = array<i32>} : memref<128x256xf32, #tpu.memory_space<vmem>>, vector<1x16xf32>,
        %get3A_257 = vector.shape_cast %get3A_256 : vector<1x16xf32> to vector<16xf32>
        %mul3A_258 = arith.mulf %get3A_253, %get3A_257 : vector<16xf32>
        %swap3A_259 = arith.index_cast %scan3A_40 : i32 to index
        %swap3A_260 = arith.constant 240 : index
        %swap3A_261 = tpu.vector_load %arg7[%swap3A_259, %swap3A_260] {strides = array<i32>} : memref<128x256xf32, #tpu.memory_space<vmem>>, vector<1x16xf32>,
        %swap3A_262 = vector.shape_cast %swap3A_261 : vector<1x16xf32> to vector<16xf32>
        %swap3A_263 = vector.shape_cast %mul3A_258 : vector<16xf32> to vector<1x16xf32>
        tpu.vector_store %arg7[%swap3A_259, %swap3A_260], %swap3A_263 {strides = array<i32>} : memref<128x256xf32, #tpu.memory_space<vmem>>, vector<1x16xf32>,
        %scan3A_264 = arith.constant 0 : i32
        scf.yield %scan3A_264 : i32
      }
      %scan3A_38 = arith.constant 128 : i32
      "tpu.region"() ({
        %run_scoped3A = tpu.sem_alloc : memref<!tpu.dma_semaphore, #tpu.memory_space<semaphore_mem>>
        %dma_start3A_40 = arith.constant 0 : i32
        %dma_start3A_41 = tpu.memref_slice %arg6[%multiple_of3A, %dma_start3A_40] : memref<160000x256xf32, #tpu.memory_space<hbm>> -> memref<128x256xf32, #tpu.memory_space<hbm>>
        %dma_start3A_42 = arith.constant 0 : i32
        %dma_start3A_43 = tpu.memref_slice %arg6[%multiple_of3A, %dma_start3A_42] : memref<160000x256xf32, #tpu.memory_space<hbm>> -> memref<128x256xf32, #tpu.memory_space<hbm>>
        tpu.enqueue_dma source(%arg7 : memref<128x256xf32, #tpu.memory_space<vmem>>) target(%dma_start3A_43 : memref<128x256xf32, #tpu.memory_space<hbm>>) target_semaphore(%run_scoped3A : memref<!tpu.dma_semaphore, #tpu.memory_space<semaphore_mem>>)
        %dma_wait3A_44 = arith.constant 0 : i32
        %dma_wait3A_45 = tpu.memref_slice %arg6[%multiple_of3A, %dma_wait3A_44] : memref<160000x256xf32, #tpu.memory_space<hbm>> -> memref<128x256xf32, #tpu.memory_space<hbm>>
        %dma_wait3A_46 = arith.constant 0 : i32
        %dma_wait3A_47 = tpu.memref_slice %arg6[%multiple_of3A, %dma_wait3A_46] : memref<160000x256xf32, #tpu.memory_space<hbm>> -> memref<128x256xf32, #tpu.memory_space<hbm>>
        tpu.wait_dma2 semaphore(%run_scoped3A : memref<!tpu.dma_semaphore, #tpu.memory_space<semaphore_mem>>) src(%arg7 : memref<128x256xf32, #tpu.memory_space<vmem>>) dst(%dma_wait3A_47 : memref<128x256xf32, #tpu.memory_space<hbm>>)
        tpu.yield
      }) : () -> ()
      %while3A_39 = arith.constant 0 : i32
      scf.yield %while3A_39 : i32
    }
    return
  }
}

#map = affine_map<(d0, d1) -> (0, 0)>
#map1 = affine_map<(d0, d1) -> (0)>
module attributes {stable_mosaic.version = 14 : i64} {
  func.func @_sc2g_body(%arg0: i32, %arg1: i32, %arg2: memref<10000x256xf32, #tpu.memory_space<hbm>>, %arg3: memref<160000xi32, #tpu.memory_space<hbm>>, %arg4: memref<160000x16xf32, #tpu.memory_space<hbm>>, %arg5: memref<160000x256xf32, #tpu.memory_space<hbm>>, %arg6: memref<128x256xf32, #tpu.memory_space<vmem>>, %arg7: memref<128x16xf32, #tpu.memory_space<vmem>>, %arg8: memref<128xi32, #tpu.memory_space<vmem>>, %arg9: memref<!tpu.dma_semaphore, #tpu.memory_space<semaphore_mem>>) attributes {dimension_semantics = [#tpu.dimension_semantics<core_parallel>, #tpu.dimension_semantics<subcore_parallel>], iteration_bounds = array<i64: 2, 16>, scalar_prefetch = 0 : i64, scratch_operands = 4 : i64, tpu.core_type = #tpu.core_type<sc_vector_subcore>, window_params = [{transform_indices = #map}, {transform_indices = #map1}, {transform_indices = #map}, {transform_indices = #map}]} {
    %mul3A = arith.constant 16 : i32
    %mul3A_0 = arith.muli %arg0, %mul3A : i32
    %add3A = arith.addi %mul3A_0, %arg1 : i32
    %lt3A = arith.constant 2 : i32
    %lt3A_1 = arith.cmpi slt, %add3A, %lt3A : i32
    %jit3A = arith.constant 1 : i32
    %jit3A_2 = arith.constant 0 : i32
    %select_n3A = arith.select %lt3A_1, %jit3A, %jit3A_2 : i32
    %add3A_3 = arith.constant 39 : i32
    %add3A_4 = arith.addi %add3A_3, %select_n3A : i32
    %while3A = arith.constant 0 : i32
    %while3A_5 = arith.constant 0 : i32
    %while3A_6 = arith.subi %add3A_4, %while3A : i32
    %while3A_7 = arith.addi %while3A, %while3A_6 : i32
    %while3A_8 = arith.constant 1 : i32
    %while3A_9 = arith.divsi %while3A_6, %while3A_8 : i32
    %while3A_10 = arith.muli %while3A_9, %while3A_8 : i32
    %while3A_11 = arith.addi %while3A, %while3A_10 : i32
    %while3A_12 = arith.constant 1 : i32
    %while3A_13 = scf.for %while3A_16 = %while3A to %while3A_11 step %while3A_12 iter_args(%while3A_17 = %while3A_5) -> (i32)  : i32 {
      %mul3A_18 = arith.constant 32 : i32
      %mul3A_19 = arith.muli %mul3A_18, %while3A_16 : i32
      %add3A_20 = arith.addi %add3A, %mul3A_19 : i32
      %mul3A_21 = arith.constant 128 : i32
      %mul3A_22 = arith.muli %add3A_20, %mul3A_21 : i32
      %multiple_of3A = tpu.assume_multiple %mul3A_22, 128 : i32
      "tpu.region"() ({
        %run_scoped3A = tpu.sem_alloc : memref<!tpu.dma_semaphore, #tpu.memory_space<semaphore_mem>>
        %dma_start3A_34 = tpu.memref_slice %arg3[%multiple_of3A] : memref<160000xi32, #tpu.memory_space<hbm>> -> memref<128xi32, #tpu.memory_space<hbm>>
        %dma_start3A_35 = tpu.memref_slice %arg3[%multiple_of3A] : memref<160000xi32, #tpu.memory_space<hbm>> -> memref<128xi32, #tpu.memory_space<hbm>>
        tpu.enqueue_dma source(%dma_start3A_35 : memref<128xi32, #tpu.memory_space<hbm>>) target(%arg8 : memref<128xi32, #tpu.memory_space<vmem>>) target_semaphore(%run_scoped3A : memref<!tpu.dma_semaphore, #tpu.memory_space<semaphore_mem>>)
        %dma_wait3A_36 = tpu.memref_slice %arg3[%multiple_of3A] : memref<160000xi32, #tpu.memory_space<hbm>> -> memref<128xi32, #tpu.memory_space<hbm>>
        %dma_wait3A_37 = tpu.memref_slice %arg3[%multiple_of3A] : memref<160000xi32, #tpu.memory_space<hbm>> -> memref<128xi32, #tpu.memory_space<hbm>>
        tpu.wait_dma2 semaphore(%run_scoped3A : memref<!tpu.dma_semaphore, #tpu.memory_space<semaphore_mem>>) src(%dma_wait3A_37 : memref<128xi32, #tpu.memory_space<hbm>>) dst(%arg8 : memref<128xi32, #tpu.memory_space<vmem>>)
        tpu.yield
      }) : () -> ()
      "tpu.region"() ({
        %run_scoped3A = tpu.sem_alloc : memref<!tpu.dma_semaphore, #tpu.memory_space<semaphore_mem>>
        %dma_start3A_34 = arith.constant 0 : i32
        %dma_start3A_35 = tpu.memref_slice %arg4[%multiple_of3A, %dma_start3A_34] : memref<160000x16xf32, #tpu.memory_space<hbm>> -> memref<128x16xf32, #tpu.memory_space<hbm>>
        %dma_start3A_36 = arith.constant 0 : i32
        %dma_start3A_37 = tpu.memref_slice %arg4[%multiple_of3A, %dma_start3A_36] : memref<160000x16xf32, #tpu.memory_space<hbm>> -> memref<128x16xf32, #tpu.memory_space<hbm>>
        tpu.enqueue_dma source(%dma_start3A_37 : memref<128x16xf32, #tpu.memory_space<hbm>>) target(%arg7 : memref<128x16xf32, #tpu.memory_space<vmem>>) target_semaphore(%run_scoped3A : memref<!tpu.dma_semaphore, #tpu.memory_space<semaphore_mem>>)
        %dma_wait3A_38 = arith.constant 0 : i32
        %dma_wait3A_39 = tpu.memref_slice %arg4[%multiple_of3A, %dma_wait3A_38] : memref<160000x16xf32, #tpu.memory_space<hbm>> -> memref<128x16xf32, #tpu.memory_space<hbm>>
        %dma_wait3A_40 = arith.constant 0 : i32
        %dma_wait3A_41 = tpu.memref_slice %arg4[%multiple_of3A, %dma_wait3A_40] : memref<160000x16xf32, #tpu.memory_space<hbm>> -> memref<128x16xf32, #tpu.memory_space<hbm>>
        tpu.wait_dma2 semaphore(%run_scoped3A : memref<!tpu.dma_semaphore, #tpu.memory_space<semaphore_mem>>) src(%dma_wait3A_41 : memref<128x16xf32, #tpu.memory_space<hbm>>) dst(%arg7 : memref<128x16xf32, #tpu.memory_space<vmem>>)
        tpu.yield
      }) : () -> ()
      %dma_start3A = arith.constant 0 : i32
      %dma_start3A_23 = arith.constant 0 : i32
      %dma_start3A_24 = tpu.memref_slice %arg2[%dma_start3A, %dma_start3A_23] : memref<10000x256xf32, #tpu.memory_space<hbm>> -> memref<10000x256xf32, #tpu.memory_space<hbm>>
      tpu.enqueue_indirect_dma source(%dma_start3A_24 : memref<10000x256xf32, #tpu.memory_space<hbm>>) target(%arg6 : memref<128x256xf32, #tpu.memory_space<vmem>>) offsets(%arg8 : memref<128xi32, #tpu.memory_space<vmem>>) semaphore(%arg9 : memref<!tpu.dma_semaphore, #tpu.memory_space<semaphore_mem>>)
      %dma_wait3A = arith.constant 0 : i32
      %dma_wait3A_25 = arith.constant 0 : i32
      %dma_wait3A_26 = tpu.memref_slice %arg2[%dma_wait3A, %dma_wait3A_25] : memref<10000x256xf32, #tpu.memory_space<hbm>> -> memref<10000x256xf32, #tpu.memory_space<hbm>>
      tpu.wait_indirect_dma semaphore(%arg9 : memref<!tpu.dma_semaphore, #tpu.memory_space<semaphore_mem>>) src(%dma_wait3A_26 : memref<10000x256xf32, #tpu.memory_space<hbm>>) dst(%arg6 : memref<128x256xf32, #tpu.memory_space<vmem>>)
      %scan3A = arith.constant 0 : i32
      %scan3A_27 = arith.constant 0 : i32
      %scan3A_28 = arith.constant 128 : i32
      %scan3A_29 = arith.addi %scan3A_27, %scan3A_28 : i32
      %scan3A_30 = arith.constant 1 : i32
      %scan3A_31 = scf.for %scan3A_34 = %scan3A_27 to %scan3A_29 step %scan3A_30 iter_args(%scan3A_35 = %scan3A) -> (i32)  : i32 {
        %get3A = arith.index_cast %scan3A_34 : i32 to index
        %get3A_36 = arith.constant 0 : index
        %get3A_37 = tpu.vector_load %arg7[%get3A, %get3A_36] {strides = array<i32>} : memref<128x16xf32, #tpu.memory_space<vmem>>, vector<1x16xf32>,
        %get3A_38 = vector.shape_cast %get3A_37 : vector<1x16xf32> to vector<16xf32>
        %slice3A = vector.extract_strided_slice %get3A_38 {offsets = [0], sizes = [1], strides = [1]} : vector<16xf32> to vector<1xf32>
        %squeeze3A = vector.extract %slice3A[0] : f32 from vector<1xf32>
        %broadcast_in_dim3A = vector.broadcast %squeeze3A : f32 to vector<16xf32>
        %get3A_39 = arith.index_cast %scan3A_34 : i32 to index
        %get3A_40 = arith.constant 0 : index
        %get3A_41 = tpu.vector_load %arg6[%get3A_39, %get3A_40] {strides = array<i32>} : memref<128x256xf32, #tpu.memory_space<vmem>>, vector<1x16xf32>,
        %get3A_42 = vector.shape_cast %get3A_41 : vector<1x16xf32> to vector<16xf32>
        %mul3A_43 = arith.mulf %get3A_42, %broadcast_in_dim3A : vector<16xf32>
        %swap3A = arith.index_cast %scan3A_34 : i32 to index
        %swap3A_44 = arith.constant 0 : index
        %swap3A_45 = tpu.vector_load %arg6[%swap3A, %swap3A_44] {strides = array<i32>} : memref<128x256xf32, #tpu.memory_space<vmem>>, vector<1x16xf32>,
        %swap3A_46 = vector.shape_cast %swap3A_45 : vector<1x16xf32> to vector<16xf32>
        %swap3A_47 = vector.shape_cast %mul3A_43 : vector<16xf32> to vector<1x16xf32>
        tpu.vector_store %arg6[%swap3A, %swap3A_44], %swap3A_47 {strides = array<i32>} : memref<128x256xf32, #tpu.memory_space<vmem>>, vector<1x16xf32>,
        %get3A_48 = arith.index_cast %scan3A_34 : i32 to index
        %get3A_49 = arith.constant 16 : index
        %get3A_50 = tpu.vector_load %arg6[%get3A_48, %get3A_49] {strides = array<i32>} : memref<128x256xf32, #tpu.memory_space<vmem>>, vector<1x16xf32>,
        %get3A_51 = vector.shape_cast %get3A_50 : vector<1x16xf32> to vector<16xf32>
        %mul3A_52 = arith.mulf %get3A_51, %broadcast_in_dim3A : vector<16xf32>
        %swap3A_53 = arith.index_cast %scan3A_34 : i32 to index
        %swap3A_54 = arith.constant 16 : index
        %swap3A_55 = tpu.vector_load %arg6[%swap3A_53, %swap3A_54] {strides = array<i32>} : memref<128x256xf32, #tpu.memory_space<vmem>>, vector<1x16xf32>,
        %swap3A_56 = vector.shape_cast %swap3A_55 : vector<1x16xf32> to vector<16xf32>
        %swap3A_57 = vector.shape_cast %mul3A_52 : vector<16xf32> to vector<1x16xf32>
        tpu.vector_store %arg6[%swap3A_53, %swap3A_54], %swap3A_57 {strides = array<i32>} : memref<128x256xf32, #tpu.memory_space<vmem>>, vector<1x16xf32>,
        %slice3A_58 = vector.extract_strided_slice %get3A_38 {offsets = [1], sizes = [1], strides = [1]} : vector<16xf32> to vector<1xf32>
        %squeeze3A_59 = vector.extract %slice3A_58[0] : f32 from vector<1xf32>
        %broadcast_in_dim3A_60 = vector.broadcast %squeeze3A_59 : f32 to vector<16xf32>
        %get3A_61 = arith.index_cast %scan3A_34 : i32 to index
        %get3A_62 = arith.constant 32 : index
        %get3A_63 = tpu.vector_load %arg6[%get3A_61, %get3A_62] {strides = array<i32>} : memref<128x256xf32, #tpu.memory_space<vmem>>, vector<1x16xf32>,
        %get3A_64 = vector.shape_cast %get3A_63 : vector<1x16xf32> to vector<16xf32>
        %mul3A_65 = arith.mulf %get3A_64, %broadcast_in_dim3A_60 : vector<16xf32>
        %swap3A_66 = arith.index_cast %scan3A_34 : i32 to index
        %swap3A_67 = arith.constant 32 : index
        %swap3A_68 = tpu.vector_load %arg6[%swap3A_66, %swap3A_67] {strides = array<i32>} : memref<128x256xf32, #tpu.memory_space<vmem>>, vector<1x16xf32>,
        %swap3A_69 = vector.shape_cast %swap3A_68 : vector<1x16xf32> to vector<16xf32>
        %swap3A_70 = vector.shape_cast %mul3A_65 : vector<16xf32> to vector<1x16xf32>
        tpu.vector_store %arg6[%swap3A_66, %swap3A_67], %swap3A_70 {strides = array<i32>} : memref<128x256xf32, #tpu.memory_space<vmem>>, vector<1x16xf32>,
        %get3A_71 = arith.index_cast %scan3A_34 : i32 to index
        %get3A_72 = arith.constant 48 : index
        %get3A_73 = tpu.vector_load %arg6[%get3A_71, %get3A_72] {strides = array<i32>} : memref<128x256xf32, #tpu.memory_space<vmem>>, vector<1x16xf32>,
        %get3A_74 = vector.shape_cast %get3A_73 : vector<1x16xf32> to vector<16xf32>
        %mul3A_75 = arith.mulf %get3A_74, %broadcast_in_dim3A_60 : vector<16xf32>
        %swap3A_76 = arith.index_cast %scan3A_34 : i32 to index
        %swap3A_77 = arith.constant 48 : index
        %swap3A_78 = tpu.vector_load %arg6[%swap3A_76, %swap3A_77] {strides = array<i32>} : memref<128x256xf32, #tpu.memory_space<vmem>>, vector<1x16xf32>,
        %swap3A_79 = vector.shape_cast %swap3A_78 : vector<1x16xf32> to vector<16xf32>
        %swap3A_80 = vector.shape_cast %mul3A_75 : vector<16xf32> to vector<1x16xf32>
        tpu.vector_store %arg6[%swap3A_76, %swap3A_77], %swap3A_80 {strides = array<i32>} : memref<128x256xf32, #tpu.memory_space<vmem>>, vector<1x16xf32>,
        %slice3A_81 = vector.extract_strided_slice %get3A_38 {offsets = [2], sizes = [1], strides = [1]} : vector<16xf32> to vector<1xf32>
        %squeeze3A_82 = vector.extract %slice3A_81[0] : f32 from vector<1xf32>
        %broadcast_in_dim3A_83 = vector.broadcast %squeeze3A_82 : f32 to vector<16xf32>
        %get3A_84 = arith.index_cast %scan3A_34 : i32 to index
        %get3A_85 = arith.constant 64 : index
        %get3A_86 = tpu.vector_load %arg6[%get3A_84, %get3A_85] {strides = array<i32>} : memref<128x256xf32, #tpu.memory_space<vmem>>, vector<1x16xf32>,
        %get3A_87 = vector.shape_cast %get3A_86 : vector<1x16xf32> to vector<16xf32>
        %mul3A_88 = arith.mulf %get3A_87, %broadcast_in_dim3A_83 : vector<16xf32>
        %swap3A_89 = arith.index_cast %scan3A_34 : i32 to index
        %swap3A_90 = arith.constant 64 : index
        %swap3A_91 = tpu.vector_load %arg6[%swap3A_89, %swap3A_90] {strides = array<i32>} : memref<128x256xf32, #tpu.memory_space<vmem>>, vector<1x16xf32>,
        %swap3A_92 = vector.shape_cast %swap3A_91 : vector<1x16xf32> to vector<16xf32>
        %swap3A_93 = vector.shape_cast %mul3A_88 : vector<16xf32> to vector<1x16xf32>
        tpu.vector_store %arg6[%swap3A_89, %swap3A_90], %swap3A_93 {strides = array<i32>} : memref<128x256xf32, #tpu.memory_space<vmem>>, vector<1x16xf32>,
        %get3A_94 = arith.index_cast %scan3A_34 : i32 to index
        %get3A_95 = arith.constant 80 : index
        %get3A_96 = tpu.vector_load %arg6[%get3A_94, %get3A_95] {strides = array<i32>} : memref<128x256xf32, #tpu.memory_space<vmem>>, vector<1x16xf32>,
        %get3A_97 = vector.shape_cast %get3A_96 : vector<1x16xf32> to vector<16xf32>
        %mul3A_98 = arith.mulf %get3A_97, %broadcast_in_dim3A_83 : vector<16xf32>
        %swap3A_99 = arith.index_cast %scan3A_34 : i32 to index
        %swap3A_100 = arith.constant 80 : index
        %swap3A_101 = tpu.vector_load %arg6[%swap3A_99, %swap3A_100] {strides = array<i32>} : memref<128x256xf32, #tpu.memory_space<vmem>>, vector<1x16xf32>,
        %swap3A_102 = vector.shape_cast %swap3A_101 : vector<1x16xf32> to vector<16xf32>
        %swap3A_103 = vector.shape_cast %mul3A_98 : vector<16xf32> to vector<1x16xf32>
        tpu.vector_store %arg6[%swap3A_99, %swap3A_100], %swap3A_103 {strides = array<i32>} : memref<128x256xf32, #tpu.memory_space<vmem>>, vector<1x16xf32>,
        %slice3A_104 = vector.extract_strided_slice %get3A_38 {offsets = [3], sizes = [1], strides = [1]} : vector<16xf32> to vector<1xf32>
        %squeeze3A_105 = vector.extract %slice3A_104[0] : f32 from vector<1xf32>
        %broadcast_in_dim3A_106 = vector.broadcast %squeeze3A_105 : f32 to vector<16xf32>
        %get3A_107 = arith.index_cast %scan3A_34 : i32 to index
        %get3A_108 = arith.constant 96 : index
        %get3A_109 = tpu.vector_load %arg6[%get3A_107, %get3A_108] {strides = array<i32>} : memref<128x256xf32, #tpu.memory_space<vmem>>, vector<1x16xf32>,
        %get3A_110 = vector.shape_cast %get3A_109 : vector<1x16xf32> to vector<16xf32>
        %mul3A_111 = arith.mulf %get3A_110, %broadcast_in_dim3A_106 : vector<16xf32>
        %swap3A_112 = arith.index_cast %scan3A_34 : i32 to index
        %swap3A_113 = arith.constant 96 : index
        %swap3A_114 = tpu.vector_load %arg6[%swap3A_112, %swap3A_113] {strides = array<i32>} : memref<128x256xf32, #tpu.memory_space<vmem>>, vector<1x16xf32>,
        %swap3A_115 = vector.shape_cast %swap3A_114 : vector<1x16xf32> to vector<16xf32>
        %swap3A_116 = vector.shape_cast %mul3A_111 : vector<16xf32> to vector<1x16xf32>
        tpu.vector_store %arg6[%swap3A_112, %swap3A_113], %swap3A_116 {strides = array<i32>} : memref<128x256xf32, #tpu.memory_space<vmem>>, vector<1x16xf32>,
        %get3A_117 = arith.index_cast %scan3A_34 : i32 to index
        %get3A_118 = arith.constant 112 : index
        %get3A_119 = tpu.vector_load %arg6[%get3A_117, %get3A_118] {strides = array<i32>} : memref<128x256xf32, #tpu.memory_space<vmem>>, vector<1x16xf32>,
        %get3A_120 = vector.shape_cast %get3A_119 : vector<1x16xf32> to vector<16xf32>
        %mul3A_121 = arith.mulf %get3A_120, %broadcast_in_dim3A_106 : vector<16xf32>
        %swap3A_122 = arith.index_cast %scan3A_34 : i32 to index
        %swap3A_123 = arith.constant 112 : index
        %swap3A_124 = tpu.vector_load %arg6[%swap3A_122, %swap3A_123] {strides = array<i32>} : memref<128x256xf32, #tpu.memory_space<vmem>>, vector<1x16xf32>,
        %swap3A_125 = vector.shape_cast %swap3A_124 : vector<1x16xf32> to vector<16xf32>
        %swap3A_126 = vector.shape_cast %mul3A_121 : vector<16xf32> to vector<1x16xf32>
        tpu.vector_store %arg6[%swap3A_122, %swap3A_123], %swap3A_126 {strides = array<i32>} : memref<128x256xf32, #tpu.memory_space<vmem>>, vector<1x16xf32>,
        %slice3A_127 = vector.extract_strided_slice %get3A_38 {offsets = [4], sizes = [1], strides = [1]} : vector<16xf32> to vector<1xf32>
        %squeeze3A_128 = vector.extract %slice3A_127[0] : f32 from vector<1xf32>
        %broadcast_in_dim3A_129 = vector.broadcast %squeeze3A_128 : f32 to vector<16xf32>
        %get3A_130 = arith.index_cast %scan3A_34 : i32 to index
        %get3A_131 = arith.constant 128 : index
        %get3A_132 = tpu.vector_load %arg6[%get3A_130, %get3A_131] {strides = array<i32>} : memref<128x256xf32, #tpu.memory_space<vmem>>, vector<1x16xf32>,
        %get3A_133 = vector.shape_cast %get3A_132 : vector<1x16xf32> to vector<16xf32>
        %mul3A_134 = arith.mulf %get3A_133, %broadcast_in_dim3A_129 : vector<16xf32>
        %swap3A_135 = arith.index_cast %scan3A_34 : i32 to index
        %swap3A_136 = arith.constant 128 : index
        %swap3A_137 = tpu.vector_load %arg6[%swap3A_135, %swap3A_136] {strides = array<i32>} : memref<128x256xf32, #tpu.memory_space<vmem>>, vector<1x16xf32>,
        %swap3A_138 = vector.shape_cast %swap3A_137 : vector<1x16xf32> to vector<16xf32>
        %swap3A_139 = vector.shape_cast %mul3A_134 : vector<16xf32> to vector<1x16xf32>
        tpu.vector_store %arg6[%swap3A_135, %swap3A_136], %swap3A_139 {strides = array<i32>} : memref<128x256xf32, #tpu.memory_space<vmem>>, vector<1x16xf32>,
        %get3A_140 = arith.index_cast %scan3A_34 : i32 to index
        %get3A_141 = arith.constant 144 : index
        %get3A_142 = tpu.vector_load %arg6[%get3A_140, %get3A_141] {strides = array<i32>} : memref<128x256xf32, #tpu.memory_space<vmem>>, vector<1x16xf32>,
        %get3A_143 = vector.shape_cast %get3A_142 : vector<1x16xf32> to vector<16xf32>
        %mul3A_144 = arith.mulf %get3A_143, %broadcast_in_dim3A_129 : vector<16xf32>
        %swap3A_145 = arith.index_cast %scan3A_34 : i32 to index
        %swap3A_146 = arith.constant 144 : index
        %swap3A_147 = tpu.vector_load %arg6[%swap3A_145, %swap3A_146] {strides = array<i32>} : memref<128x256xf32, #tpu.memory_space<vmem>>, vector<1x16xf32>,
        %swap3A_148 = vector.shape_cast %swap3A_147 : vector<1x16xf32> to vector<16xf32>
        %swap3A_149 = vector.shape_cast %mul3A_144 : vector<16xf32> to vector<1x16xf32>
        tpu.vector_store %arg6[%swap3A_145, %swap3A_146], %swap3A_149 {strides = array<i32>} : memref<128x256xf32, #tpu.memory_space<vmem>>, vector<1x16xf32>,
        %slice3A_150 = vector.extract_strided_slice %get3A_38 {offsets = [5], sizes = [1], strides = [1]} : vector<16xf32> to vector<1xf32>
        %squeeze3A_151 = vector.extract %slice3A_150[0] : f32 from vector<1xf32>
        %broadcast_in_dim3A_152 = vector.broadcast %squeeze3A_151 : f32 to vector<16xf32>
        %get3A_153 = arith.index_cast %scan3A_34 : i32 to index
        %get3A_154 = arith.constant 160 : index
        %get3A_155 = tpu.vector_load %arg6[%get3A_153, %get3A_154] {strides = array<i32>} : memref<128x256xf32, #tpu.memory_space<vmem>>, vector<1x16xf32>,
        %get3A_156 = vector.shape_cast %get3A_155 : vector<1x16xf32> to vector<16xf32>
        %mul3A_157 = arith.mulf %get3A_156, %broadcast_in_dim3A_152 : vector<16xf32>
        %swap3A_158 = arith.index_cast %scan3A_34 : i32 to index
        %swap3A_159 = arith.constant 160 : index
        %swap3A_160 = tpu.vector_load %arg6[%swap3A_158, %swap3A_159] {strides = array<i32>} : memref<128x256xf32, #tpu.memory_space<vmem>>, vector<1x16xf32>,
        %swap3A_161 = vector.shape_cast %swap3A_160 : vector<1x16xf32> to vector<16xf32>
        %swap3A_162 = vector.shape_cast %mul3A_157 : vector<16xf32> to vector<1x16xf32>
        tpu.vector_store %arg6[%swap3A_158, %swap3A_159], %swap3A_162 {strides = array<i32>} : memref<128x256xf32, #tpu.memory_space<vmem>>, vector<1x16xf32>,
        %get3A_163 = arith.index_cast %scan3A_34 : i32 to index
        %get3A_164 = arith.constant 176 : index
        %get3A_165 = tpu.vector_load %arg6[%get3A_163, %get3A_164] {strides = array<i32>} : memref<128x256xf32, #tpu.memory_space<vmem>>, vector<1x16xf32>,
        %get3A_166 = vector.shape_cast %get3A_165 : vector<1x16xf32> to vector<16xf32>
        %mul3A_167 = arith.mulf %get3A_166, %broadcast_in_dim3A_152 : vector<16xf32>
        %swap3A_168 = arith.index_cast %scan3A_34 : i32 to index
        %swap3A_169 = arith.constant 176 : index
        %swap3A_170 = tpu.vector_load %arg6[%swap3A_168, %swap3A_169] {strides = array<i32>} : memref<128x256xf32, #tpu.memory_space<vmem>>, vector<1x16xf32>,
        %swap3A_171 = vector.shape_cast %swap3A_170 : vector<1x16xf32> to vector<16xf32>
        %swap3A_172 = vector.shape_cast %mul3A_167 : vector<16xf32> to vector<1x16xf32>
        tpu.vector_store %arg6[%swap3A_168, %swap3A_169], %swap3A_172 {strides = array<i32>} : memref<128x256xf32, #tpu.memory_space<vmem>>, vector<1x16xf32>,
        %slice3A_173 = vector.extract_strided_slice %get3A_38 {offsets = [6], sizes = [1], strides = [1]} : vector<16xf32> to vector<1xf32>
        %squeeze3A_174 = vector.extract %slice3A_173[0] : f32 from vector<1xf32>
        %broadcast_in_dim3A_175 = vector.broadcast %squeeze3A_174 : f32 to vector<16xf32>
        %get3A_176 = arith.index_cast %scan3A_34 : i32 to index
        %get3A_177 = arith.constant 192 : index
        %get3A_178 = tpu.vector_load %arg6[%get3A_176, %get3A_177] {strides = array<i32>} : memref<128x256xf32, #tpu.memory_space<vmem>>, vector<1x16xf32>,
        %get3A_179 = vector.shape_cast %get3A_178 : vector<1x16xf32> to vector<16xf32>
        %mul3A_180 = arith.mulf %get3A_179, %broadcast_in_dim3A_175 : vector<16xf32>
        %swap3A_181 = arith.index_cast %scan3A_34 : i32 to index
        %swap3A_182 = arith.constant 192 : index
        %swap3A_183 = tpu.vector_load %arg6[%swap3A_181, %swap3A_182] {strides = array<i32>} : memref<128x256xf32, #tpu.memory_space<vmem>>, vector<1x16xf32>,
        %swap3A_184 = vector.shape_cast %swap3A_183 : vector<1x16xf32> to vector<16xf32>
        %swap3A_185 = vector.shape_cast %mul3A_180 : vector<16xf32> to vector<1x16xf32>
        tpu.vector_store %arg6[%swap3A_181, %swap3A_182], %swap3A_185 {strides = array<i32>} : memref<128x256xf32, #tpu.memory_space<vmem>>, vector<1x16xf32>,
        %get3A_186 = arith.index_cast %scan3A_34 : i32 to index
        %get3A_187 = arith.constant 208 : index
        %get3A_188 = tpu.vector_load %arg6[%get3A_186, %get3A_187] {strides = array<i32>} : memref<128x256xf32, #tpu.memory_space<vmem>>, vector<1x16xf32>,
        %get3A_189 = vector.shape_cast %get3A_188 : vector<1x16xf32> to vector<16xf32>
        %mul3A_190 = arith.mulf %get3A_189, %broadcast_in_dim3A_175 : vector<16xf32>
        %swap3A_191 = arith.index_cast %scan3A_34 : i32 to index
        %swap3A_192 = arith.constant 208 : index
        %swap3A_193 = tpu.vector_load %arg6[%swap3A_191, %swap3A_192] {strides = array<i32>} : memref<128x256xf32, #tpu.memory_space<vmem>>, vector<1x16xf32>,
        %swap3A_194 = vector.shape_cast %swap3A_193 : vector<1x16xf32> to vector<16xf32>
        %swap3A_195 = vector.shape_cast %mul3A_190 : vector<16xf32> to vector<1x16xf32>
        tpu.vector_store %arg6[%swap3A_191, %swap3A_192], %swap3A_195 {strides = array<i32>} : memref<128x256xf32, #tpu.memory_space<vmem>>, vector<1x16xf32>,
        %slice3A_196 = vector.extract_strided_slice %get3A_38 {offsets = [7], sizes = [1], strides = [1]} : vector<16xf32> to vector<1xf32>
        %squeeze3A_197 = vector.extract %slice3A_196[0] : f32 from vector<1xf32>
        %broadcast_in_dim3A_198 = vector.broadcast %squeeze3A_197 : f32 to vector<16xf32>
        %get3A_199 = arith.index_cast %scan3A_34 : i32 to index
        %get3A_200 = arith.constant 224 : index
        %get3A_201 = tpu.vector_load %arg6[%get3A_199, %get3A_200] {strides = array<i32>} : memref<128x256xf32, #tpu.memory_space<vmem>>, vector<1x16xf32>,
        %get3A_202 = vector.shape_cast %get3A_201 : vector<1x16xf32> to vector<16xf32>
        %mul3A_203 = arith.mulf %get3A_202, %broadcast_in_dim3A_198 : vector<16xf32>
        %swap3A_204 = arith.index_cast %scan3A_34 : i32 to index
        %swap3A_205 = arith.constant 224 : index
        %swap3A_206 = tpu.vector_load %arg6[%swap3A_204, %swap3A_205] {strides = array<i32>} : memref<128x256xf32, #tpu.memory_space<vmem>>, vector<1x16xf32>,
        %swap3A_207 = vector.shape_cast %swap3A_206 : vector<1x16xf32> to vector<16xf32>
        %swap3A_208 = vector.shape_cast %mul3A_203 : vector<16xf32> to vector<1x16xf32>
        tpu.vector_store %arg6[%swap3A_204, %swap3A_205], %swap3A_208 {strides = array<i32>} : memref<128x256xf32, #tpu.memory_space<vmem>>, vector<1x16xf32>,
        %get3A_209 = arith.index_cast %scan3A_34 : i32 to index
        %get3A_210 = arith.constant 240 : index
        %get3A_211 = tpu.vector_load %arg6[%get3A_209, %get3A_210] {strides = array<i32>} : memref<128x256xf32, #tpu.memory_space<vmem>>, vector<1x16xf32>,
        %get3A_212 = vector.shape_cast %get3A_211 : vector<1x16xf32> to vector<16xf32>
        %mul3A_213 = arith.mulf %get3A_212, %broadcast_in_dim3A_198 : vector<16xf32>
        %swap3A_214 = arith.index_cast %scan3A_34 : i32 to index
        %swap3A_215 = arith.constant 240 : index
        %swap3A_216 = tpu.vector_load %arg6[%swap3A_214, %swap3A_215] {strides = array<i32>} : memref<128x256xf32, #tpu.memory_space<vmem>>, vector<1x16xf32>,
        %swap3A_217 = vector.shape_cast %swap3A_216 : vector<1x16xf32> to vector<16xf32>
        %swap3A_218 = vector.shape_cast %mul3A_213 : vector<16xf32> to vector<1x16xf32>
        tpu.vector_store %arg6[%swap3A_214, %swap3A_215], %swap3A_218 {strides = array<i32>} : memref<128x256xf32, #tpu.memory_space<vmem>>, vector<1x16xf32>,
        %scan3A_219 = arith.constant 0 : i32
        scf.yield %scan3A_219 : i32
      }
      %scan3A_32 = arith.constant 128 : i32
      "tpu.region"() ({
        %run_scoped3A = tpu.sem_alloc : memref<!tpu.dma_semaphore, #tpu.memory_space<semaphore_mem>>
        %dma_start3A_34 = arith.constant 0 : i32
        %dma_start3A_35 = tpu.memref_slice %arg5[%multiple_of3A, %dma_start3A_34] : memref<160000x256xf32, #tpu.memory_space<hbm>> -> memref<128x256xf32, #tpu.memory_space<hbm>>
        %dma_start3A_36 = arith.constant 0 : i32
        %dma_start3A_37 = tpu.memref_slice %arg5[%multiple_of3A, %dma_start3A_36] : memref<160000x256xf32, #tpu.memory_space<hbm>> -> memref<128x256xf32, #tpu.memory_space<hbm>>
        tpu.enqueue_dma source(%arg6 : memref<128x256xf32, #tpu.memory_space<vmem>>) target(%dma_start3A_37 : memref<128x256xf32, #tpu.memory_space<hbm>>) target_semaphore(%run_scoped3A : memref<!tpu.dma_semaphore, #tpu.memory_space<semaphore_mem>>)
        %dma_wait3A_38 = arith.constant 0 : i32
        %dma_wait3A_39 = tpu.memref_slice %arg5[%multiple_of3A, %dma_wait3A_38] : memref<160000x256xf32, #tpu.memory_space<hbm>> -> memref<128x256xf32, #tpu.memory_space<hbm>>
        %dma_wait3A_40 = arith.constant 0 : i32
        %dma_wait3A_41 = tpu.memref_slice %arg5[%multiple_of3A, %dma_wait3A_40] : memref<160000x256xf32, #tpu.memory_space<hbm>> -> memref<128x256xf32, #tpu.memory_space<hbm>>
        tpu.wait_dma2 semaphore(%run_scoped3A : memref<!tpu.dma_semaphore, #tpu.memory_space<semaphore_mem>>) src(%arg6 : memref<128x256xf32, #tpu.memory_space<vmem>>) dst(%dma_wait3A_41 : memref<128x256xf32, #tpu.memory_space<hbm>>)
        tpu.yield
      }) : () -> ()
      %while3A_33 = arith.constant 0 : i32
      scf.yield %while3A_33 : i32
    }
    %while3A_14 = arith.constant 1 : i32
    %while3A_15 = scf.for %while3A_16 = %while3A_11 to %while3A_7 step %while3A_14 iter_args(%while3A_17 = %while3A_13) -> (i32)  : i32 {
      %mul3A_18 = arith.constant 32 : i32
      %mul3A_19 = arith.muli %mul3A_18, %while3A_16 : i32
      %add3A_20 = arith.addi %add3A, %mul3A_19 : i32
      %mul3A_21 = arith.constant 128 : i32
      %mul3A_22 = arith.muli %add3A_20, %mul3A_21 : i32
      %multiple_of3A = tpu.assume_multiple %mul3A_22, 128 : i32
      "tpu.region"() ({
        %run_scoped3A = tpu.sem_alloc : memref<!tpu.dma_semaphore, #tpu.memory_space<semaphore_mem>>
        %dma_start3A_34 = tpu.memref_slice %arg3[%multiple_of3A] : memref<160000xi32, #tpu.memory_space<hbm>> -> memref<128xi32, #tpu.memory_space<hbm>>
        %dma_start3A_35 = tpu.memref_slice %arg3[%multiple_of3A] : memref<160000xi32, #tpu.memory_space<hbm>> -> memref<128xi32, #tpu.memory_space<hbm>>
        tpu.enqueue_dma source(%dma_start3A_35 : memref<128xi32, #tpu.memory_space<hbm>>) target(%arg8 : memref<128xi32, #tpu.memory_space<vmem>>) target_semaphore(%run_scoped3A : memref<!tpu.dma_semaphore, #tpu.memory_space<semaphore_mem>>)
        %dma_wait3A_36 = tpu.memref_slice %arg3[%multiple_of3A] : memref<160000xi32, #tpu.memory_space<hbm>> -> memref<128xi32, #tpu.memory_space<hbm>>
        %dma_wait3A_37 = tpu.memref_slice %arg3[%multiple_of3A] : memref<160000xi32, #tpu.memory_space<hbm>> -> memref<128xi32, #tpu.memory_space<hbm>>
        tpu.wait_dma2 semaphore(%run_scoped3A : memref<!tpu.dma_semaphore, #tpu.memory_space<semaphore_mem>>) src(%dma_wait3A_37 : memref<128xi32, #tpu.memory_space<hbm>>) dst(%arg8 : memref<128xi32, #tpu.memory_space<vmem>>)
        tpu.yield
      }) : () -> ()
      "tpu.region"() ({
        %run_scoped3A = tpu.sem_alloc : memref<!tpu.dma_semaphore, #tpu.memory_space<semaphore_mem>>
        %dma_start3A_34 = arith.constant 0 : i32
        %dma_start3A_35 = tpu.memref_slice %arg4[%multiple_of3A, %dma_start3A_34] : memref<160000x16xf32, #tpu.memory_space<hbm>> -> memref<128x16xf32, #tpu.memory_space<hbm>>
        %dma_start3A_36 = arith.constant 0 : i32
        %dma_start3A_37 = tpu.memref_slice %arg4[%multiple_of3A, %dma_start3A_36] : memref<160000x16xf32, #tpu.memory_space<hbm>> -> memref<128x16xf32, #tpu.memory_space<hbm>>
        tpu.enqueue_dma source(%dma_start3A_37 : memref<128x16xf32, #tpu.memory_space<hbm>>) target(%arg7 : memref<128x16xf32, #tpu.memory_space<vmem>>) target_semaphore(%run_scoped3A : memref<!tpu.dma_semaphore, #tpu.memory_space<semaphore_mem>>)
        %dma_wait3A_38 = arith.constant 0 : i32
        %dma_wait3A_39 = tpu.memref_slice %arg4[%multiple_of3A, %dma_wait3A_38] : memref<160000x16xf32, #tpu.memory_space<hbm>> -> memref<128x16xf32, #tpu.memory_space<hbm>>
        %dma_wait3A_40 = arith.constant 0 : i32
        %dma_wait3A_41 = tpu.memref_slice %arg4[%multiple_of3A, %dma_wait3A_40] : memref<160000x16xf32, #tpu.memory_space<hbm>> -> memref<128x16xf32, #tpu.memory_space<hbm>>
        tpu.wait_dma2 semaphore(%run_scoped3A : memref<!tpu.dma_semaphore, #tpu.memory_space<semaphore_mem>>) src(%dma_wait3A_41 : memref<128x16xf32, #tpu.memory_space<hbm>>) dst(%arg7 : memref<128x16xf32, #tpu.memory_space<vmem>>)
        tpu.yield
      }) : () -> ()
      %dma_start3A = arith.constant 0 : i32
      %dma_start3A_23 = arith.constant 0 : i32
      %dma_start3A_24 = tpu.memref_slice %arg2[%dma_start3A, %dma_start3A_23] : memref<10000x256xf32, #tpu.memory_space<hbm>> -> memref<10000x256xf32, #tpu.memory_space<hbm>>
      tpu.enqueue_indirect_dma source(%dma_start3A_24 : memref<10000x256xf32, #tpu.memory_space<hbm>>) target(%arg6 : memref<128x256xf32, #tpu.memory_space<vmem>>) offsets(%arg8 : memref<128xi32, #tpu.memory_space<vmem>>) semaphore(%arg9 : memref<!tpu.dma_semaphore, #tpu.memory_space<semaphore_mem>>)
      %dma_wait3A = arith.constant 0 : i32
      %dma_wait3A_25 = arith.constant 0 : i32
      %dma_wait3A_26 = tpu.memref_slice %arg2[%dma_wait3A, %dma_wait3A_25] : memref<10000x256xf32, #tpu.memory_space<hbm>> -> memref<10000x256xf32, #tpu.memory_space<hbm>>
      tpu.wait_indirect_dma semaphore(%arg9 : memref<!tpu.dma_semaphore, #tpu.memory_space<semaphore_mem>>) src(%dma_wait3A_26 : memref<10000x256xf32, #tpu.memory_space<hbm>>) dst(%arg6 : memref<128x256xf32, #tpu.memory_space<vmem>>)
      %scan3A = arith.constant 0 : i32
      %scan3A_27 = arith.constant 0 : i32
      %scan3A_28 = arith.constant 128 : i32
      %scan3A_29 = arith.addi %scan3A_27, %scan3A_28 : i32
      %scan3A_30 = arith.constant 1 : i32
      %scan3A_31 = scf.for %scan3A_34 = %scan3A_27 to %scan3A_29 step %scan3A_30 iter_args(%scan3A_35 = %scan3A) -> (i32)  : i32 {
        %get3A = arith.index_cast %scan3A_34 : i32 to index
        %get3A_36 = arith.constant 0 : index
        %get3A_37 = tpu.vector_load %arg7[%get3A, %get3A_36] {strides = array<i32>} : memref<128x16xf32, #tpu.memory_space<vmem>>, vector<1x16xf32>,
        %get3A_38 = vector.shape_cast %get3A_37 : vector<1x16xf32> to vector<16xf32>
        %slice3A = vector.extract_strided_slice %get3A_38 {offsets = [0], sizes = [1], strides = [1]} : vector<16xf32> to vector<1xf32>
        %squeeze3A = vector.extract %slice3A[0] : f32 from vector<1xf32>
        %broadcast_in_dim3A = vector.broadcast %squeeze3A : f32 to vector<16xf32>
        %get3A_39 = arith.index_cast %scan3A_34 : i32 to index
        %get3A_40 = arith.constant 0 : index
        %get3A_41 = tpu.vector_load %arg6[%get3A_39, %get3A_40] {strides = array<i32>} : memref<128x256xf32, #tpu.memory_space<vmem>>, vector<1x16xf32>,
        %get3A_42 = vector.shape_cast %get3A_41 : vector<1x16xf32> to vector<16xf32>
        %mul3A_43 = arith.mulf %get3A_42, %broadcast_in_dim3A : vector<16xf32>
        %swap3A = arith.index_cast %scan3A_34 : i32 to index
        %swap3A_44 = arith.constant 0 : index
        %swap3A_45 = tpu.vector_load %arg6[%swap3A, %swap3A_44] {strides = array<i32>} : memref<128x256xf32, #tpu.memory_space<vmem>>, vector<1x16xf32>,
        %swap3A_46 = vector.shape_cast %swap3A_45 : vector<1x16xf32> to vector<16xf32>
        %swap3A_47 = vector.shape_cast %mul3A_43 : vector<16xf32> to vector<1x16xf32>
        tpu.vector_store %arg6[%swap3A, %swap3A_44], %swap3A_47 {strides = array<i32>} : memref<128x256xf32, #tpu.memory_space<vmem>>, vector<1x16xf32>,
        %get3A_48 = arith.index_cast %scan3A_34 : i32 to index
        %get3A_49 = arith.constant 16 : index
        %get3A_50 = tpu.vector_load %arg6[%get3A_48, %get3A_49] {strides = array<i32>} : memref<128x256xf32, #tpu.memory_space<vmem>>, vector<1x16xf32>,
        %get3A_51 = vector.shape_cast %get3A_50 : vector<1x16xf32> to vector<16xf32>
        %mul3A_52 = arith.mulf %get3A_51, %broadcast_in_dim3A : vector<16xf32>
        %swap3A_53 = arith.index_cast %scan3A_34 : i32 to index
        %swap3A_54 = arith.constant 16 : index
        %swap3A_55 = tpu.vector_load %arg6[%swap3A_53, %swap3A_54] {strides = array<i32>} : memref<128x256xf32, #tpu.memory_space<vmem>>, vector<1x16xf32>,
        %swap3A_56 = vector.shape_cast %swap3A_55 : vector<1x16xf32> to vector<16xf32>
        %swap3A_57 = vector.shape_cast %mul3A_52 : vector<16xf32> to vector<1x16xf32>
        tpu.vector_store %arg6[%swap3A_53, %swap3A_54], %swap3A_57 {strides = array<i32>} : memref<128x256xf32, #tpu.memory_space<vmem>>, vector<1x16xf32>,
        %slice3A_58 = vector.extract_strided_slice %get3A_38 {offsets = [1], sizes = [1], strides = [1]} : vector<16xf32> to vector<1xf32>
        %squeeze3A_59 = vector.extract %slice3A_58[0] : f32 from vector<1xf32>
        %broadcast_in_dim3A_60 = vector.broadcast %squeeze3A_59 : f32 to vector<16xf32>
        %get3A_61 = arith.index_cast %scan3A_34 : i32 to index
        %get3A_62 = arith.constant 32 : index
        %get3A_63 = tpu.vector_load %arg6[%get3A_61, %get3A_62] {strides = array<i32>} : memref<128x256xf32, #tpu.memory_space<vmem>>, vector<1x16xf32>,
        %get3A_64 = vector.shape_cast %get3A_63 : vector<1x16xf32> to vector<16xf32>
        %mul3A_65 = arith.mulf %get3A_64, %broadcast_in_dim3A_60 : vector<16xf32>
        %swap3A_66 = arith.index_cast %scan3A_34 : i32 to index
        %swap3A_67 = arith.constant 32 : index
        %swap3A_68 = tpu.vector_load %arg6[%swap3A_66, %swap3A_67] {strides = array<i32>} : memref<128x256xf32, #tpu.memory_space<vmem>>, vector<1x16xf32>,
        %swap3A_69 = vector.shape_cast %swap3A_68 : vector<1x16xf32> to vector<16xf32>
        %swap3A_70 = vector.shape_cast %mul3A_65 : vector<16xf32> to vector<1x16xf32>
        tpu.vector_store %arg6[%swap3A_66, %swap3A_67], %swap3A_70 {strides = array<i32>} : memref<128x256xf32, #tpu.memory_space<vmem>>, vector<1x16xf32>,
        %get3A_71 = arith.index_cast %scan3A_34 : i32 to index
        %get3A_72 = arith.constant 48 : index
        %get3A_73 = tpu.vector_load %arg6[%get3A_71, %get3A_72] {strides = array<i32>} : memref<128x256xf32, #tpu.memory_space<vmem>>, vector<1x16xf32>,
        %get3A_74 = vector.shape_cast %get3A_73 : vector<1x16xf32> to vector<16xf32>
        %mul3A_75 = arith.mulf %get3A_74, %broadcast_in_dim3A_60 : vector<16xf32>
        %swap3A_76 = arith.index_cast %scan3A_34 : i32 to index
        %swap3A_77 = arith.constant 48 : index
        %swap3A_78 = tpu.vector_load %arg6[%swap3A_76, %swap3A_77] {strides = array<i32>} : memref<128x256xf32, #tpu.memory_space<vmem>>, vector<1x16xf32>,
        %swap3A_79 = vector.shape_cast %swap3A_78 : vector<1x16xf32> to vector<16xf32>
        %swap3A_80 = vector.shape_cast %mul3A_75 : vector<16xf32> to vector<1x16xf32>
        tpu.vector_store %arg6[%swap3A_76, %swap3A_77], %swap3A_80 {strides = array<i32>} : memref<128x256xf32, #tpu.memory_space<vmem>>, vector<1x16xf32>,
        %slice3A_81 = vector.extract_strided_slice %get3A_38 {offsets = [2], sizes = [1], strides = [1]} : vector<16xf32> to vector<1xf32>
        %squeeze3A_82 = vector.extract %slice3A_81[0] : f32 from vector<1xf32>
        %broadcast_in_dim3A_83 = vector.broadcast %squeeze3A_82 : f32 to vector<16xf32>
        %get3A_84 = arith.index_cast %scan3A_34 : i32 to index
        %get3A_85 = arith.constant 64 : index
        %get3A_86 = tpu.vector_load %arg6[%get3A_84, %get3A_85] {strides = array<i32>} : memref<128x256xf32, #tpu.memory_space<vmem>>, vector<1x16xf32>,
        %get3A_87 = vector.shape_cast %get3A_86 : vector<1x16xf32> to vector<16xf32>
        %mul3A_88 = arith.mulf %get3A_87, %broadcast_in_dim3A_83 : vector<16xf32>
        %swap3A_89 = arith.index_cast %scan3A_34 : i32 to index
        %swap3A_90 = arith.constant 64 : index
        %swap3A_91 = tpu.vector_load %arg6[%swap3A_89, %swap3A_90] {strides = array<i32>} : memref<128x256xf32, #tpu.memory_space<vmem>>, vector<1x16xf32>,
        %swap3A_92 = vector.shape_cast %swap3A_91 : vector<1x16xf32> to vector<16xf32>
        %swap3A_93 = vector.shape_cast %mul3A_88 : vector<16xf32> to vector<1x16xf32>
        tpu.vector_store %arg6[%swap3A_89, %swap3A_90], %swap3A_93 {strides = array<i32>} : memref<128x256xf32, #tpu.memory_space<vmem>>, vector<1x16xf32>,
        %get3A_94 = arith.index_cast %scan3A_34 : i32 to index
        %get3A_95 = arith.constant 80 : index
        %get3A_96 = tpu.vector_load %arg6[%get3A_94, %get3A_95] {strides = array<i32>} : memref<128x256xf32, #tpu.memory_space<vmem>>, vector<1x16xf32>,
        %get3A_97 = vector.shape_cast %get3A_96 : vector<1x16xf32> to vector<16xf32>
        %mul3A_98 = arith.mulf %get3A_97, %broadcast_in_dim3A_83 : vector<16xf32>
        %swap3A_99 = arith.index_cast %scan3A_34 : i32 to index
        %swap3A_100 = arith.constant 80 : index
        %swap3A_101 = tpu.vector_load %arg6[%swap3A_99, %swap3A_100] {strides = array<i32>} : memref<128x256xf32, #tpu.memory_space<vmem>>, vector<1x16xf32>,
        %swap3A_102 = vector.shape_cast %swap3A_101 : vector<1x16xf32> to vector<16xf32>
        %swap3A_103 = vector.shape_cast %mul3A_98 : vector<16xf32> to vector<1x16xf32>
        tpu.vector_store %arg6[%swap3A_99, %swap3A_100], %swap3A_103 {strides = array<i32>} : memref<128x256xf32, #tpu.memory_space<vmem>>, vector<1x16xf32>,
        %slice3A_104 = vector.extract_strided_slice %get3A_38 {offsets = [3], sizes = [1], strides = [1]} : vector<16xf32> to vector<1xf32>
        %squeeze3A_105 = vector.extract %slice3A_104[0] : f32 from vector<1xf32>
        %broadcast_in_dim3A_106 = vector.broadcast %squeeze3A_105 : f32 to vector<16xf32>
        %get3A_107 = arith.index_cast %scan3A_34 : i32 to index
        %get3A_108 = arith.constant 96 : index
        %get3A_109 = tpu.vector_load %arg6[%get3A_107, %get3A_108] {strides = array<i32>} : memref<128x256xf32, #tpu.memory_space<vmem>>, vector<1x16xf32>,
        %get3A_110 = vector.shape_cast %get3A_109 : vector<1x16xf32> to vector<16xf32>
        %mul3A_111 = arith.mulf %get3A_110, %broadcast_in_dim3A_106 : vector<16xf32>
        %swap3A_112 = arith.index_cast %scan3A_34 : i32 to index
        %swap3A_113 = arith.constant 96 : index
        %swap3A_114 = tpu.vector_load %arg6[%swap3A_112, %swap3A_113] {strides = array<i32>} : memref<128x256xf32, #tpu.memory_space<vmem>>, vector<1x16xf32>,
        %swap3A_115 = vector.shape_cast %swap3A_114 : vector<1x16xf32> to vector<16xf32>
        %swap3A_116 = vector.shape_cast %mul3A_111 : vector<16xf32> to vector<1x16xf32>
        tpu.vector_store %arg6[%swap3A_112, %swap3A_113], %swap3A_116 {strides = array<i32>} : memref<128x256xf32, #tpu.memory_space<vmem>>, vector<1x16xf32>,
        %get3A_117 = arith.index_cast %scan3A_34 : i32 to index
        %get3A_118 = arith.constant 112 : index
        %get3A_119 = tpu.vector_load %arg6[%get3A_117, %get3A_118] {strides = array<i32>} : memref<128x256xf32, #tpu.memory_space<vmem>>, vector<1x16xf32>,
        %get3A_120 = vector.shape_cast %get3A_119 : vector<1x16xf32> to vector<16xf32>
        %mul3A_121 = arith.mulf %get3A_120, %broadcast_in_dim3A_106 : vector<16xf32>
        %swap3A_122 = arith.index_cast %scan3A_34 : i32 to index
        %swap3A_123 = arith.constant 112 : index
        %swap3A_124 = tpu.vector_load %arg6[%swap3A_122, %swap3A_123] {strides = array<i32>} : memref<128x256xf32, #tpu.memory_space<vmem>>, vector<1x16xf32>,
        %swap3A_125 = vector.shape_cast %swap3A_124 : vector<1x16xf32> to vector<16xf32>
        %swap3A_126 = vector.shape_cast %mul3A_121 : vector<16xf32> to vector<1x16xf32>
        tpu.vector_store %arg6[%swap3A_122, %swap3A_123], %swap3A_126 {strides = array<i32>} : memref<128x256xf32, #tpu.memory_space<vmem>>, vector<1x16xf32>,
        %slice3A_127 = vector.extract_strided_slice %get3A_38 {offsets = [4], sizes = [1], strides = [1]} : vector<16xf32> to vector<1xf32>
        %squeeze3A_128 = vector.extract %slice3A_127[0] : f32 from vector<1xf32>
        %broadcast_in_dim3A_129 = vector.broadcast %squeeze3A_128 : f32 to vector<16xf32>
        %get3A_130 = arith.index_cast %scan3A_34 : i32 to index
        %get3A_131 = arith.constant 128 : index
        %get3A_132 = tpu.vector_load %arg6[%get3A_130, %get3A_131] {strides = array<i32>} : memref<128x256xf32, #tpu.memory_space<vmem>>, vector<1x16xf32>,
        %get3A_133 = vector.shape_cast %get3A_132 : vector<1x16xf32> to vector<16xf32>
        %mul3A_134 = arith.mulf %get3A_133, %broadcast_in_dim3A_129 : vector<16xf32>
        %swap3A_135 = arith.index_cast %scan3A_34 : i32 to index
        %swap3A_136 = arith.constant 128 : index
        %swap3A_137 = tpu.vector_load %arg6[%swap3A_135, %swap3A_136] {strides = array<i32>} : memref<128x256xf32, #tpu.memory_space<vmem>>, vector<1x16xf32>,
        %swap3A_138 = vector.shape_cast %swap3A_137 : vector<1x16xf32> to vector<16xf32>
        %swap3A_139 = vector.shape_cast %mul3A_134 : vector<16xf32> to vector<1x16xf32>
        tpu.vector_store %arg6[%swap3A_135, %swap3A_136], %swap3A_139 {strides = array<i32>} : memref<128x256xf32, #tpu.memory_space<vmem>>, vector<1x16xf32>,
        %get3A_140 = arith.index_cast %scan3A_34 : i32 to index
        %get3A_141 = arith.constant 144 : index
        %get3A_142 = tpu.vector_load %arg6[%get3A_140, %get3A_141] {strides = array<i32>} : memref<128x256xf32, #tpu.memory_space<vmem>>, vector<1x16xf32>,
        %get3A_143 = vector.shape_cast %get3A_142 : vector<1x16xf32> to vector<16xf32>
        %mul3A_144 = arith.mulf %get3A_143, %broadcast_in_dim3A_129 : vector<16xf32>
        %swap3A_145 = arith.index_cast %scan3A_34 : i32 to index
        %swap3A_146 = arith.constant 144 : index
        %swap3A_147 = tpu.vector_load %arg6[%swap3A_145, %swap3A_146] {strides = array<i32>} : memref<128x256xf32, #tpu.memory_space<vmem>>, vector<1x16xf32>,
        %swap3A_148 = vector.shape_cast %swap3A_147 : vector<1x16xf32> to vector<16xf32>
        %swap3A_149 = vector.shape_cast %mul3A_144 : vector<16xf32> to vector<1x16xf32>
        tpu.vector_store %arg6[%swap3A_145, %swap3A_146], %swap3A_149 {strides = array<i32>} : memref<128x256xf32, #tpu.memory_space<vmem>>, vector<1x16xf32>,
        %slice3A_150 = vector.extract_strided_slice %get3A_38 {offsets = [5], sizes = [1], strides = [1]} : vector<16xf32> to vector<1xf32>
        %squeeze3A_151 = vector.extract %slice3A_150[0] : f32 from vector<1xf32>
        %broadcast_in_dim3A_152 = vector.broadcast %squeeze3A_151 : f32 to vector<16xf32>
        %get3A_153 = arith.index_cast %scan3A_34 : i32 to index
        %get3A_154 = arith.constant 160 : index
        %get3A_155 = tpu.vector_load %arg6[%get3A_153, %get3A_154] {strides = array<i32>} : memref<128x256xf32, #tpu.memory_space<vmem>>, vector<1x16xf32>,
        %get3A_156 = vector.shape_cast %get3A_155 : vector<1x16xf32> to vector<16xf32>
        %mul3A_157 = arith.mulf %get3A_156, %broadcast_in_dim3A_152 : vector<16xf32>
        %swap3A_158 = arith.index_cast %scan3A_34 : i32 to index
        %swap3A_159 = arith.constant 160 : index
        %swap3A_160 = tpu.vector_load %arg6[%swap3A_158, %swap3A_159] {strides = array<i32>} : memref<128x256xf32, #tpu.memory_space<vmem>>, vector<1x16xf32>,
        %swap3A_161 = vector.shape_cast %swap3A_160 : vector<1x16xf32> to vector<16xf32>
        %swap3A_162 = vector.shape_cast %mul3A_157 : vector<16xf32> to vector<1x16xf32>
        tpu.vector_store %arg6[%swap3A_158, %swap3A_159], %swap3A_162 {strides = array<i32>} : memref<128x256xf32, #tpu.memory_space<vmem>>, vector<1x16xf32>,
        %get3A_163 = arith.index_cast %scan3A_34 : i32 to index
        %get3A_164 = arith.constant 176 : index
        %get3A_165 = tpu.vector_load %arg6[%get3A_163, %get3A_164] {strides = array<i32>} : memref<128x256xf32, #tpu.memory_space<vmem>>, vector<1x16xf32>,
        %get3A_166 = vector.shape_cast %get3A_165 : vector<1x16xf32> to vector<16xf32>
        %mul3A_167 = arith.mulf %get3A_166, %broadcast_in_dim3A_152 : vector<16xf32>
        %swap3A_168 = arith.index_cast %scan3A_34 : i32 to index
        %swap3A_169 = arith.constant 176 : index
        %swap3A_170 = tpu.vector_load %arg6[%swap3A_168, %swap3A_169] {strides = array<i32>} : memref<128x256xf32, #tpu.memory_space<vmem>>, vector<1x16xf32>,
        %swap3A_171 = vector.shape_cast %swap3A_170 : vector<1x16xf32> to vector<16xf32>
        %swap3A_172 = vector.shape_cast %mul3A_167 : vector<16xf32> to vector<1x16xf32>
        tpu.vector_store %arg6[%swap3A_168, %swap3A_169], %swap3A_172 {strides = array<i32>} : memref<128x256xf32, #tpu.memory_space<vmem>>, vector<1x16xf32>,
        %slice3A_173 = vector.extract_strided_slice %get3A_38 {offsets = [6], sizes = [1], strides = [1]} : vector<16xf32> to vector<1xf32>
        %squeeze3A_174 = vector.extract %slice3A_173[0] : f32 from vector<1xf32>
        %broadcast_in_dim3A_175 = vector.broadcast %squeeze3A_174 : f32 to vector<16xf32>
        %get3A_176 = arith.index_cast %scan3A_34 : i32 to index
        %get3A_177 = arith.constant 192 : index
        %get3A_178 = tpu.vector_load %arg6[%get3A_176, %get3A_177] {strides = array<i32>} : memref<128x256xf32, #tpu.memory_space<vmem>>, vector<1x16xf32>,
        %get3A_179 = vector.shape_cast %get3A_178 : vector<1x16xf32> to vector<16xf32>
        %mul3A_180 = arith.mulf %get3A_179, %broadcast_in_dim3A_175 : vector<16xf32>
        %swap3A_181 = arith.index_cast %scan3A_34 : i32 to index
        %swap3A_182 = arith.constant 192 : index
        %swap3A_183 = tpu.vector_load %arg6[%swap3A_181, %swap3A_182] {strides = array<i32>} : memref<128x256xf32, #tpu.memory_space<vmem>>, vector<1x16xf32>,
        %swap3A_184 = vector.shape_cast %swap3A_183 : vector<1x16xf32> to vector<16xf32>
        %swap3A_185 = vector.shape_cast %mul3A_180 : vector<16xf32> to vector<1x16xf32>
        tpu.vector_store %arg6[%swap3A_181, %swap3A_182], %swap3A_185 {strides = array<i32>} : memref<128x256xf32, #tpu.memory_space<vmem>>, vector<1x16xf32>,
        %get3A_186 = arith.index_cast %scan3A_34 : i32 to index
        %get3A_187 = arith.constant 208 : index
        %get3A_188 = tpu.vector_load %arg6[%get3A_186, %get3A_187] {strides = array<i32>} : memref<128x256xf32, #tpu.memory_space<vmem>>, vector<1x16xf32>,
        %get3A_189 = vector.shape_cast %get3A_188 : vector<1x16xf32> to vector<16xf32>
        %mul3A_190 = arith.mulf %get3A_189, %broadcast_in_dim3A_175 : vector<16xf32>
        %swap3A_191 = arith.index_cast %scan3A_34 : i32 to index
        %swap3A_192 = arith.constant 208 : index
        %swap3A_193 = tpu.vector_load %arg6[%swap3A_191, %swap3A_192] {strides = array<i32>} : memref<128x256xf32, #tpu.memory_space<vmem>>, vector<1x16xf32>,
        %swap3A_194 = vector.shape_cast %swap3A_193 : vector<1x16xf32> to vector<16xf32>
        %swap3A_195 = vector.shape_cast %mul3A_190 : vector<16xf32> to vector<1x16xf32>
        tpu.vector_store %arg6[%swap3A_191, %swap3A_192], %swap3A_195 {strides = array<i32>} : memref<128x256xf32, #tpu.memory_space<vmem>>, vector<1x16xf32>,
        %slice3A_196 = vector.extract_strided_slice %get3A_38 {offsets = [7], sizes = [1], strides = [1]} : vector<16xf32> to vector<1xf32>
        %squeeze3A_197 = vector.extract %slice3A_196[0] : f32 from vector<1xf32>
        %broadcast_in_dim3A_198 = vector.broadcast %squeeze3A_197 : f32 to vector<16xf32>
        %get3A_199 = arith.index_cast %scan3A_34 : i32 to index
        %get3A_200 = arith.constant 224 : index
        %get3A_201 = tpu.vector_load %arg6[%get3A_199, %get3A_200] {strides = array<i32>} : memref<128x256xf32, #tpu.memory_space<vmem>>, vector<1x16xf32>,
        %get3A_202 = vector.shape_cast %get3A_201 : vector<1x16xf32> to vector<16xf32>
        %mul3A_203 = arith.mulf %get3A_202, %broadcast_in_dim3A_198 : vector<16xf32>
        %swap3A_204 = arith.index_cast %scan3A_34 : i32 to index
        %swap3A_205 = arith.constant 224 : index
        %swap3A_206 = tpu.vector_load %arg6[%swap3A_204, %swap3A_205] {strides = array<i32>} : memref<128x256xf32, #tpu.memory_space<vmem>>, vector<1x16xf32>,
        %swap3A_207 = vector.shape_cast %swap3A_206 : vector<1x16xf32> to vector<16xf32>
        %swap3A_208 = vector.shape_cast %mul3A_203 : vector<16xf32> to vector<1x16xf32>
        tpu.vector_store %arg6[%swap3A_204, %swap3A_205], %swap3A_208 {strides = array<i32>} : memref<128x256xf32, #tpu.memory_space<vmem>>, vector<1x16xf32>,
        %get3A_209 = arith.index_cast %scan3A_34 : i32 to index
        %get3A_210 = arith.constant 240 : index
        %get3A_211 = tpu.vector_load %arg6[%get3A_209, %get3A_210] {strides = array<i32>} : memref<128x256xf32, #tpu.memory_space<vmem>>, vector<1x16xf32>,
        %get3A_212 = vector.shape_cast %get3A_211 : vector<1x16xf32> to vector<16xf32>
        %mul3A_213 = arith.mulf %get3A_212, %broadcast_in_dim3A_198 : vector<16xf32>
        %swap3A_214 = arith.index_cast %scan3A_34 : i32 to index
        %swap3A_215 = arith.constant 240 : index
        %swap3A_216 = tpu.vector_load %arg6[%swap3A_214, %swap3A_215] {strides = array<i32>} : memref<128x256xf32, #tpu.memory_space<vmem>>, vector<1x16xf32>,
        %swap3A_217 = vector.shape_cast %swap3A_216 : vector<1x16xf32> to vector<16xf32>
        %swap3A_218 = vector.shape_cast %mul3A_213 : vector<16xf32> to vector<1x16xf32>
        tpu.vector_store %arg6[%swap3A_214, %swap3A_215], %swap3A_218 {strides = array<i32>} : memref<128x256xf32, #tpu.memory_space<vmem>>, vector<1x16xf32>,
        %scan3A_219 = arith.constant 0 : i32
        scf.yield %scan3A_219 : i32
      }
      %scan3A_32 = arith.constant 128 : i32
      "tpu.region"() ({
        %run_scoped3A = tpu.sem_alloc : memref<!tpu.dma_semaphore, #tpu.memory_space<semaphore_mem>>
        %dma_start3A_34 = arith.constant 0 : i32
        %dma_start3A_35 = tpu.memref_slice %arg5[%multiple_of3A, %dma_start3A_34] : memref<160000x256xf32, #tpu.memory_space<hbm>> -> memref<128x256xf32, #tpu.memory_space<hbm>>
        %dma_start3A_36 = arith.constant 0 : i32
        %dma_start3A_37 = tpu.memref_slice %arg5[%multiple_of3A, %dma_start3A_36] : memref<160000x256xf32, #tpu.memory_space<hbm>> -> memref<128x256xf32, #tpu.memory_space<hbm>>
        tpu.enqueue_dma source(%arg6 : memref<128x256xf32, #tpu.memory_space<vmem>>) target(%dma_start3A_37 : memref<128x256xf32, #tpu.memory_space<hbm>>) target_semaphore(%run_scoped3A : memref<!tpu.dma_semaphore, #tpu.memory_space<semaphore_mem>>)
        %dma_wait3A_38 = arith.constant 0 : i32
        %dma_wait3A_39 = tpu.memref_slice %arg5[%multiple_of3A, %dma_wait3A_38] : memref<160000x256xf32, #tpu.memory_space<hbm>> -> memref<128x256xf32, #tpu.memory_space<hbm>>
        %dma_wait3A_40 = arith.constant 0 : i32
        %dma_wait3A_41 = tpu.memref_slice %arg5[%multiple_of3A, %dma_wait3A_40] : memref<160000x256xf32, #tpu.memory_space<hbm>> -> memref<128x256xf32, #tpu.memory_space<hbm>>
        tpu.wait_dma2 semaphore(%run_scoped3A : memref<!tpu.dma_semaphore, #tpu.memory_space<semaphore_mem>>) src(%arg6 : memref<128x256xf32, #tpu.memory_space<vmem>>) dst(%dma_wait3A_41 : memref<128x256xf32, #tpu.memory_space<hbm>>)
        tpu.yield
      }) : () -> ()
      %while3A_33 = arith.constant 0 : i32
      scf.yield %while3A_33 : i32
    }
    return
  }
}

module attributes {stable_mosaic.version = 14 : i64} {
  func.func @_qkv_body(%arg0: i32, %arg1: memref<1000x256xf32, #tpu.memory_space<vmem>>, %arg2: memref<256x256xf32, #tpu.memory_space<vmem>>, %arg3: memref<256x256xf32, #tpu.memory_space<vmem>>, %arg4: memref<256x256xf32, #tpu.memory_space<vmem>>, %arg5: memref<1000x256xf32, #tpu.memory_space<vmem>>, %arg6: memref<1000x256xf32, #tpu.memory_space<vmem>>, %arg7: memref<1000x256xf32, #tpu.memory_space<vmem>>) attributes {dimension_semantics = [#tpu.dimension_semantics<arbitrary>], iteration_bounds = array<i64: 10>, scalar_prefetch = 0 : i64, scratch_operands = 0 : i64, tpu.core_type = #tpu.core_type<tc>, window_params = [{transform_indices = @transform_0, window_bounds = array<i64: 1000, 256>}, {pipeline_mode = #tpu.pipeline_mode<synchronous>, transform_indices = @transform_1, window_bounds = array<i64: 256, 256>}, {pipeline_mode = #tpu.pipeline_mode<synchronous>, transform_indices = @transform_2, window_bounds = array<i64: 256, 256>}, {pipeline_mode = #tpu.pipeline_mode<synchronous>, transform_indices = @transform_3, window_bounds = array<i64: 256, 256>}, {transform_indices = @transform_4, window_bounds = array<i64: 1000, 256>}, {transform_indices = @transform_5, window_bounds = array<i64: 1000, 256>}, {transform_indices = @transform_6, window_bounds = array<i64: 1000, 256>}]} {
    %get3A = arith.constant 0 : index
    %get3A_0 = arith.constant 0 : index
    %get3A_1 = vector.load %arg1[%get3A, %get3A_0] : memref<1000x256xf32, #tpu.memory_space<vmem>>, vector<1000x256xf32>
    %get3A_2 = arith.constant 0 : index
    %get3A_3 = arith.constant 0 : index
    %get3A_4 = vector.load %arg2[%get3A_2, %get3A_3] : memref<256x256xf32, #tpu.memory_space<vmem>>, vector<256x256xf32>
    %dot_general3A = arith.constant dense<0.000000e+00> : vector<1000x256xf32>
    %dot_general3A_5 = tpu.matmul %get3A_1, %get3A_4, %dot_general3A {dimension_numbers = #tpu.dot_dimension_numbers<[1], [0], [0], [1], [0, 0, 1, 1], [], []>, transpose_lhs_hint = false} : vector<1000x256xf32>, vector<256x256xf32>, vector<1000x256xf32> -> vector<1000x256xf32>
    %swap3A = arith.constant 0 : index
    %swap3A_6 = arith.constant 0 : index
    %swap3A_7 = vector.load %arg5[%swap3A, %swap3A_6] : memref<1000x256xf32, #tpu.memory_space<vmem>>, vector<1000x256xf32>
    tpu.vector_store %arg5[%swap3A, %swap3A_6], %dot_general3A_5 {strides = array<i32>} : memref<1000x256xf32, #tpu.memory_space<vmem>>, vector<1000x256xf32>,
    %get3A_8 = arith.constant 0 : index
    %get3A_9 = arith.constant 0 : index
    %get3A_10 = vector.load %arg3[%get3A_8, %get3A_9] : memref<256x256xf32, #tpu.memory_space<vmem>>, vector<256x256xf32>
    %dot_general3A_11 = arith.constant dense<0.000000e+00> : vector<1000x256xf32>
    %dot_general3A_12 = tpu.matmul %get3A_1, %get3A_10, %dot_general3A_11 {dimension_numbers = #tpu.dot_dimension_numbers<[1], [0], [0], [1], [0, 0, 1, 1], [], []>, transpose_lhs_hint = false} : vector<1000x256xf32>, vector<256x256xf32>, vector<1000x256xf32> -> vector<1000x256xf32>
    %swap3A_13 = arith.constant 0 : index
    %swap3A_14 = arith.constant 0 : index
    %swap3A_15 = vector.load %arg6[%swap3A_13, %swap3A_14] : memref<1000x256xf32, #tpu.memory_space<vmem>>, vector<1000x256xf32>
    tpu.vector_store %arg6[%swap3A_13, %swap3A_14], %dot_general3A_12 {strides = array<i32>} : memref<1000x256xf32, #tpu.memory_space<vmem>>, vector<1000x256xf32>,
    %get3A_16 = arith.constant 0 : index
    %get3A_17 = arith.constant 0 : index
    %get3A_18 = vector.load %arg4[%get3A_16, %get3A_17] : memref<256x256xf32, #tpu.memory_space<vmem>>, vector<256x256xf32>
    %dot_general3A_19 = arith.constant dense<0.000000e+00> : vector<1000x256xf32>
    %dot_general3A_20 = tpu.matmul %get3A_1, %get3A_18, %dot_general3A_19 {dimension_numbers = #tpu.dot_dimension_numbers<[1], [0], [0], [1], [0, 0, 1, 1], [], []>, transpose_lhs_hint = false} : vector<1000x256xf32>, vector<256x256xf32>, vector<1000x256xf32> -> vector<1000x256xf32>
    %swap3A_21 = arith.constant 0 : index
    %swap3A_22 = arith.constant 0 : index
    %swap3A_23 = vector.load %arg7[%swap3A_21, %swap3A_22] : memref<1000x256xf32, #tpu.memory_space<vmem>>, vector<1000x256xf32>
    tpu.vector_store %arg7[%swap3A_21, %swap3A_22], %dot_general3A_20 {strides = array<i32>} : memref<1000x256xf32, #tpu.memory_space<vmem>>, vector<1000x256xf32>,
    return
  }
  func.func @transform_0(%arg0: i32) -> (i32, i32) {
    %c0_i32 = arith.constant 0 : i32
    %c0_i32_0 = arith.constant 0 : i32
    return %arg0, %c0_i32 : i32, i32
  }
  func.func @transform_1(%arg0: i32) -> (i32, i32) {
    %c0_i32 = arith.constant 0 : i32
    %c0_i32_0 = arith.constant 0 : i32
    %c0_i32_1 = arith.constant 0 : i32
    return %c0_i32, %c0_i32_0 : i32, i32
  }
  func.func @transform_2(%arg0: i32) -> (i32, i32) {
    %c0_i32 = arith.constant 0 : i32
    %c0_i32_0 = arith.constant 0 : i32
    %c0_i32_1 = arith.constant 0 : i32
    return %c0_i32, %c0_i32_0 : i32, i32
  }
  func.func @transform_3(%arg0: i32) -> (i32, i32) {
    %c0_i32 = arith.constant 0 : i32
    %c0_i32_0 = arith.constant 0 : i32
    %c0_i32_1 = arith.constant 0 : i32
    return %c0_i32, %c0_i32_0 : i32, i32
  }
  func.func @transform_4(%arg0: i32) -> (i32, i32) {
    %c0_i32 = arith.constant 0 : i32
    %c0_i32_0 = arith.constant 0 : i32
    return %arg0, %c0_i32 : i32, i32
  }
  func.func @transform_5(%arg0: i32) -> (i32, i32) {
    %c0_i32 = arith.constant 0 : i32
    %c0_i32_0 = arith.constant 0 : i32
    return %arg0, %c0_i32 : i32, i32
  }
  func.func @transform_6(%arg0: i32) -> (i32, i32) {
    %c0_i32 = arith.constant 0 : i32
    %c0_i32_0 = arith.constant 0 : i32
    return %arg0, %c0_i32 : i32, i32
  }
}

module attributes {stable_mosaic.version = 14 : i64} {
  func.func @_ks_body(%arg0: i32, %arg1: memref<2000x256xf32, #tpu.memory_space<vmem>>, %arg2: memref<2000x16xf32, #tpu.memory_space<vmem>>) attributes {dimension_semantics = [#tpu.dimension_semantics<arbitrary>], iteration_bounds = array<i64: 80>, scalar_prefetch = 0 : i64, scratch_operands = 0 : i64, tpu.core_type = #tpu.core_type<tc>, window_params = [{transform_indices = @transform_0, window_bounds = array<i64: 2000, 256>}, {transform_indices = @transform_1, window_bounds = array<i64: 2000, 16>}]} {
    %get3A = arith.constant 0 : index
    %get3A_0 = arith.constant 0 : index
    %get3A_1 = vector.load %arg1[%get3A, %get3A_0] : memref<2000x256xf32, #tpu.memory_space<vmem>>, vector<2000x256xf32>
    %reshape3A = vector.shape_cast %get3A_1 : vector<2000x256xf32> to vector<2000x8x32xf32>
    %reduce_sum3A = arith.constant dense<0.000000e+00> : vector<2000x8xf32>
    %reduce_sum3A_2 = vector.multi_reduction <add>, %reshape3A, %reduce_sum3A [2] : vector<2000x8x32xf32> to vector<2000x8xf32>
    %jit3A = arith.constant -5.000000e+00 : f32
    %jit3A_3 = arith.constant 5.000000e+00 : f32
    %max3A = vector.broadcast %jit3A : f32 to vector<2000x8xf32>
    %max3A_4 = arith.maximumf %max3A, %reduce_sum3A_2 : vector<2000x8xf32>
    %min3A = vector.broadcast %jit3A_3 : f32 to vector<2000x8xf32>
    %min3A_5 = arith.minimumf %min3A, %max3A_4 : vector<2000x8xf32>
    %exp3A = math.exp %min3A_5 : vector<2000x8xf32>
    %broadcast_in_dim3A = arith.constant 0.000000e+00 : f32
    %broadcast_in_dim3A_6 = vector.broadcast %broadcast_in_dim3A : f32 to vector<2000x8xf32>
    %concatenate3A = tpu.concatenate %exp3A, %broadcast_in_dim3A_6 in 1 : vector<2000x8xf32>, vector<2000x8xf32> -> vector<2000x16xf32>
    %swap3A = arith.constant 0 : index
    %swap3A_7 = arith.constant 0 : index
    %swap3A_8 = vector.load %arg2[%swap3A, %swap3A_7] : memref<2000x16xf32, #tpu.memory_space<vmem>>, vector<2000x16xf32>
    tpu.vector_store %arg2[%swap3A, %swap3A_7], %concatenate3A {strides = array<i32>} : memref<2000x16xf32, #tpu.memory_space<vmem>>, vector<2000x16xf32>,
    return
  }
  func.func @transform_0(%arg0: i32) -> (i32, i32) {
    %c0_i32 = arith.constant 0 : i32
    %c0_i32_0 = arith.constant 0 : i32
    return %arg0, %c0_i32 : i32, i32
  }
  func.func @transform_1(%arg0: i32) -> (i32, i32) {
    %c0_i32 = arith.constant 0 : i32
    %c0_i32_0 = arith.constant 0 : i32
    return %arg0, %c0_i32 : i32, i32
  }
}

module attributes {stable_mosaic.version = 14 : i64} {
  func.func @_kscat_body(%arg0: i32, %arg1: memref<1x1x2000xi32, #tpu.memory_space<vmem>>, %arg2: memref<2000x256xf32, #tpu.memory_space<vmem>>, %arg3: memref<2000x16xf32, #tpu.memory_space<vmem>>, %arg4: memref<10000x256xf32, #tpu.memory_space<vmem>>, %arg5: memref<10000x16xf32, #tpu.memory_space<vmem>>) attributes {dimension_semantics = [#tpu.dimension_semantics<arbitrary>], iteration_bounds = array<i64: 80>, scalar_prefetch = 0 : i64, scratch_operands = 0 : i64, tpu.core_type = #tpu.core_type<tc>, window_params = [{transform_indices = @transform_0, window_bounds = array<i64: 1, 1, 2000>}, {transform_indices = @transform_1, window_bounds = array<i64: 2000, 256>}, {transform_indices = @transform_2, window_bounds = array<i64: 2000, 16>}, {pipeline_mode = #tpu.pipeline_mode<synchronous>, transform_indices = @transform_3, window_bounds = array<i64: 10000, 256>}, {pipeline_mode = #tpu.pipeline_mode<synchronous>, transform_indices = @transform_4, window_bounds = array<i64: 10000, 16>}]} {
    %eq3A = arith.constant 0 : i32
    %eq3A_0 = arith.cmpi eq, %arg0, %eq3A : i32
    %convert_element_type3A = arith.extui %eq3A_0 : i1 to i32
    %cond3A = arith.constant 0 : i32
    %cond3A_1 = arith.cmpi ne, %convert_element_type3A, %cond3A : i32
    scf.if %cond3A_1 {
      %broadcast_in_dim3A_149 = arith.constant 0.000000e+00 : f32
      %broadcast_in_dim3A_150 = vector.broadcast %broadcast_in_dim3A_149 : f32 to vector<10000x256xf32>
      %swap3A_151 = arith.constant 0 : index
      %swap3A_152 = arith.constant 0 : index
      %swap3A_153 = vector.load %arg4[%swap3A_151, %swap3A_152] : memref<10000x256xf32, #tpu.memory_space<vmem>>, vector<10000x256xf32>
      tpu.vector_store %arg4[%swap3A_151, %swap3A_152], %broadcast_in_dim3A_150 {strides = array<i32>} : memref<10000x256xf32, #tpu.memory_space<vmem>>, vector<10000x256xf32>,
      %broadcast_in_dim3A_154 = arith.constant 0.000000e+00 : f32
      %broadcast_in_dim3A_155 = vector.broadcast %broadcast_in_dim3A_154 : f32 to vector<10000x16xf32>
      %swap3A_156 = arith.constant 0 : index
      %swap3A_157 = arith.constant 0 : index
      %swap3A_158 = vector.load %arg5[%swap3A_156, %swap3A_157] : memref<10000x16xf32, #tpu.memory_space<vmem>>, vector<10000x16xf32>
      tpu.vector_store %arg5[%swap3A_156, %swap3A_157], %broadcast_in_dim3A_155 {strides = array<i32>} : memref<10000x16xf32, #tpu.memory_space<vmem>>, vector<10000x16xf32>,
    } else {
    }
    %get3A = arith.constant 0 : index
    %get3A_2 = arith.constant 0 : index
    %get3A_3 = arith.constant 0 : index
    %get3A_4 = vector.load %arg1[%get3A, %get3A_2, %get3A_3] : memref<1x1x2000xi32, #tpu.memory_space<vmem>>, vector<1x1x2000xi32>
    %get3A_5 = vector.shape_cast %get3A_4 : vector<1x1x2000xi32> to vector<2000xi32>
    %get3A_6 = arith.constant 0 : index
    %get3A_7 = arith.constant 0 : index
    %get3A_8 = vector.load %arg2[%get3A_6, %get3A_7] : memref<2000x256xf32, #tpu.memory_space<vmem>>, vector<2000x256xf32>
    %convert_element_type3A_9 = arith.truncf %get3A_8 : vector<2000x256xf32> to vector<2000x256xbf16>
    %get3A_10 = arith.constant 0 : index
    %get3A_11 = arith.constant 0 : index
    %get3A_12 = vector.load %arg3[%get3A_10, %get3A_11] : memref<2000x16xf32, #tpu.memory_space<vmem>>, vector<2000x16xf32>
    %convert_element_type3A_13 = arith.truncf %get3A_12 : vector<2000x16xf32> to vector<2000x16xbf16>
    %iota3A = tpu.iota {dimensions = array<i32: 0>} : vector<2000x2000xi32>
    %add3A = arith.constant 0 : i32
    %add3A_14 = vector.broadcast %add3A : i32 to vector<2000x2000xi32>
    %add3A_15 = arith.addi %iota3A, %add3A_14 : vector<2000x2000xi32>
    %broadcast_in_dim3A = vector.shape_cast %get3A_5 : vector<2000xi32> to vector<1x2000xi32>
    %eq3A_16 = vector.broadcast %broadcast_in_dim3A : vector<1x2000xi32> to vector<2000x2000xi32>
    %eq3A_17 = arith.cmpi eq, %add3A_15, %eq3A_16 : vector<2000x2000xi32>
    %convert_element_type3A_18 = arith.extui %eq3A_17 : vector<2000x2000xi1> to vector<2000x2000xi32>
    %convert_element_type3A_19 = arith.sitofp %convert_element_type3A_18 : vector<2000x2000xi32> to vector<2000x2000xf32>
    %convert_element_type3A_20 = arith.truncf %convert_element_type3A_19 : vector<2000x2000xf32> to vector<2000x2000xbf16>
    %get3A_21 = arith.constant 0 : index
    %get3A_22 = arith.constant 0 : index
    %get3A_23 = vector.load %arg4[%get3A_21, %get3A_22] : memref<10000x256xf32, #tpu.memory_space<vmem>>, vector<2000x256xf32>
    %dot_general3A = arith.constant dense<0.000000e+00> : vector<2000x256xf32>
    %dot_general3A_24 = tpu.matmul %convert_element_type3A_20, %convert_element_type3A_9, %dot_general3A {dimension_numbers = #tpu.dot_dimension_numbers<[1], [0], [0], [1], [0, 0, 1, 1], [], []>, transpose_lhs_hint = false} : vector<2000x2000xbf16>, vector<2000x256xbf16>, vector<2000x256xf32> -> vector<2000x256xf32>
    %add3A_25 = arith.addf %get3A_23, %dot_general3A_24 : vector<2000x256xf32>
    %swap3A = arith.constant 0 : index
    %swap3A_26 = arith.constant 0 : index
    %swap3A_27 = vector.load %arg4[%swap3A, %swap3A_26] : memref<10000x256xf32, #tpu.memory_space<vmem>>, vector<2000x256xf32>
    tpu.vector_store %arg4[%swap3A, %swap3A_26], %add3A_25 {strides = array<i32>} : memref<10000x256xf32, #tpu.memory_space<vmem>>, vector<2000x256xf32>,
    %get3A_28 = arith.constant 0 : index
    %get3A_29 = arith.constant 0 : index
    %get3A_30 = vector.load %arg5[%get3A_28, %get3A_29] : memref<10000x16xf32, #tpu.memory_space<vmem>>, vector<2000x16xf32>
    %dot_general3A_31 = arith.constant dense<0.000000e+00> : vector<2000x16xf32>
    %dot_general3A_32 = tpu.matmul %convert_element_type3A_20, %convert_element_type3A_13, %dot_general3A_31 {dimension_numbers = #tpu.dot_dimension_numbers<[1], [0], [0], [1], [0, 0, 1, 1], [], []>, transpose_lhs_hint = false} : vector<2000x2000xbf16>, vector<2000x16xbf16>, vector<2000x16xf32> -> vector<2000x16xf32>
    %add3A_33 = arith.addf %get3A_30, %dot_general3A_32 : vector<2000x16xf32>
    %swap3A_34 = arith.constant 0 : index
    %swap3A_35 = arith.constant 0 : index
    %swap3A_36 = vector.load %arg5[%swap3A_34, %swap3A_35] : memref<10000x16xf32, #tpu.memory_space<vmem>>, vector<2000x16xf32>
    tpu.vector_store %arg5[%swap3A_34, %swap3A_35], %add3A_33 {strides = array<i32>} : memref<10000x16xf32, #tpu.memory_space<vmem>>, vector<2000x16xf32>,
    %iota3A_37 = tpu.iota {dimensions = array<i32: 0>} : vector<2000x2000xi32>
    %add3A_38 = arith.constant 2000 : i32
    %add3A_39 = vector.broadcast %add3A_38 : i32 to vector<2000x2000xi32>
    %add3A_40 = arith.addi %iota3A_37, %add3A_39 : vector<2000x2000xi32>
    %broadcast_in_dim3A_41 = vector.shape_cast %get3A_5 : vector<2000xi32> to vector<1x2000xi32>
    %eq3A_42 = vector.broadcast %broadcast_in_dim3A_41 : vector<1x2000xi32> to vector<2000x2000xi32>
    %eq3A_43 = arith.cmpi eq, %add3A_40, %eq3A_42 : vector<2000x2000xi32>
    %convert_element_type3A_44 = arith.extui %eq3A_43 : vector<2000x2000xi1> to vector<2000x2000xi32>
    %convert_element_type3A_45 = arith.sitofp %convert_element_type3A_44 : vector<2000x2000xi32> to vector<2000x2000xf32>
    %convert_element_type3A_46 = arith.truncf %convert_element_type3A_45 : vector<2000x2000xf32> to vector<2000x2000xbf16>
    %get3A_47 = arith.constant 2000 : index
    %get3A_48 = arith.constant 0 : index
    %get3A_49 = vector.load %arg4[%get3A_47, %get3A_48] : memref<10000x256xf32, #tpu.memory_space<vmem>>, vector<2000x256xf32>
    %dot_general3A_50 = arith.constant dense<0.000000e+00> : vector<2000x256xf32>
    %dot_general3A_51 = tpu.matmul %convert_element_type3A_46, %convert_element_type3A_9, %dot_general3A_50 {dimension_numbers = #tpu.dot_dimension_numbers<[1], [0], [0], [1], [0, 0, 1, 1], [], []>, transpose_lhs_hint = false} : vector<2000x2000xbf16>, vector<2000x256xbf16>, vector<2000x256xf32> -> vector<2000x256xf32>
    %add3A_52 = arith.addf %get3A_49, %dot_general3A_51 : vector<2000x256xf32>
    %swap3A_53 = arith.constant 2000 : index
    %swap3A_54 = arith.constant 0 : index
    %swap3A_55 = vector.load %arg4[%swap3A_53, %swap3A_54] : memref<10000x256xf32, #tpu.memory_space<vmem>>, vector<2000x256xf32>
    tpu.vector_store %arg4[%swap3A_53, %swap3A_54], %add3A_52 {strides = array<i32>} : memref<10000x256xf32, #tpu.memory_space<vmem>>, vector<2000x256xf32>,
    %get3A_56 = arith.constant 2000 : index
    %get3A_57 = arith.constant 0 : index
    %get3A_58 = vector.load %arg5[%get3A_56, %get3A_57] : memref<10000x16xf32, #tpu.memory_space<vmem>>, vector<2000x16xf32>
    %dot_general3A_59 = arith.constant dense<0.000000e+00> : vector<2000x16xf32>
    %dot_general3A_60 = tpu.matmul %convert_element_type3A_46, %convert_element_type3A_13, %dot_general3A_59 {dimension_numbers = #tpu.dot_dimension_numbers<[1], [0], [0], [1], [0, 0, 1, 1], [], []>, transpose_lhs_hint = false} : vector<2000x2000xbf16>, vector<2000x16xbf16>, vector<2000x16xf32> -> vector<2000x16xf32>
    %add3A_61 = arith.addf %get3A_58, %dot_general3A_60 : vector<2000x16xf32>
    %swap3A_62 = arith.constant 2000 : index
    %swap3A_63 = arith.constant 0 : index
    %swap3A_64 = vector.load %arg5[%swap3A_62, %swap3A_63] : memref<10000x16xf32, #tpu.memory_space<vmem>>, vector<2000x16xf32>
    tpu.vector_store %arg5[%swap3A_62, %swap3A_63], %add3A_61 {strides = array<i32>} : memref<10000x16xf32, #tpu.memory_space<vmem>>, vector<2000x16xf32>,
    %iota3A_65 = tpu.iota {dimensions = array<i32: 0>} : vector<2000x2000xi32>
    %add3A_66 = arith.constant 4000 : i32
    %add3A_67 = vector.broadcast %add3A_66 : i32 to vector<2000x2000xi32>
    %add3A_68 = arith.addi %iota3A_65, %add3A_67 : vector<2000x2000xi32>
    %broadcast_in_dim3A_69 = vector.shape_cast %get3A_5 : vector<2000xi32> to vector<1x2000xi32>
    %eq3A_70 = vector.broadcast %broadcast_in_dim3A_69 : vector<1x2000xi32> to vector<2000x2000xi32>
    %eq3A_71 = arith.cmpi eq, %add3A_68, %eq3A_70 : vector<2000x2000xi32>
    %convert_element_type3A_72 = arith.extui %eq3A_71 : vector<2000x2000xi1> to vector<2000x2000xi32>
    %convert_element_type3A_73 = arith.sitofp %convert_element_type3A_72 : vector<2000x2000xi32> to vector<2000x2000xf32>
    %convert_element_type3A_74 = arith.truncf %convert_element_type3A_73 : vector<2000x2000xf32> to vector<2000x2000xbf16>
    %get3A_75 = arith.constant 4000 : index
    %get3A_76 = arith.constant 0 : index
    %get3A_77 = vector.load %arg4[%get3A_75, %get3A_76] : memref<10000x256xf32, #tpu.memory_space<vmem>>, vector<2000x256xf32>
    %dot_general3A_78 = arith.constant dense<0.000000e+00> : vector<2000x256xf32>
    %dot_general3A_79 = tpu.matmul %convert_element_type3A_74, %convert_element_type3A_9, %dot_general3A_78 {dimension_numbers = #tpu.dot_dimension_numbers<[1], [0], [0], [1], [0, 0, 1, 1], [], []>, transpose_lhs_hint = false} : vector<2000x2000xbf16>, vector<2000x256xbf16>, vector<2000x256xf32> -> vector<2000x256xf32>
    %add3A_80 = arith.addf %get3A_77, %dot_general3A_79 : vector<2000x256xf32>
    %swap3A_81 = arith.constant 4000 : index
    %swap3A_82 = arith.constant 0 : index
    %swap3A_83 = vector.load %arg4[%swap3A_81, %swap3A_82] : memref<10000x256xf32, #tpu.memory_space<vmem>>, vector<2000x256xf32>
    tpu.vector_store %arg4[%swap3A_81, %swap3A_82], %add3A_80 {strides = array<i32>} : memref<10000x256xf32, #tpu.memory_space<vmem>>, vector<2000x256xf32>,
    %get3A_84 = arith.constant 4000 : index
    %get3A_85 = arith.constant 0 : index
    %get3A_86 = vector.load %arg5[%get3A_84, %get3A_85] : memref<10000x16xf32, #tpu.memory_space<vmem>>, vector<2000x16xf32>
    %dot_general3A_87 = arith.constant dense<0.000000e+00> : vector<2000x16xf32>
    %dot_general3A_88 = tpu.matmul %convert_element_type3A_74, %convert_element_type3A_13, %dot_general3A_87 {dimension_numbers = #tpu.dot_dimension_numbers<[1], [0], [0], [1], [0, 0, 1, 1], [], []>, transpose_lhs_hint = false} : vector<2000x2000xbf16>, vector<2000x16xbf16>, vector<2000x16xf32> -> vector<2000x16xf32>
    %add3A_89 = arith.addf %get3A_86, %dot_general3A_88 : vector<2000x16xf32>
    %swap3A_90 = arith.constant 4000 : index
    %swap3A_91 = arith.constant 0 : index
    %swap3A_92 = vector.load %arg5[%swap3A_90, %swap3A_91] : memref<10000x16xf32, #tpu.memory_space<vmem>>, vector<2000x16xf32>
    tpu.vector_store %arg5[%swap3A_90, %swap3A_91], %add3A_89 {strides = array<i32>} : memref<10000x16xf32, #tpu.memory_space<vmem>>, vector<2000x16xf32>,
    %iota3A_93 = tpu.iota {dimensions = array<i32: 0>} : vector<2000x2000xi32>
    %add3A_94 = arith.constant 6000 : i32
    %add3A_95 = vector.broadcast %add3A_94 : i32 to vector<2000x2000xi32>
    %add3A_96 = arith.addi %iota3A_93, %add3A_95 : vector<2000x2000xi32>
    %broadcast_in_dim3A_97 = vector.shape_cast %get3A_5 : vector<2000xi32> to vector<1x2000xi32>
    %eq3A_98 = vector.broadcast %broadcast_in_dim3A_97 : vector<1x2000xi32> to vector<2000x2000xi32>
    %eq3A_99 = arith.cmpi eq, %add3A_96, %eq3A_98 : vector<2000x2000xi32>
    %convert_element_type3A_100 = arith.extui %eq3A_99 : vector<2000x2000xi1> to vector<2000x2000xi32>
    %convert_element_type3A_101 = arith.sitofp %convert_element_type3A_100 : vector<2000x2000xi32> to vector<2000x2000xf32>
    %convert_element_type3A_102 = arith.truncf %convert_element_type3A_101 : vector<2000x2000xf32> to vector<2000x2000xbf16>
    %get3A_103 = arith.constant 6000 : index
    %get3A_104 = arith.constant 0 : index
    %get3A_105 = vector.load %arg4[%get3A_103, %get3A_104] : memref<10000x256xf32, #tpu.memory_space<vmem>>, vector<2000x256xf32>
    %dot_general3A_106 = arith.constant dense<0.000000e+00> : vector<2000x256xf32>
    %dot_general3A_107 = tpu.matmul %convert_element_type3A_102, %convert_element_type3A_9, %dot_general3A_106 {dimension_numbers = #tpu.dot_dimension_numbers<[1], [0], [0], [1], [0, 0, 1, 1], [], []>, transpose_lhs_hint = false} : vector<2000x2000xbf16>, vector<2000x256xbf16>, vector<2000x256xf32> -> vector<2000x256xf32>
    %add3A_108 = arith.addf %get3A_105, %dot_general3A_107 : vector<2000x256xf32>
    %swap3A_109 = arith.constant 6000 : index
    %swap3A_110 = arith.constant 0 : index
    %swap3A_111 = vector.load %arg4[%swap3A_109, %swap3A_110] : memref<10000x256xf32, #tpu.memory_space<vmem>>, vector<2000x256xf32>
    tpu.vector_store %arg4[%swap3A_109, %swap3A_110], %add3A_108 {strides = array<i32>} : memref<10000x256xf32, #tpu.memory_space<vmem>>, vector<2000x256xf32>,
    %get3A_112 = arith.constant 6000 : index
    %get3A_113 = arith.constant 0 : index
    %get3A_114 = vector.load %arg5[%get3A_112, %get3A_113] : memref<10000x16xf32, #tpu.memory_space<vmem>>, vector<2000x16xf32>
    %dot_general3A_115 = arith.constant dense<0.000000e+00> : vector<2000x16xf32>
    %dot_general3A_116 = tpu.matmul %convert_element_type3A_102, %convert_element_type3A_13, %dot_general3A_115 {dimension_numbers = #tpu.dot_dimension_numbers<[1], [0], [0], [1], [0, 0, 1, 1], [], []>, transpose_lhs_hint = false} : vector<2000x2000xbf16>, vector<2000x16xbf16>, vector<2000x16xf32> -> vector<2000x16xf32>
    %add3A_117 = arith.addf %get3A_114, %dot_general3A_116 : vector<2000x16xf32>
    %swap3A_118 = arith.constant 6000 : index
    %swap3A_119 = arith.constant 0 : index
    %swap3A_120 = vector.load %arg5[%swap3A_118, %swap3A_119] : memref<10000x16xf32, #tpu.memory_space<vmem>>, vector<2000x16xf32>
    tpu.vector_store %arg5[%swap3A_118, %swap3A_119], %add3A_117 {strides = array<i32>} : memref<10000x16xf32, #tpu.memory_space<vmem>>, vector<2000x16xf32>,
    %iota3A_121 = tpu.iota {dimensions = array<i32: 0>} : vector<2000x2000xi32>
    %add3A_122 = arith.constant 8000 : i32
    %add3A_123 = vector.broadcast %add3A_122 : i32 to vector<2000x2000xi32>
    %add3A_124 = arith.addi %iota3A_121, %add3A_123 : vector<2000x2000xi32>
    %broadcast_in_dim3A_125 = vector.shape_cast %get3A_5 : vector<2000xi32> to vector<1x2000xi32>
    %eq3A_126 = vector.broadcast %broadcast_in_dim3A_125 : vector<1x2000xi32> to vector<2000x2000xi32>
    %eq3A_127 = arith.cmpi eq, %add3A_124, %eq3A_126 : vector<2000x2000xi32>
    %convert_element_type3A_128 = arith.extui %eq3A_127 : vector<2000x2000xi1> to vector<2000x2000xi32>
    %convert_element_type3A_129 = arith.sitofp %convert_element_type3A_128 : vector<2000x2000xi32> to vector<2000x2000xf32>
    %convert_element_type3A_130 = arith.truncf %convert_element_type3A_129 : vector<2000x2000xf32> to vector<2000x2000xbf16>
    %get3A_131 = arith.constant 8000 : index
    %get3A_132 = arith.constant 0 : index
    %get3A_133 = vector.load %arg4[%get3A_131, %get3A_132] : memref<10000x256xf32, #tpu.memory_space<vmem>>, vector<2000x256xf32>
    %dot_general3A_134 = arith.constant dense<0.000000e+00> : vector<2000x256xf32>
    %dot_general3A_135 = tpu.matmul %convert_element_type3A_130, %convert_element_type3A_9, %dot_general3A_134 {dimension_numbers = #tpu.dot_dimension_numbers<[1], [0], [0], [1], [0, 0, 1, 1], [], []>, transpose_lhs_hint = false} : vector<2000x2000xbf16>, vector<2000x256xbf16>, vector<2000x256xf32> -> vector<2000x256xf32>
    %add3A_136 = arith.addf %get3A_133, %dot_general3A_135 : vector<2000x256xf32>
    %swap3A_137 = arith.constant 8000 : index
    %swap3A_138 = arith.constant 0 : index
    %swap3A_139 = vector.load %arg4[%swap3A_137, %swap3A_138] : memref<10000x256xf32, #tpu.memory_space<vmem>>, vector<2000x256xf32>
    tpu.vector_store %arg4[%swap3A_137, %swap3A_138], %add3A_136 {strides = array<i32>} : memref<10000x256xf32, #tpu.memory_space<vmem>>, vector<2000x256xf32>,
    %get3A_140 = arith.constant 8000 : index
    %get3A_141 = arith.constant 0 : index
    %get3A_142 = vector.load %arg5[%get3A_140, %get3A_141] : memref<10000x16xf32, #tpu.memory_space<vmem>>, vector<2000x16xf32>
    %dot_general3A_143 = arith.constant dense<0.000000e+00> : vector<2000x16xf32>
    %dot_general3A_144 = tpu.matmul %convert_element_type3A_130, %convert_element_type3A_13, %dot_general3A_143 {dimension_numbers = #tpu.dot_dimension_numbers<[1], [0], [0], [1], [0, 0, 1, 1], [], []>, transpose_lhs_hint = false} : vector<2000x2000xbf16>, vector<2000x16xbf16>, vector<2000x16xf32> -> vector<2000x16xf32>
    %add3A_145 = arith.addf %get3A_142, %dot_general3A_144 : vector<2000x16xf32>
    %swap3A_146 = arith.constant 8000 : index
    %swap3A_147 = arith.constant 0 : index
    %swap3A_148 = vector.load %arg5[%swap3A_146, %swap3A_147] : memref<10000x16xf32, #tpu.memory_space<vmem>>, vector<2000x16xf32>
    tpu.vector_store %arg5[%swap3A_146, %swap3A_147], %add3A_145 {strides = array<i32>} : memref<10000x16xf32, #tpu.memory_space<vmem>>, vector<2000x16xf32>,
    return
  }
  func.func @transform_0(%arg0: i32) -> (i32, i32, i32) {
    %c0_i32 = arith.constant 0 : i32
    %c0_i32_0 = arith.constant 0 : i32
    %c0_i32_1 = arith.constant 0 : i32
    return %arg0, %c0_i32, %c0_i32_0 : i32, i32, i32
  }
  func.func @transform_1(%arg0: i32) -> (i32, i32) {
    %c0_i32 = arith.constant 0 : i32
    %c0_i32_0 = arith.constant 0 : i32
    return %arg0, %c0_i32 : i32, i32
  }
  func.func @transform_2(%arg0: i32) -> (i32, i32) {
    %c0_i32 = arith.constant 0 : i32
    %c0_i32_0 = arith.constant 0 : i32
    return %arg0, %c0_i32 : i32, i32
  }
  func.func @transform_3(%arg0: i32) -> (i32, i32) {
    %c0_i32 = arith.constant 0 : i32
    %c0_i32_0 = arith.constant 0 : i32
    %c0_i32_1 = arith.constant 0 : i32
    return %c0_i32, %c0_i32_0 : i32, i32
  }
  func.func @transform_4(%arg0: i32) -> (i32, i32) {
    %c0_i32 = arith.constant 0 : i32
    %c0_i32_0 = arith.constant 0 : i32
    %c0_i32_1 = arith.constant 0 : i32
    return %c0_i32, %c0_i32_0 : i32, i32
  }
}

module attributes {stable_mosaic.version = 14 : i64} {
  func.func @_ka_body(%arg0: i32, %arg1: memref<1000x256xf32, #tpu.memory_space<vmem>>, %arg2: memref<1000x256xf32, #tpu.memory_space<vmem>>, %arg3: memref<1000x16xf32, #tpu.memory_space<vmem>>, %arg4: memref<256x256xf32, #tpu.memory_space<vmem>>, %arg5: memref<1x256xf32, #tpu.memory_space<vmem>>, %arg6: memref<1000x256xf32, #tpu.memory_space<vmem>>, %arg7: memref<1x256xf32, #tpu.memory_space<vmem>>, %arg8: memref<1x256xf32, #tpu.memory_space<vmem>>) attributes {dimension_semantics = [#tpu.dimension_semantics<arbitrary>], iteration_bounds = array<i64: 10>, scalar_prefetch = 0 : i64, scratch_operands = 0 : i64, tpu.core_type = #tpu.core_type<tc>, window_params = [{transform_indices = @transform_0, window_bounds = array<i64: 1000, 256>}, {transform_indices = @transform_1, window_bounds = array<i64: 1000, 256>}, {transform_indices = @transform_2, window_bounds = array<i64: 1000, 16>}, {pipeline_mode = #tpu.pipeline_mode<synchronous>, transform_indices = @transform_3, window_bounds = array<i64: 256, 256>}, {pipeline_mode = #tpu.pipeline_mode<synchronous>, transform_indices = @transform_4, window_bounds = array<i64: 1, 256>}, {transform_indices = @transform_5, window_bounds = array<i64: 1000, 256>}, {pipeline_mode = #tpu.pipeline_mode<synchronous>, transform_indices = @transform_6, window_bounds = array<i64: 1, 256>}, {pipeline_mode = #tpu.pipeline_mode<synchronous>, transform_indices = @transform_7, window_bounds = array<i64: 1, 256>}]} {
    %get3A = arith.constant 0 : index
    %get3A_0 = arith.constant 0 : index
    %get3A_1 = vector.load %arg3[%get3A, %get3A_0] : memref<1000x16xf32, #tpu.memory_space<vmem>>, vector<1000x16xf32>
    %slice3A = vector.extract_strided_slice %get3A_1 {offsets = [0, 0], sizes = [1000, 8], strides = [1, 1]} : vector<1000x16xf32> to vector<1000x8xf32>
    %reshape3A = vector.shape_cast %slice3A : vector<1000x8xf32> to vector<1000x8x1xf32>
    %add3A = arith.constant 9.99999997E-7 : f32
    %add3A_2 = vector.broadcast %add3A : f32 to vector<1000x8x1xf32>
    %add3A_3 = arith.addf %reshape3A, %add3A_2 : vector<1000x8x1xf32>
    %get3A_4 = arith.constant 0 : index
    %get3A_5 = arith.constant 0 : index
    %get3A_6 = vector.load %arg2[%get3A_4, %get3A_5] : memref<1000x256xf32, #tpu.memory_space<vmem>>, vector<1000x256xf32>
    %reshape3A_7 = vector.shape_cast %get3A_6 : vector<1000x256xf32> to vector<1000x8x32xf32>
    %div3A = vector.broadcast %add3A_3 : vector<1000x8x1xf32> to vector<1000x8x32xf32>
    %div3A_8 = arith.divf %reshape3A_7, %div3A : vector<1000x8x32xf32>
    %reshape3A_9 = vector.shape_cast %div3A_8 : vector<1000x8x32xf32> to vector<1000x256xf32>
    %get3A_10 = arith.constant 0 : index
    %get3A_11 = arith.constant 0 : index
    %get3A_12 = vector.load %arg1[%get3A_10, %get3A_11] : memref<1000x256xf32, #tpu.memory_space<vmem>>, vector<1000x256xf32>
    %get3A_13 = arith.constant 0 : index
    %get3A_14 = arith.constant 0 : index
    %get3A_15 = vector.load %arg4[%get3A_13, %get3A_14] : memref<256x256xf32, #tpu.memory_space<vmem>>, vector<256x256xf32>
    %dot_general3A = arith.constant dense<0.000000e+00> : vector<1000x256xf32>
    %dot_general3A_16 = tpu.matmul %reshape3A_9, %get3A_15, %dot_general3A {dimension_numbers = #tpu.dot_dimension_numbers<[1], [0], [0], [1], [0, 0, 1, 1], [], []>, transpose_lhs_hint = false} : vector<1000x256xf32>, vector<256x256xf32>, vector<1000x256xf32> -> vector<1000x256xf32>
    %add3A_17 = arith.addf %get3A_12, %dot_general3A_16 : vector<1000x256xf32>
    %get3A_18 = arith.constant 0 : index
    %get3A_19 = arith.constant 0 : index
    %get3A_20 = vector.load %arg5[%get3A_18, %get3A_19] : memref<1x256xf32, #tpu.memory_space<vmem>>, vector<1x256xf32>
    %add3A_21 = vector.broadcast %get3A_20 : vector<1x256xf32> to vector<1000x256xf32>
    %add3A_22 = arith.addf %add3A_17, %add3A_21 : vector<1000x256xf32>
    %swap3A = arith.constant 0 : index
    %swap3A_23 = arith.constant 0 : index
    %swap3A_24 = vector.load %arg6[%swap3A, %swap3A_23] : memref<1000x256xf32, #tpu.memory_space<vmem>>, vector<1000x256xf32>
    tpu.vector_store %arg6[%swap3A, %swap3A_23], %add3A_22 {strides = array<i32>} : memref<1000x256xf32, #tpu.memory_space<vmem>>, vector<1000x256xf32>,
    %eq3A = arith.constant 0 : i32
    %eq3A_25 = arith.cmpi eq, %arg0, %eq3A : i32
    %convert_element_type3A = arith.extui %eq3A_25 : i1 to i32
    %cond3A = arith.constant 0 : i32
    %cond3A_26 = arith.cmpi ne, %convert_element_type3A, %cond3A : i32
    scf.if %cond3A_26 {
      %broadcast_in_dim3A_45 = arith.constant 0.000000e+00 : f32
      %broadcast_in_dim3A_46 = vector.broadcast %broadcast_in_dim3A_45 : f32 to vector<1x256xf32>
      %swap3A_47 = arith.constant 0 : index
      %swap3A_48 = arith.constant 0 : index
      %swap3A_49 = vector.load %arg7[%swap3A_47, %swap3A_48] : memref<1x256xf32, #tpu.memory_space<vmem>>, vector<1x256xf32>
      tpu.vector_store %arg7[%swap3A_47, %swap3A_48], %broadcast_in_dim3A_46 {strides = array<i32>} : memref<1x256xf32, #tpu.memory_space<vmem>>, vector<1x256xf32>,
      %broadcast_in_dim3A_50 = arith.constant 0.000000e+00 : f32
      %broadcast_in_dim3A_51 = vector.broadcast %broadcast_in_dim3A_50 : f32 to vector<1x256xf32>
      %swap3A_52 = arith.constant 0 : index
      %swap3A_53 = arith.constant 0 : index
      %swap3A_54 = vector.load %arg8[%swap3A_52, %swap3A_53] : memref<1x256xf32, #tpu.memory_space<vmem>>, vector<1x256xf32>
      tpu.vector_store %arg8[%swap3A_52, %swap3A_53], %broadcast_in_dim3A_51 {strides = array<i32>} : memref<1x256xf32, #tpu.memory_space<vmem>>, vector<1x256xf32>,
    } else {
    }
    %get3A_27 = arith.constant 0 : index
    %get3A_28 = arith.constant 0 : index
    %get3A_29 = vector.load %arg7[%get3A_27, %get3A_28] : memref<1x256xf32, #tpu.memory_space<vmem>>, vector<1x256xf32>
    %reduce_sum3A = arith.constant dense<0.000000e+00> : vector<256xf32>
    %reduce_sum3A_30 = vector.multi_reduction <add>, %add3A_22, %reduce_sum3A [0] : vector<1000x256xf32> to vector<256xf32>
    %broadcast_in_dim3A = vector.shape_cast %reduce_sum3A_30 : vector<256xf32> to vector<1x256xf32>
    %add3A_31 = arith.addf %get3A_29, %broadcast_in_dim3A : vector<1x256xf32>
    %swap3A_32 = arith.constant 0 : index
    %swap3A_33 = arith.constant 0 : index
    %swap3A_34 = vector.load %arg7[%swap3A_32, %swap3A_33] : memref<1x256xf32, #tpu.memory_space<vmem>>, vector<1x256xf32>
    tpu.vector_store %arg7[%swap3A_32, %swap3A_33], %add3A_31 {strides = array<i32>} : memref<1x256xf32, #tpu.memory_space<vmem>>, vector<1x256xf32>,
    %get3A_35 = arith.constant 0 : index
    %get3A_36 = arith.constant 0 : index
    %get3A_37 = vector.load %arg8[%get3A_35, %get3A_36] : memref<1x256xf32, #tpu.memory_space<vmem>>, vector<1x256xf32>
    %mul3A = arith.mulf %add3A_22, %add3A_22 : vector<1000x256xf32>
    %reduce_sum3A_38 = arith.constant dense<0.000000e+00> : vector<256xf32>
    %reduce_sum3A_39 = vector.multi_reduction <add>, %mul3A, %reduce_sum3A_38 [0] : vector<1000x256xf32> to vector<256xf32>
    %broadcast_in_dim3A_40 = vector.shape_cast %reduce_sum3A_39 : vector<256xf32> to vector<1x256xf32>
    %add3A_41 = arith.addf %get3A_37, %broadcast_in_dim3A_40 : vector<1x256xf32>
    %swap3A_42 = arith.constant 0 : index
    %swap3A_43 = arith.constant 0 : index
    %swap3A_44 = vector.load %arg8[%swap3A_42, %swap3A_43] : memref<1x256xf32, #tpu.memory_space<vmem>>, vector<1x256xf32>
    tpu.vector_store %arg8[%swap3A_42, %swap3A_43], %add3A_41 {strides = array<i32>} : memref<1x256xf32, #tpu.memory_space<vmem>>, vector<1x256xf32>,
    return
  }
  func.func @transform_0(%arg0: i32) -> (i32, i32) {
    %c0_i32 = arith.constant 0 : i32
    %c0_i32_0 = arith.constant 0 : i32
    return %arg0, %c0_i32 : i32, i32
  }
  func.func @transform_1(%arg0: i32) -> (i32, i32) {
    %c0_i32 = arith.constant 0 : i32
    %c0_i32_0 = arith.constant 0 : i32
    return %arg0, %c0_i32 : i32, i32
  }
  func.func @transform_2(%arg0: i32) -> (i32, i32) {
    %c0_i32 = arith.constant 0 : i32
    %c0_i32_0 = arith.constant 0 : i32
    return %arg0, %c0_i32 : i32, i32
  }
  func.func @transform_3(%arg0: i32) -> (i32, i32) {
    %c0_i32 = arith.constant 0 : i32
    %c0_i32_0 = arith.constant 0 : i32
    %c0_i32_1 = arith.constant 0 : i32
    return %c0_i32, %c0_i32_0 : i32, i32
  }
  func.func @transform_4(%arg0: i32) -> (i32, i32) {
    %c0_i32 = arith.constant 0 : i32
    %c0_i32_0 = arith.constant 0 : i32
    %c0_i32_1 = arith.constant 0 : i32
    return %c0_i32, %c0_i32_0 : i32, i32
  }
  func.func @transform_5(%arg0: i32) -> (i32, i32) {
    %c0_i32 = arith.constant 0 : i32
    %c0_i32_0 = arith.constant 0 : i32
    return %arg0, %c0_i32 : i32, i32
  }
  func.func @transform_6(%arg0: i32) -> (i32, i32) {
    %c0_i32 = arith.constant 0 : i32
    %c0_i32_0 = arith.constant 0 : i32
    %c0_i32_1 = arith.constant 0 : i32
    return %c0_i32, %c0_i32_0 : i32, i32
  }
  func.func @transform_7(%arg0: i32) -> (i32, i32) {
    %c0_i32 = arith.constant 0 : i32
    %c0_i32_0 = arith.constant 0 : i32
    %c0_i32_1 = arith.constant 0 : i32
    return %c0_i32, %c0_i32_0 : i32, i32
  }
}

module attributes {stable_mosaic.version = 14 : i64} {
  func.func @_kb_body(%arg0: i32, %arg1: memref<1000x256xf32, #tpu.memory_space<vmem>>, %arg2: memref<1x256xf32, #tpu.memory_space<vmem>>, %arg3: memref<1x256xf32, #tpu.memory_space<vmem>>, %arg4: memref<1x256xf32, #tpu.memory_space<vmem>>, %arg5: memref<1x256xf32, #tpu.memory_space<vmem>>, %arg6: memref<256x512xf32, #tpu.memory_space<vmem>>, %arg7: memref<1x512xf32, #tpu.memory_space<vmem>>, %arg8: memref<512x256xf32, #tpu.memory_space<vmem>>, %arg9: memref<1x256xf32, #tpu.memory_space<vmem>>, %arg10: memref<1000x256xf32, #tpu.memory_space<vmem>>, %arg11: memref<1x256xf32, #tpu.memory_space<vmem>>, %arg12: memref<1x256xf32, #tpu.memory_space<vmem>>) attributes {dimension_semantics = [#tpu.dimension_semantics<arbitrary>], iteration_bounds = array<i64: 10>, scalar_prefetch = 0 : i64, scratch_operands = 0 : i64, tpu.core_type = #tpu.core_type<tc>, window_params = [{transform_indices = @transform_0, window_bounds = array<i64: 1000, 256>}, {pipeline_mode = #tpu.pipeline_mode<synchronous>, transform_indices = @transform_1, window_bounds = array<i64: 1, 256>}, {pipeline_mode = #tpu.pipeline_mode<synchronous>, transform_indices = @transform_2, window_bounds = array<i64: 1, 256>}, {pipeline_mode = #tpu.pipeline_mode<synchronous>, transform_indices = @transform_3, window_bounds = array<i64: 1, 256>}, {pipeline_mode = #tpu.pipeline_mode<synchronous>, transform_indices = @transform_4, window_bounds = array<i64: 1, 256>}, {pipeline_mode = #tpu.pipeline_mode<synchronous>, transform_indices = @transform_5, window_bounds = array<i64: 256, 512>}, {pipeline_mode = #tpu.pipeline_mode<synchronous>, transform_indices = @transform_6, window_bounds = array<i64: 1, 512>}, {pipeline_mode = #tpu.pipeline_mode<synchronous>, transform_indices = @transform_7, window_bounds = array<i64: 512, 256>}, {pipeline_mode = #tpu.pipeline_mode<synchronous>, transform_indices = @transform_8, window_bounds = array<i64: 1, 256>}, {transform_indices = @transform_9, window_bounds = array<i64: 1000, 256>}, {pipeline_mode = #tpu.pipeline_mode<synchronous>, transform_indices = @transform_10, window_bounds = array<i64: 1, 256>}, {pipeline_mode = #tpu.pipeline_mode<synchronous>, transform_indices = @transform_11, window_bounds = array<i64: 1, 256>}]} {
    %get3A = arith.constant 0 : index
    %get3A_0 = arith.constant 0 : index
    %get3A_1 = vector.load %arg2[%get3A, %get3A_0] : memref<1x256xf32, #tpu.memory_space<vmem>>, vector<1x256xf32>
    %div3A = arith.constant 1.000000e+04 : f32
    %div3A_2 = vector.broadcast %div3A : f32 to vector<1x256xf32>
    %div3A_3 = arith.divf %get3A_1, %div3A_2 : vector<1x256xf32>
    %get3A_4 = arith.constant 0 : index
    %get3A_5 = arith.constant 0 : index
    %get3A_6 = vector.load %arg3[%get3A_4, %get3A_5] : memref<1x256xf32, #tpu.memory_space<vmem>>, vector<1x256xf32>
    %div3A_7 = arith.constant 1.000000e+04 : f32
    %div3A_8 = vector.broadcast %div3A_7 : f32 to vector<1x256xf32>
    %div3A_9 = arith.divf %get3A_6, %div3A_8 : vector<1x256xf32>
    %mul3A = arith.mulf %div3A_3, %div3A_3 : vector<1x256xf32>
    %sub3A = arith.subf %div3A_9, %mul3A : vector<1x256xf32>
    %get3A_10 = arith.constant 0 : index
    %get3A_11 = arith.constant 0 : index
    %get3A_12 = vector.load %arg1[%get3A_10, %get3A_11] : memref<1000x256xf32, #tpu.memory_space<vmem>>, vector<1000x256xf32>
    %sub3A_13 = vector.broadcast %div3A_3 : vector<1x256xf32> to vector<1000x256xf32>
    %sub3A_14 = arith.subf %get3A_12, %sub3A_13 : vector<1000x256xf32>
    %add3A = arith.constant 9.99999974E-6 : f32
    %add3A_15 = vector.broadcast %add3A : f32 to vector<1x256xf32>
    %add3A_16 = arith.addf %sub3A, %add3A_15 : vector<1x256xf32>
    %rsqrt3A = math.rsqrt %add3A_16 : vector<1x256xf32>
    %mul3A_17 = vector.broadcast %rsqrt3A : vector<1x256xf32> to vector<1000x256xf32>
    %mul3A_18 = arith.mulf %sub3A_14, %mul3A_17 : vector<1000x256xf32>
    %get3A_19 = arith.constant 0 : index
    %get3A_20 = arith.constant 0 : index
    %get3A_21 = vector.load %arg4[%get3A_19, %get3A_20] : memref<1x256xf32, #tpu.memory_space<vmem>>, vector<1x256xf32>
    %mul3A_22 = vector.broadcast %get3A_21 : vector<1x256xf32> to vector<1000x256xf32>
    %mul3A_23 = arith.mulf %mul3A_18, %mul3A_22 : vector<1000x256xf32>
    %get3A_24 = arith.constant 0 : index
    %get3A_25 = arith.constant 0 : index
    %get3A_26 = vector.load %arg5[%get3A_24, %get3A_25] : memref<1x256xf32, #tpu.memory_space<vmem>>, vector<1x256xf32>
    %add3A_27 = vector.broadcast %get3A_26 : vector<1x256xf32> to vector<1000x256xf32>
    %add3A_28 = arith.addf %mul3A_23, %add3A_27 : vector<1000x256xf32>
    %get3A_29 = arith.constant 0 : index
    %get3A_30 = arith.constant 0 : index
    %get3A_31 = vector.load %arg6[%get3A_29, %get3A_30] : memref<256x512xf32, #tpu.memory_space<vmem>>, vector<256x512xf32>
    %dot_general3A = arith.constant dense<0.000000e+00> : vector<1000x512xf32>
    %dot_general3A_32 = tpu.matmul %add3A_28, %get3A_31, %dot_general3A {dimension_numbers = #tpu.dot_dimension_numbers<[1], [0], [0], [1], [0, 0, 1, 1], [], []>, transpose_lhs_hint = false} : vector<1000x256xf32>, vector<256x512xf32>, vector<1000x512xf32> -> vector<1000x512xf32>
    %get3A_33 = arith.constant 0 : index
    %get3A_34 = arith.constant 0 : index
    %get3A_35 = vector.load %arg7[%get3A_33, %get3A_34] : memref<1x512xf32, #tpu.memory_space<vmem>>, vector<1x512xf32>
    %add3A_36 = vector.broadcast %get3A_35 : vector<1x512xf32> to vector<1000x512xf32>
    %add3A_37 = arith.addf %dot_general3A_32, %add3A_36 : vector<1000x512xf32>
    %max3A = arith.constant 0.000000e+00 : f32
    %max3A_38 = vector.broadcast %max3A : f32 to vector<1000x512xf32>
    %max3A_39 = arith.maximumf %add3A_37, %max3A_38 : vector<1000x512xf32>
    %get3A_40 = arith.constant 0 : index
    %get3A_41 = arith.constant 0 : index
    %get3A_42 = vector.load %arg8[%get3A_40, %get3A_41] : memref<512x256xf32, #tpu.memory_space<vmem>>, vector<512x256xf32>
    %dot_general3A_43 = arith.constant dense<0.000000e+00> : vector<1000x256xf32>
    %dot_general3A_44 = tpu.matmul %max3A_39, %get3A_42, %dot_general3A_43 {dimension_numbers = #tpu.dot_dimension_numbers<[1], [0], [0], [1], [0, 0, 1, 1], [], []>, transpose_lhs_hint = false} : vector<1000x512xf32>, vector<512x256xf32>, vector<1000x256xf32> -> vector<1000x256xf32>
    %add3A_45 = arith.addf %add3A_28, %dot_general3A_44 : vector<1000x256xf32>
    %get3A_46 = arith.constant 0 : index
    %get3A_47 = arith.constant 0 : index
    %get3A_48 = vector.load %arg9[%get3A_46, %get3A_47] : memref<1x256xf32, #tpu.memory_space<vmem>>, vector<1x256xf32>
    %add3A_49 = vector.broadcast %get3A_48 : vector<1x256xf32> to vector<1000x256xf32>
    %add3A_50 = arith.addf %add3A_45, %add3A_49 : vector<1000x256xf32>
    %swap3A = arith.constant 0 : index
    %swap3A_51 = arith.constant 0 : index
    %swap3A_52 = vector.load %arg10[%swap3A, %swap3A_51] : memref<1000x256xf32, #tpu.memory_space<vmem>>, vector<1000x256xf32>
    tpu.vector_store %arg10[%swap3A, %swap3A_51], %add3A_50 {strides = array<i32>} : memref<1000x256xf32, #tpu.memory_space<vmem>>, vector<1000x256xf32>,
    %eq3A = arith.constant 0 : i32
    %eq3A_53 = arith.cmpi eq, %arg0, %eq3A : i32
    %convert_element_type3A = arith.extui %eq3A_53 : i1 to i32
    %cond3A = arith.constant 0 : i32
    %cond3A_54 = arith.cmpi ne, %convert_element_type3A, %cond3A : i32
    scf.if %cond3A_54 {
      %broadcast_in_dim3A_74 = arith.constant 0.000000e+00 : f32
      %broadcast_in_dim3A_75 = vector.broadcast %broadcast_in_dim3A_74 : f32 to vector<1x256xf32>
      %swap3A_76 = arith.constant 0 : index
      %swap3A_77 = arith.constant 0 : index
      %swap3A_78 = vector.load %arg11[%swap3A_76, %swap3A_77] : memref<1x256xf32, #tpu.memory_space<vmem>>, vector<1x256xf32>
      tpu.vector_store %arg11[%swap3A_76, %swap3A_77], %broadcast_in_dim3A_75 {strides = array<i32>} : memref<1x256xf32, #tpu.memory_space<vmem>>, vector<1x256xf32>,
      %broadcast_in_dim3A_79 = arith.constant 0.000000e+00 : f32
      %broadcast_in_dim3A_80 = vector.broadcast %broadcast_in_dim3A_79 : f32 to vector<1x256xf32>
      %swap3A_81 = arith.constant 0 : index
      %swap3A_82 = arith.constant 0 : index
      %swap3A_83 = vector.load %arg12[%swap3A_81, %swap3A_82] : memref<1x256xf32, #tpu.memory_space<vmem>>, vector<1x256xf32>
      tpu.vector_store %arg12[%swap3A_81, %swap3A_82], %broadcast_in_dim3A_80 {strides = array<i32>} : memref<1x256xf32, #tpu.memory_space<vmem>>, vector<1x256xf32>,
    } else {
    }
    %get3A_55 = arith.constant 0 : index
    %get3A_56 = arith.constant 0 : index
    %get3A_57 = vector.load %arg11[%get3A_55, %get3A_56] : memref<1x256xf32, #tpu.memory_space<vmem>>, vector<1x256xf32>
    %reduce_sum3A = arith.constant dense<0.000000e+00> : vector<256xf32>
    %reduce_sum3A_58 = vector.multi_reduction <add>, %add3A_50, %reduce_sum3A [0] : vector<1000x256xf32> to vector<256xf32>
    %broadcast_in_dim3A = vector.shape_cast %reduce_sum3A_58 : vector<256xf32> to vector<1x256xf32>
    %add3A_59 = arith.addf %get3A_57, %broadcast_in_dim3A : vector<1x256xf32>
    %swap3A_60 = arith.constant 0 : index
    %swap3A_61 = arith.constant 0 : index
    %swap3A_62 = vector.load %arg11[%swap3A_60, %swap3A_61] : memref<1x256xf32, #tpu.memory_space<vmem>>, vector<1x256xf32>
    tpu.vector_store %arg11[%swap3A_60, %swap3A_61], %add3A_59 {strides = array<i32>} : memref<1x256xf32, #tpu.memory_space<vmem>>, vector<1x256xf32>,
    %get3A_63 = arith.constant 0 : index
    %get3A_64 = arith.constant 0 : index
    %get3A_65 = vector.load %arg12[%get3A_63, %get3A_64] : memref<1x256xf32, #tpu.memory_space<vmem>>, vector<1x256xf32>
    %mul3A_66 = arith.mulf %add3A_50, %add3A_50 : vector<1000x256xf32>
    %reduce_sum3A_67 = arith.constant dense<0.000000e+00> : vector<256xf32>
    %reduce_sum3A_68 = vector.multi_reduction <add>, %mul3A_66, %reduce_sum3A_67 [0] : vector<1000x256xf32> to vector<256xf32>
    %broadcast_in_dim3A_69 = vector.shape_cast %reduce_sum3A_68 : vector<256xf32> to vector<1x256xf32>
    %add3A_70 = arith.addf %get3A_65, %broadcast_in_dim3A_69 : vector<1x256xf32>
    %swap3A_71 = arith.constant 0 : index
    %swap3A_72 = arith.constant 0 : index
    %swap3A_73 = vector.load %arg12[%swap3A_71, %swap3A_72] : memref<1x256xf32, #tpu.memory_space<vmem>>, vector<1x256xf32>
    tpu.vector_store %arg12[%swap3A_71, %swap3A_72], %add3A_70 {strides = array<i32>} : memref<1x256xf32, #tpu.memory_space<vmem>>, vector<1x256xf32>,
    return
  }
  func.func @transform_0(%arg0: i32) -> (i32, i32) {
    %c0_i32 = arith.constant 0 : i32
    %c0_i32_0 = arith.constant 0 : i32
    return %arg0, %c0_i32 : i32, i32
  }
  func.func @transform_1(%arg0: i32) -> (i32, i32) {
    %c0_i32 = arith.constant 0 : i32
    %c0_i32_0 = arith.constant 0 : i32
    %c0_i32_1 = arith.constant 0 : i32
    return %c0_i32, %c0_i32_0 : i32, i32
  }
  func.func @transform_2(%arg0: i32) -> (i32, i32) {
    %c0_i32 = arith.constant 0 : i32
    %c0_i32_0 = arith.constant 0 : i32
    %c0_i32_1 = arith.constant 0 : i32
    return %c0_i32, %c0_i32_0 : i32, i32
  }
  func.func @transform_3(%arg0: i32) -> (i32, i32) {
    %c0_i32 = arith.constant 0 : i32
    %c0_i32_0 = arith.constant 0 : i32
    %c0_i32_1 = arith.constant 0 : i32
    return %c0_i32, %c0_i32_0 : i32, i32
  }
  func.func @transform_4(%arg0: i32) -> (i32, i32) {
    %c0_i32 = arith.constant 0 : i32
    %c0_i32_0 = arith.constant 0 : i32
    %c0_i32_1 = arith.constant 0 : i32
    return %c0_i32, %c0_i32_0 : i32, i32
  }
  func.func @transform_5(%arg0: i32) -> (i32, i32) {
    %c0_i32 = arith.constant 0 : i32
    %c0_i32_0 = arith.constant 0 : i32
    %c0_i32_1 = arith.constant 0 : i32
    return %c0_i32, %c0_i32_0 : i32, i32
  }
  func.func @transform_6(%arg0: i32) -> (i32, i32) {
    %c0_i32 = arith.constant 0 : i32
    %c0_i32_0 = arith.constant 0 : i32
    %c0_i32_1 = arith.constant 0 : i32
    return %c0_i32, %c0_i32_0 : i32, i32
  }
  func.func @transform_7(%arg0: i32) -> (i32, i32) {
    %c0_i32 = arith.constant 0 : i32
    %c0_i32_0 = arith.constant 0 : i32
    %c0_i32_1 = arith.constant 0 : i32
    return %c0_i32, %c0_i32_0 : i32, i32
  }
  func.func @transform_8(%arg0: i32) -> (i32, i32) {
    %c0_i32 = arith.constant 0 : i32
    %c0_i32_0 = arith.constant 0 : i32
    %c0_i32_1 = arith.constant 0 : i32
    return %c0_i32, %c0_i32_0 : i32, i32
  }
  func.func @transform_9(%arg0: i32) -> (i32, i32) {
    %c0_i32 = arith.constant 0 : i32
    %c0_i32_0 = arith.constant 0 : i32
    return %arg0, %c0_i32 : i32, i32
  }
  func.func @transform_10(%arg0: i32) -> (i32, i32) {
    %c0_i32 = arith.constant 0 : i32
    %c0_i32_0 = arith.constant 0 : i32
    %c0_i32_1 = arith.constant 0 : i32
    return %c0_i32, %c0_i32_0 : i32, i32
  }
  func.func @transform_11(%arg0: i32) -> (i32, i32) {
    %c0_i32 = arith.constant 0 : i32
    %c0_i32_0 = arith.constant 0 : i32
    %c0_i32_1 = arith.constant 0 : i32
    return %c0_i32, %c0_i32_0 : i32, i32
  }
}

module attributes {stable_mosaic.version = 14 : i64} {
  func.func @_kc_body(%arg0: i32, %arg1: memref<1000x256xf32, #tpu.memory_space<vmem>>, %arg2: memref<1x256xf32, #tpu.memory_space<vmem>>, %arg3: memref<1x256xf32, #tpu.memory_space<vmem>>, %arg4: memref<1x256xf32, #tpu.memory_space<vmem>>, %arg5: memref<1x256xf32, #tpu.memory_space<vmem>>, %arg6: memref<1000x256xf32, #tpu.memory_space<vmem>>) attributes {dimension_semantics = [#tpu.dimension_semantics<arbitrary>], iteration_bounds = array<i64: 10>, scalar_prefetch = 0 : i64, scratch_operands = 0 : i64, tpu.core_type = #tpu.core_type<tc>, window_params = [{transform_indices = @transform_0, window_bounds = array<i64: 1000, 256>}, {pipeline_mode = #tpu.pipeline_mode<synchronous>, transform_indices = @transform_1, window_bounds = array<i64: 1, 256>}, {pipeline_mode = #tpu.pipeline_mode<synchronous>, transform_indices = @transform_2, window_bounds = array<i64: 1, 256>}, {pipeline_mode = #tpu.pipeline_mode<synchronous>, transform_indices = @transform_3, window_bounds = array<i64: 1, 256>}, {pipeline_mode = #tpu.pipeline_mode<synchronous>, transform_indices = @transform_4, window_bounds = array<i64: 1, 256>}, {transform_indices = @transform_5, window_bounds = array<i64: 1000, 256>}]} {
    %get3A = arith.constant 0 : index
    %get3A_0 = arith.constant 0 : index
    %get3A_1 = vector.load %arg2[%get3A, %get3A_0] : memref<1x256xf32, #tpu.memory_space<vmem>>, vector<1x256xf32>
    %div3A = arith.constant 1.000000e+04 : f32
    %div3A_2 = vector.broadcast %div3A : f32 to vector<1x256xf32>
    %div3A_3 = arith.divf %get3A_1, %div3A_2 : vector<1x256xf32>
    %get3A_4 = arith.constant 0 : index
    %get3A_5 = arith.constant 0 : index
    %get3A_6 = vector.load %arg3[%get3A_4, %get3A_5] : memref<1x256xf32, #tpu.memory_space<vmem>>, vector<1x256xf32>
    %div3A_7 = arith.constant 1.000000e+04 : f32
    %div3A_8 = vector.broadcast %div3A_7 : f32 to vector<1x256xf32>
    %div3A_9 = arith.divf %get3A_6, %div3A_8 : vector<1x256xf32>
    %mul3A = arith.mulf %div3A_3, %div3A_3 : vector<1x256xf32>
    %sub3A = arith.subf %div3A_9, %mul3A : vector<1x256xf32>
    %get3A_10 = arith.constant 0 : index
    %get3A_11 = arith.constant 0 : index
    %get3A_12 = vector.load %arg1[%get3A_10, %get3A_11] : memref<1000x256xf32, #tpu.memory_space<vmem>>, vector<1000x256xf32>
    %sub3A_13 = vector.broadcast %div3A_3 : vector<1x256xf32> to vector<1000x256xf32>
    %sub3A_14 = arith.subf %get3A_12, %sub3A_13 : vector<1000x256xf32>
    %add3A = arith.constant 9.99999974E-6 : f32
    %add3A_15 = vector.broadcast %add3A : f32 to vector<1x256xf32>
    %add3A_16 = arith.addf %sub3A, %add3A_15 : vector<1x256xf32>
    %rsqrt3A = math.rsqrt %add3A_16 : vector<1x256xf32>
    %mul3A_17 = vector.broadcast %rsqrt3A : vector<1x256xf32> to vector<1000x256xf32>
    %mul3A_18 = arith.mulf %sub3A_14, %mul3A_17 : vector<1000x256xf32>
    %get3A_19 = arith.constant 0 : index
    %get3A_20 = arith.constant 0 : index
    %get3A_21 = vector.load %arg4[%get3A_19, %get3A_20] : memref<1x256xf32, #tpu.memory_space<vmem>>, vector<1x256xf32>
    %mul3A_22 = vector.broadcast %get3A_21 : vector<1x256xf32> to vector<1000x256xf32>
    %mul3A_23 = arith.mulf %mul3A_18, %mul3A_22 : vector<1000x256xf32>
    %get3A_24 = arith.constant 0 : index
    %get3A_25 = arith.constant 0 : index
    %get3A_26 = vector.load %arg5[%get3A_24, %get3A_25] : memref<1x256xf32, #tpu.memory_space<vmem>>, vector<1x256xf32>
    %add3A_27 = vector.broadcast %get3A_26 : vector<1x256xf32> to vector<1000x256xf32>
    %add3A_28 = arith.addf %mul3A_23, %add3A_27 : vector<1000x256xf32>
    %swap3A = arith.constant 0 : index
    %swap3A_29 = arith.constant 0 : index
    %swap3A_30 = vector.load %arg6[%swap3A, %swap3A_29] : memref<1000x256xf32, #tpu.memory_space<vmem>>, vector<1000x256xf32>
    tpu.vector_store %arg6[%swap3A, %swap3A_29], %add3A_28 {strides = array<i32>} : memref<1000x256xf32, #tpu.memory_space<vmem>>, vector<1000x256xf32>,
    return
  }
  func.func @transform_0(%arg0: i32) -> (i32, i32) {
    %c0_i32 = arith.constant 0 : i32
    %c0_i32_0 = arith.constant 0 : i32
    return %arg0, %c0_i32 : i32, i32
  }
  func.func @transform_1(%arg0: i32) -> (i32, i32) {
    %c0_i32 = arith.constant 0 : i32
    %c0_i32_0 = arith.constant 0 : i32
    %c0_i32_1 = arith.constant 0 : i32
    return %c0_i32, %c0_i32_0 : i32, i32
  }
  func.func @transform_2(%arg0: i32) -> (i32, i32) {
    %c0_i32 = arith.constant 0 : i32
    %c0_i32_0 = arith.constant 0 : i32
    %c0_i32_1 = arith.constant 0 : i32
    return %c0_i32, %c0_i32_0 : i32, i32
  }
  func.func @transform_3(%arg0: i32) -> (i32, i32) {
    %c0_i32 = arith.constant 0 : i32
    %c0_i32_0 = arith.constant 0 : i32
    %c0_i32_1 = arith.constant 0 : i32
    return %c0_i32, %c0_i32_0 : i32, i32
  }
  func.func @transform_4(%arg0: i32) -> (i32, i32) {
    %c0_i32 = arith.constant 0 : i32
    %c0_i32_0 = arith.constant 0 : i32
    %c0_i32_1 = arith.constant 0 : i32
    return %c0_i32, %c0_i32_0 : i32, i32
  }
  func.func @transform_5(%arg0: i32) -> (i32, i32) {
    %c0_i32 = arith.constant 0 : i32
    %c0_i32_0 = arith.constant 0 : i32
    return %arg0, %c0_i32 : i32, i32
  }
}

</mosaic_0001>

<sc_bundles>
// kernel: _run.10.cloned.1.call-start
scs
__scs_entry_jumppad:
0x0: {  	(pc) =	sbr.rel $0x88, $3  }
0x1: {  	(tag) =	ssettag $0x0;
	lr =	simm.s32 $0x1  }
0x2: {  	[smem:$0x3F92] =	sst lr;
	_ =	strace $0xD0000000  }
0x3: {  	_ = 	snop  }
0x4: {  	_ = 	snop  }
0x5: {  	_ = 	snop  }
0x6: {  	_ = 	snop  }
0x7: {  	_ = 	snop  }
__scs_overlays_trampoline_lowered:
0x8: {  	[smem:$0x3FA1] =	sst s0  }
0x9: {  	[smem:$0x3FA2] =	sst s1  }
0xa: {  	[smem:$0x3FA3] =	sst s2  }
0xb: {  	[smem:$0x3FA4] =	sst s3  }
0xc: {  	[smem:$0x3FA5] =	sst s4  }
0xd: {  	[smem:$0x3FA6] =	sst s5  }
0xe: {  	[smem:$0x3FA7] =	sst s6  }
0xf: {  	[smem:$0x3FA8] =	sst s7  }
0x10: {  	[smem:$0x3FA9] =	sst s8  }
0x11: {  	[smem:$0x3FAA] =	sst s9;
	s0 =	simm.s32 @!p0 $0x0  }
0x12: {  	s1 =	sld [smem:$0x3F90];
	s0 =	simm.s32 @p0 $0x1  }
0x13: {  	[smem:$0x3FAB] =	sst s0;
	s0 =	simm.s32 @!p1 $0x0  }
0x14: {  	s2 =	sld [smem:$0x3F8F];
	s0 =	simm.s32 @p1 $0x1  }
0x15: {  	[smem:$0x3FAC] =	sst s0;
	s0 =	simm.s32 @!p2 $0x0  }
0x16: {  	s3 =	sld [smem:$0x3FDB];
	s0 =	simm.s32 @p2 $0x1  }
0x17: {  	s4 =	simm.s32 $0x1BF5;
	[smem:$0x3FAE] =	sst s0  }
0x18: {  	s0 =	sld [smem:$0x3F91];
	_ =	swait.ge [sflag:s4], $0x0  }
0x19: {  	s7 =	sld [smem:$0x3F92]  }
0x1a: {  	s8 =	sadd.s32 $0xFFFFE003, lr  }
0x1b: {  	s9 =	sadd.s32 $0xFFFFFEF7, lr;
	s5 =	simm.s32 $0xFFFFFFFF;
	p2 =	slt.u32 s8, $0xFFFFF086  }
0x1c: {  	p1 =	slt.u32 s9, $0xF7A;
	s5 =	simm.s32 @!p2 $0x0  }
0x1d: {  	s5 =	simm.s32 @p1 $0x1;
	p0 =	seq.s32 s7, s2  }
0x1e: {  	s7 =	smul.u32 @!p0 $0xF7A, s2;
	p2 =	seq.s32 @!p0 s5, $0x0  }
0x1f: {  	s9 =	smul.u32 $0xF7A, s1;
	s8 =	simm.s32 @!p0 $0x1BF5;
	p2 =	por !p2, p0  }
0x20: {  	[sflag:s8] =	ssyncset.s32 @!p0 $0xFFFFF086;
	s6 =	sadd.s32 @!p0 s3, s7;
	s7 =	simm.s32 @!p0 $0x108  }
0x21: {  	s3 =	sadd.s32 s3, s9;
	s6 =	sadd.s32 @!p0 $0x88, s6;
	s7 =	simm.s32 @p2 $0x1082  }
0x22: {  	[simem:s7], [sflag:s8] =	dma.local @!p0 [hbm:s6], $0xF7A  }
0x23: {  	s9 =	sor.u32 $0xD0000000, s2;
	s6 =	simm.s32 $0x108;
	_ =	swait.ge @!p0 [sflag:s8], $0x0  }
0x24: {  	s3 =	sadd.s32 $0x88, s3;
	s6 =	simm.s32 @!p1 $0x1082;
	[sflag:s4] =	ssyncset.s32 $0xFFFFF086  }
0x25: {  	[simem:s6], [sflag:s4] =	dma.local [hbm:s3], $0xF7A  }
0x26: {  	[smem:$0x3F92] =	sst s1;
	(tag) =	ssettag s2;
	_ =	strace s9  }
0x27: {  	s1 =	sld [smem:$0x3FA2]  }
0x28: {  	s2 =	sld [smem:$0x3FA3]  }
0x29: {  	s4 =	sld [smem:$0x3FA5]  }
0x2a: {  	p0 =	seq.s32 s5, $0x0;
	s5 =	sld [smem:$0x3FA6]  }
0x2b: {  	s6 =	sld [smem:$0x3FA7]  }
0x2c: {  	s7 =	sld [smem:$0x3FA8]  }
0x2d: {  	s3 =	simm.s32 $0x108;
	s8 =	sld [smem:$0x3FA9]  }
0x2e: {  	s3 =	simm.s32 @!p0 $0x1082;
	s9 =	sld [smem:$0x3FAA]  }
0x2f: {  	lr =	sadd.s32 s0, s3;
	s0 =	sld [smem:$0x3FA1]  }
0x30: {  	s3 =	sld [smem:$0x3FA4]  }
0x31: {  	[smem:$0x3FAD] =	sst s10  }
0x32: {  	s10 =	sld [smem:$0x3FAB];
	_ =	sdelay $0x3  }
0x33: {  	p0 =	seq.s32 s10, $0x1;
	s10 =	sld [smem:$0x3FAD];
	_ =	sdelay $0x3  }
0x34: {  	[smem:$0x3FAD] =	sst s10  }
0x35: {  	s10 =	sld [smem:$0x3FAC];
	_ =	sdelay $0x3  }
0x36: {  	p1 =	seq.s32 s10, $0x1;
	s10 =	sld [smem:$0x3FAD];
	_ =	sdelay $0x3  }
0x37: {  	[smem:$0x3FAD] =	sst s10  }
0x38: {  	s10 =	sld [smem:$0x3FAE]  }
0x39: {  	_ = 	snop;
	(pc) =	sbr.ind lr, $3  }
0x3a: {  	_ = 	snop  }
0x3b: {  	_ = 	snop  }
0x3c: {  	p2 =	seq.s32 s10, $0x1;
	s10 =	sld [smem:$0x3FAD]  }
0x3d: {  	_ =	shalt  }
0x3e: {  	_ =	shalt  }
0x3f: {  	_ =	shalt  }
0x40: {  	_ =	shalt  }
0x41: {  	_ =	shalt  }
0x42: {  	_ =	shalt  }
0x43: {  	_ =	shalt  }
0x44: {  	_ =	shalt  }
0x45: {  	_ =	shalt  }
0x46: {  	_ =	shalt  }
0x47: {  	_ =	shalt  }
0x48: {  	_ =	shalt  }
0x49: {  	_ =	shalt  }
0x4a: {  	_ =	shalt  }
0x4b: {  	_ =	shalt  }
0x4c: {  	_ =	shalt  }
0x4d: {  	_ =	shalt  }
0x4e: {  	_ =	shalt  }
0x4f: {  	_ =	shalt  }
0x50: {  	_ =	shalt  }
0x51: {  	_ =	shalt  }
0x52: {  	_ =	shalt  }
0x53: {  	_ =	shalt  }
0x54: {  	_ =	shalt  }
0x55: {  	_ =	shalt  }
0x56: {  	_ =	shalt  }
0x57: {  	_ =	shalt  }
0x58: {  	_ =	shalt  }
0x59: {  	_ =	shalt  }
0x5a: {  	_ =	shalt  }
0x5b: {  	_ =	shalt  }
0x5c: {  	_ =	shalt  }
0x5d: {  	_ =	shalt  }
0x5e: {  	_ =	shalt  }
0x5f: {  	_ =	shalt  }
0x60: {  	_ =	shalt  }
0x61: {  	_ =	shalt  }
0x62: {  	_ =	shalt  }
0x63: {  	_ =	shalt  }
0x64: {  	_ =	shalt  }
0x65: {  	_ =	shalt  }
0x66: {  	_ =	shalt  }
0x67: {  	_ =	shalt  }
0x68: {  	_ =	shalt  }
0x69: {  	_ =	shalt  }
0x6a: {  	_ =	shalt  }
0x6b: {  	_ =	shalt  }
0x6c: {  	_ =	shalt  }
0x6d: {  	_ =	shalt  }
0x6e: {  	_ =	shalt  }
0x6f: {  	_ =	shalt  }
0x70: {  	_ =	shalt  }
0x71: {  	_ =	shalt  }
0x72: {  	_ =	shalt  }
0x73: {  	_ =	shalt  }
0x74: {  	_ =	shalt  }
0x75: {  	_ =	shalt  }
0x76: {  	_ =	shalt  }
0x77: {  	_ =	shalt  }
0x78: {  	_ =	shalt  }
0x79: {  	_ =	shalt  }
0x7a: {  	_ =	shalt  }
0x7b: {  	_ =	shalt  }
0x7c: {  	_ =	shalt  }
0x7d: {  	_ =	shalt  }
0x7e: {  	_ =	shalt  }
0x7f: {  	_ =	shalt  }
0x80: {  	_ =	shalt  }
0x81: {  	_ =	shalt  }
0x82: {  	_ =	shalt  }
0x83: {  	_ =	shalt  }
0x84: {  	_ =	shalt  }
0x85: {  	_ =	shalt  }
0x86: {  	_ =	shalt  }
0x87: {  	_ =	shalt  }
.Lfunc_end0:
.L_simem_size_0:
called_computation_lowered:
.L_overlay_start_0:
0x88: {  	s2 =	sld [smem:$0x3FD9]  }
0x89: {  	s3 =	sld [smem:$0x3FFE];
	_ =	sdelay $0x1  }
0x8a: {  	s1 =	srdreg.scid  }
0x8b: {  	s0 =	sand.u32 $0x1, s1  }
0x8c: {  	s16 =	sshll.u32 s0, $0xA;
	s2 =	sadd.s32 s3, s2  }
0x8d: {  	s2 =	sadd.s32 s2, s16  }
0x8e: {  	[smem:$0x3FB9] =	sst s2  }
0x8f: {  	_ = 	snop  }
0x90: {  	(tm) =	ssettm $0x1  }
0x91: {  	s17 =	sld [smem:$0x3FFB];
	_ =	sdelay $0x3  }
0x92: {  	_ =	strace s17  }
0x93: {  	s2 =	sld [smem:$0x3FFC];
	_ =	sdelay $0x3  }
0x94: {  	_ =	strace s2  }
0x95: {  	s2 =	sld [smem:$0x3FFD];
	_ =	sdelay $0x3  }
0x96: {  	_ =	strace s2  }
0x97: {  	_ =	strace $0x8FFFFFFF  }
0x98: {  	s18 =	sld [smem:$0x3FDB];
	_ =	sdelay $0x1  }
0x99: {  	s19 =	simm.s32 $_scs_section_size  }
0x9a: {  	s4 =	simm.s32 $_size__tile_overlayer_lowered;
	s5 =	simm.s32 $_tile_overlayer_lowered  }
0x9b: {  	s22 =	simm.s32 $0x1BFF;
	s21 =	sshll.u32 s5, $0x1;
	s2 =	sadd.s32 s19, s18  }
0x9c: {  	s6 =	simm.s32 $0x0;
	s20 =	sshll.u32 s4, $0x1;
	s4 =	sadd.s32 s21, s2  }
0x9d: {  	[timem:s6], [sflag:s22] =	dma.local [hbm:s4], s20  }
0x9e: {  	_ =	swait.ge [sflag:s22], s20  }
0x9f: {  	s3 =	ssub.s32 $0x0, s20;
	[sflag:s22] =	ssyncset.done $0x0  }
0xa0: {  	[sflag:s22] =	ssyncadd.s32 s3;
	_ =	sdelay $0x1  }
0xa1: {  	s23 =	simm.s32 $0x1B8B  }
0xa2: {  	_ =	swait.ge [sflag:s23], $0x1  }
0xa3: {  	[sflag:s23] =	ssyncset.done $0x0  }
0xa4: {  	s25 =	simm.s32 $0x1B8E;
	s24 =	sld [smem:$0x3FFE];
	[sflag:s23] =	ssyncadd.s32 $0xFFFFFFFF  }
0xa5: {  	s26 =	simm.s32 $execute0_lowered;
	[smem:$0x3FD2] =	sst s25  }
0xa6: {  	s4 =	sshll.u32 s26, $0x1;
	_ =	strace $0x80000046;
	[dreg:$0x1] =	wrdreg $0xFFFFFFFF  }
0xa7: {  	s28 =	simm.s32 $_size_execute0_lowered;
	s2 =	sadd.s32 s2, s4;
	[dreg:$0x0] =	wrdreg $0x0  }
0xa8: {  	s4 =	sshll.u32 s28, $0x1;
	[dreg:$0x2] =	wrdreg s2  }
0xa9: {  	[dreg:$0x3] =	wrdreg s4  }
0xaa: {  	[dreg:$0x4] =	wrdreg $0xC0  }
0xab: {  	_ =	task [dreg:s6], $0x5FFFF  }
0xac: {  	[dreg:$0x1] =	wrdreg $0xFFFFFFFF  }
0xad: {  	[dreg:$0x0] =	wrdreg $0x60  }
0xae: {  	[dreg:$0x2] =	wrdreg s24  }
0xaf: {  	[dreg:$0x3] =	wrdreg $0x9  }
0xb0: {  	_ =	task.clear_ibuf [dreg:s6], $0x4FFFF;
	_ =	strace $0x90000046  }
0xb1: {  	s29 =	simm.s32 $0x9;
	_ =	strace $0x80000048  }
0xb2: {  	_ =	swait.ge [sflag:s29], $0x1  }
0xb3: {  	[sflag:s29] =	ssyncadd.s32 $0xFFFFFFFF  }
0xb4: {  	_ =	strace $0x90000048  }
0xb5: {  	_ =	sfence  }
0xb6: {  	s30 =	sld [smem:$0x0];
	_ =	sdelay $0x2  }
0xb7: {  	s31 =	sshll.u32 s1, $0xD;
	s1 =	sshrl.u32 s1, $0x2  }
0xb8: {  	s3 =	sand.u32 $0x4000, s31;
	s1 =	sadd.s32 s1, s30  }
0xb9: {  	s0 =	sor.u32 s3, s0;
	s1 =	sshll.u32 s1, $0x11  }
0xba: {  	s0 =	sor.u32 s1, s0  }
0xbb: {  	s0 =	sadd.s32 $0x8F2B, s0  }
0xbc: {  	[sflag:s0] =	ssyncadd.remote.s32 $0x1  }
0xbd: {  	_ =	sfence.sel $0xFFFF  }
0xbe: {  	[dreg:$0x0] =	wrdreg $0xFFFFFFFF;
	(pc) =	sbr.abs _section_cstart, $3  }
0xbf: {  	[dreg:$0x1] =	wrdreg $0xFFFFFFFF  }
0xc0: {  	_ =	task.clear_ibuf [dreg:s6], $0x2FFFF;
	_ =	strace $0x9FFFFFFF  }
0xc1: {  	(tm) =	ssettm $0x7FFFFFFF  }
tec
execute0_lowered:
.L_overlay_start_1:
0x0: {  	(tag) =	ssettag $0x1  }
0x1: {  	s0 =	rddreg [dreg:$0x0];
	s1 =	simm.s32 $0x0  }
0x2: {  	s29 =	srdreg.scid;
	s8 =	stileid.u32;
	s12 =	simm.s32 $0x2  }
0x3: {  	s31 =	simm.s32 $0x8800;
	s10 =	simm.s32 $0xA000;
	s11 =	simm.s32 $0xB000  }
0x4: {  	s13 =	simm.s32 $0xB800;
	s14 =	simm.s32 $0xC000;
	s15 =	simm.s32 $0xC800  }
0x5: {  	s16 =	simm.s32 $0xD000;
	s17 =	simm.s32 $0xD800;
	s18 =	simm.s32 $0xE000  }
0x6: {  	s19 =	simm.s32 $0xE800;
	s20 =	simm.s32 $0xF000;
	s21 =	simm.s32 $0xF800  }
0x7: {  	s22 =	simm.s32 $0x1;
	s24 =	simm.s32 $0x0;
	[smem:$0x7FF] =	sst s1  }
0x8: {  	s2 =	sadd.s32 $0xC400, s0;
	s3 =	sadd.s32 $0x5A600, s0;
	s5 =	sadd.s32 $0x7400, s0  }
0x9: {  	s6 =	sadd.s32 $0x2400, s0;
	s1 =	sand.u32 $0x1, s29;
	s7 =	sadd.s32 $0xA8800, s0  }
0xa: {  	_ =	strace $0x80000047;
	s4 =	ssub.s32 $0x2, s1;
	s1 =	sshll.u32 s1, $0x4  }
0xb: {  	s30 =	sshrl.u32 s4, $0x1;
	s1 =	sor.u32 s8, s1;
	s8 =	simm.s32 $0x28  }
0xc: {  	v2 =	vlaneseq.u32;
	s0 =	ssub.s32 s4, s30;
	p0 =	slt.u32 s1, $0x2;
	s9 =	sshll.u32 s1, $0x7  }
0xd: {  	vm0 =	vmmov $0xffff;
	v1 =	vshrl.u32 v2, $0x3;
	s4 =	simm.s32 $0x9800;
	s1 =	simm.s32 $0xA800;
	s0 =	smax.u32 s0, $0x1  }
0xe: {  	v0 =	vand.u32 $0x7, v2;
	v2 =	vor.u32 $0x8, v2;
	v1 =	vmul.u32 $0x8, v1;
	s8 =	simm.s32 @!p0 $0x27;
	[dreg:$0x2] =	wrdreg s0;
	s0 =	simm.s32 $0x9000  }
.LBB2_1:
0xf: {  	[dreg:$0x3] =	wrdreg s24;
	s23 =	simm.s32 $0x0  }
.LBB2_2:
0x10: {  	s24 =	sshll.u32 s23, $0xC  }
0x11: {  	s24 =	sor.u32 s9, s24  }
0x12: {  	s26 =	sshrl.u32 s24, $0x3  }
0x13: {  	s25 =	simm.s32 $0x0;
	s29 =	simm.s32 $0x10000;
	s28 =	sadd.s32 s5, s26  }
0x14: {  	[tilespmem:s29], [sflag:$0x2] =	stream.linear.gather [hbm4b:s28+s25], $0x80, $0x38;
	[tilespmem:$0x10100] =	vst v63  }
0x15: {  	_ =	swait.ge [sflag:s12], $0x80  }
0x16: {  	[sflag:s12] =	ssyncset.done $0x0  }
0x17: {  	s26 =	sadd.s32 s6, s26;
	s28 =	simm.s32 $0x10080;
	[sflag:s12] =	ssyncadd.s32 $0xFFFFFF80  }
0x18: {  	[tilespmem:s28], [sflag:$0x2] =	stream.linear.gather [hbm4b:s26+s25], $0x80, $0x38;
	[tilespmem:$0x10100] =	vst v63  }
0x19: {  	_ =	swait.ge [sflag:s12], $0x80  }
0x1a: {  	[sflag:s12] =	ssyncset.done $0x0  }
0x1b: {  	[sflag:s12] =	ssyncadd.s32 $0xFFFFFF80  }
0x1c: {  	v3 =	vld [tilespmem:$0x10000];
	_ =	sdelay $0x4  }
0x1d: {  	v4 =	vshll.u32 v3, $0x1  }
0x1e: {  	v3 =	vand.u32 $0x7, v3;
	v4 =	vand.u32 $0xFFFFFFF0, v4  }
0x1f: {  	v3 =	vor.u32 v3, v4  }
0x20: {  	v4 =	vperm.xlane v3, v0;
	_ =	sdelay $0x1  }
0x21: {  	v3 =	vperm.xlane v3, v2;
	v4 =	vadd.s32 v1, v4;
	_ =	sdelay $0x1  }
0x22: {  	v3 =	vadd.s32 v1, v3;
	_ =	sdelay $0x2  }
0x23: {  	[tilespmem:s25], [sflag:$0x1] =	stream.indirect_vreg.gather [hbm4b:s2+s25], $0x80, v4, vm0, $0xb8;
	[tilespmem:$0x10100] =	vst v63  }
0x24: {  	s30 =	simm.s32 $0x800  }
0x25: {  	[tilespmem:s30], [sflag:$0x1] =	stream.indirect_vreg.gather [hbm4b:s2+s25], $0x80, v3, vm0, $0xb8;
	[tilespmem:$0x10100] =	vst v63  }
0x26: {  	v3 =	vld [tilespmem:$0x10010];
	_ =	sdelay $0x4  }
0x27: {  	v4 =	vshll.u32 v3, $0x1  }
0x28: {  	v3 =	vand.u32 $0x7, v3;
	v4 =	vand.u32 $0xFFFFFFF0, v4  }
0x29: {  	v3 =	vor.u32 v3, v4  }
0x2a: {  	v4 =	vperm.xlane v3, v0;
	_ =	sdelay $0x1  }
0x2b: {  	v3 =	vperm.xlane v3, v2;
	v4 =	vadd.s32 v1, v4;
	_ =	sdelay $0x1  }
0x2c: {  	v3 =	vadd.s32 v1, v3;
	_ =	sdelay $0x1  }
0x2d: {  	s29 =	simm.s32 $0x1000  }
0x2e: {  	[tilespmem:s29], [sflag:$0x1] =	stream.indirect_vreg.gather [hbm4b:s2+s25], $0x80, v4, vm0, $0xb8;
	[tilespmem:$0x10100] =	vst v63  }
0x2f: {  	s30 =	simm.s32 $0x1800  }
0x30: {  	[tilespmem:s30], [sflag:$0x1] =	stream.indirect_vreg.gather [hbm4b:s2+s25], $0x80, v3, vm0, $0xb8;
	[tilespmem:$0x10100] =	vst v63  }
0x31: {  	v3 =	vld [tilespmem:$0x10020];
	_ =	sdelay $0x4  }
0x32: {  	v4 =	vshll.u32 v3, $0x1  }
0x33: {  	v3 =	vand.u32 $0x7, v3;
	v4 =	vand.u32 $0xFFFFFFF0, v4  }
0x34: {  	v3 =	vor.u32 v3, v4  }
0x35: {  	v4 =	vperm.xlane v3, v0;
	_ =	sdelay $0x1  }
0x36: {  	v3 =	vperm.xlane v3, v2;
	v4 =	vadd.s32 v1, v4;
	_ =	sdelay $0x1  }
0x37: {  	v3 =	vadd.s32 v1, v3;
	_ =	sdelay $0x1  }
0x38: {  	s29 =	simm.s32 $0x2000  }
0x39: {  	[tilespmem:s29], [sflag:$0x1] =	stream.indirect_vreg.gather [hbm4b:s2+s25], $0x80, v4, vm0, $0xb8;
	[tilespmem:$0x10100] =	vst v63  }
0x3a: {  	s30 =	simm.s32 $0x2800  }
0x3b: {  	[tilespmem:s30], [sflag:$0x1] =	stream.indirect_vreg.gather [hbm4b:s2+s25], $0x80, v3, vm0, $0xb8;
	[tilespmem:$0x10100] =	vst v63  }
0x3c: {  	v3 =	vld [tilespmem:$0x10030];
	_ =	sdelay $0x4  }
0x3d: {  	v4 =	vshll.u32 v3, $0x1  }
0x3e: {  	v3 =	vand.u32 $0x7, v3;
	v4 =	vand.u32 $0xFFFFFFF0, v4  }
0x3f: {  	v3 =	vor.u32 v3, v4  }
0x40: {  	v4 =	vperm.xlane v3, v0;
	_ =	sdelay $0x1  }
0x41: {  	v3 =	vperm.xlane v3, v2;
	v4 =	vadd.s32 v1, v4;
	_ =	sdelay $0x1  }
0x42: {  	v3 =	vadd.s32 v1, v3;
	_ =	sdelay $0x1  }
0x43: {  	s29 =	simm.s32 $0x3000  }
0x44: {  	[tilespmem:s29], [sflag:$0x1] =	stream.indirect_vreg.gather [hbm4b:s2+s25], $0x80, v4, vm0, $0xb8;
	[tilespmem:$0x10100] =	vst v63  }
0x45: {  	s30 =	simm.s32 $0x3800  }
0x46: {  	[tilespmem:s30], [sflag:$0x1] =	stream.indirect_vreg.gather [hbm4b:s2+s25], $0x80, v3, vm0, $0xb8;
	[tilespmem:$0x10100] =	vst v63  }
0x47: {  	v3 =	vld [tilespmem:$0x10040];
	_ =	sdelay $0x4  }
0x48: {  	v4 =	vshll.u32 v3, $0x1  }
0x49: {  	v3 =	vand.u32 $0x7, v3;
	v4 =	vand.u32 $0xFFFFFFF0, v4  }
0x4a: {  	v3 =	vor.u32 v3, v4  }
0x4b: {  	v4 =	vperm.xlane v3, v0;
	_ =	sdelay $0x1  }
0x4c: {  	v3 =	vperm.xlane v3, v2;
	v4 =	vadd.s32 v1, v4;
	_ =	sdelay $0x1  }
0x4d: {  	v3 =	vadd.s32 v1, v3;
	_ =	sdelay $0x1  }
0x4e: {  	s29 =	simm.s32 $0x4000  }
0x4f: {  	[tilespmem:s29], [sflag:$0x1] =	stream.indirect_vreg.gather [hbm4b:s2+s25], $0x80, v4, vm0, $0xb8;
	[tilespmem:$0x10100] =	vst v63  }
0x50: {  	s30 =	simm.s32 $0x4800  }
0x51: {  	[tilespmem:s30], [sflag:$0x1] =	stream.indirect_vreg.gather [hbm4b:s2+s25], $0x80, v3, vm0, $0xb8;
	[tilespmem:$0x10100] =	vst v63  }
0x52: {  	v3 =	vld [tilespmem:$0x10050];
	_ =	sdelay $0x4  }
0x53: {  	v4 =	vshll.u32 v3, $0x1  }
0x54: {  	v3 =	vand.u32 $0x7, v3;
	v4 =	vand.u32 $0xFFFFFFF0, v4  }
0x55: {  	v3 =	vor.u32 v3, v4  }
0x56: {  	v4 =	vperm.xlane v3, v0;
	_ =	sdelay $0x1  }
0x57: {  	v3 =	vperm.xlane v3, v2;
	v4 =	vadd.s32 v1, v4;
	_ =	sdelay $0x1  }
0x58: {  	v3 =	vadd.s32 v1, v3;
	_ =	sdelay $0x1  }
0x59: {  	s29 =	simm.s32 $0x5000  }
0x5a: {  	[tilespmem:s29], [sflag:$0x1] =	stream.indirect_vreg.gather [hbm4b:s2+s25], $0x80, v4, vm0, $0xb8;
	[tilespmem:$0x10100] =	vst v63  }
0x5b: {  	s30 =	simm.s32 $0x5800  }
0x5c: {  	[tilespmem:s30], [sflag:$0x1] =	stream.indirect_vreg.gather [hbm4b:s2+s25], $0x80, v3, vm0, $0xb8;
	[tilespmem:$0x10100] =	vst v63  }
0x5d: {  	v3 =	vld [tilespmem:$0x10060];
	_ =	sdelay $0x4  }
0x5e: {  	v4 =	vshll.u32 v3, $0x1  }
0x5f: {  	v3 =	vand.u32 $0x7, v3;
	v4 =	vand.u32 $0xFFFFFFF0, v4  }
0x60: {  	v3 =	vor.u32 v3, v4  }
0x61: {  	v4 =	vperm.xlane v3, v0;
	_ =	sdelay $0x1  }
0x62: {  	v3 =	vperm.xlane v3, v2;
	v4 =	vadd.s32 v1, v4;
	_ =	sdelay $0x1  }
0x63: {  	v3 =	vadd.s32 v1, v3;
	_ =	sdelay $0x1  }
0x64: {  	s29 =	simm.s32 $0x6000  }
0x65: {  	[tilespmem:s29], [sflag:$0x1] =	stream.indirect_vreg.gather [hbm4b:s2+s25], $0x80, v4, vm0, $0xb8;
	[tilespmem:$0x10100] =	vst v63  }
0x66: {  	s30 =	simm.s32 $0x6800  }
0x67: {  	[tilespmem:s30], [sflag:$0x1] =	stream.indirect_vreg.gather [hbm4b:s2+s25], $0x80, v3, vm0, $0xb8;
	[tilespmem:$0x10100] =	vst v63  }
0x68: {  	v3 =	vld [tilespmem:$0x10070];
	_ =	sdelay $0x4  }
0x69: {  	v4 =	vshll.u32 v3, $0x1  }
0x6a: {  	v3 =	vand.u32 $0x7, v3;
	v4 =	vand.u32 $0xFFFFFFF0, v4  }
0x6b: {  	v3 =	vor.u32 v3, v4  }
0x6c: {  	v4 =	vperm.xlane v3, v0;
	_ =	sdelay $0x1  }
0x6d: {  	v3 =	vperm.xlane v3, v2;
	v4 =	vadd.s32 v1, v4;
	_ =	sdelay $0x1  }
0x6e: {  	v3 =	vadd.s32 v1, v3;
	_ =	sdelay $0x1  }
0x6f: {  	s29 =	simm.s32 $0x7000  }
0x70: {  	[tilespmem:s29], [sflag:$0x1] =	stream.indirect_vreg.gather [hbm4b:s2+s25], $0x80, v4, vm0, $0xb8;
	[tilespmem:$0x10100] =	vst v63  }
0x71: {  	s30 =	simm.s32 $0x7800  }
0x72: {  	[tilespmem:s30], [sflag:$0x1] =	stream.indirect_vreg.gather [hbm4b:s2+s25], $0x80, v3, vm0, $0xb8;
	[tilespmem:$0x10100] =	vst v63  }
0x73: {  	v3 =	vld [tilespmem:$0x10080];
	_ =	sdelay $0x4  }
0x74: {  	v4 =	vshll.u32 v3, $0x1  }
0x75: {  	v3 =	vand.u32 $0x7, v3;
	v4 =	vand.u32 $0xFFFFFFF0, v4  }
0x76: {  	v3 =	vor.u32 v3, v4  }
0x77: {  	v4 =	vperm.xlane v3, v0;
	_ =	sdelay $0x1  }
0x78: {  	v3 =	vperm.xlane v3, v2;
	v4 =	vadd.s32 v1, v4;
	_ =	sdelay $0x1  }
0x79: {  	v3 =	vadd.s32 v1, v3;
	_ =	sdelay $0x1  }
0x7a: {  	s29 =	simm.s32 $0x8000  }
0x7b: {  	[tilespmem:s29], [sflag:$0x1] =	stream.indirect_vreg.gather [hbm4b:s3+s25], $0x80, v4, vm0, $0xb8;
	[tilespmem:$0x10100] =	vst v63  }
0x7c: {  	_ = 	snop  }
0x7d: {  	[tilespmem:s31], [sflag:$0x1] =	stream.indirect_vreg.gather [hbm4b:s3+s25], $0x80, v3, vm0, $0xb8;
	[tilespmem:$0x10100] =	vst v63  }
0x7e: {  	v3 =	vld [tilespmem:$0x10090];
	_ =	sdelay $0x4  }
0x7f: {  	v4 =	vshll.u32 v3, $0x1  }
0x80: {  	v3 =	vand.u32 $0x7, v3;
	v4 =	vand.u32 $0xFFFFFFF0, v4  }
0x81: {  	v3 =	vor.u32 v3, v4  }
0x82: {  	v4 =	vperm.xlane v3, v0;
	_ =	sdelay $0x1  }
0x83: {  	v3 =	vperm.xlane v3, v2;
	v4 =	vadd.s32 v1, v4;
	_ =	sdelay $0x1  }
0x84: {  	v3 =	vadd.s32 v1, v3;
	_ =	sdelay $0x2  }
0x85: {  	[tilespmem:s0], [sflag:$0x1] =	stream.indirect_vreg.gather [hbm4b:s3+s25], $0x80, v4, vm0, $0xb8;
	[tilespmem:$0x10100] =	vst v63  }
0x86: {  	_ = 	snop  }
0x87: {  	[tilespmem:s4], [sflag:$0x1] =	stream.indirect_vreg.gather [hbm4b:s3+s25], $0x80, v3, vm0, $0xb8;
	[tilespmem:$0x10100] =	vst v63  }
0x88: {  	v3 =	vld [tilespmem:$0x100A0];
	_ =	sdelay $0x4  }
0x89: {  	v4 =	vshll.u32 v3, $0x1  }
0x8a: {  	v3 =	vand.u32 $0x7, v3;
	v4 =	vand.u32 $0xFFFFFFF0, v4  }
0x8b: {  	v3 =	vor.u32 v3, v4  }
0x8c: {  	v4 =	vperm.xlane v3, v0;
	_ =	sdelay $0x1  }
0x8d: {  	v3 =	vperm.xlane v3, v2;
	v4 =	vadd.s32 v1, v4;
	_ =	sdelay $0x1  }
0x8e: {  	v3 =	vadd.s32 v1, v3;
	_ =	sdelay $0x2  }
0x8f: {  	[tilespmem:s10], [sflag:$0x1] =	stream.indirect_vreg.gather [hbm4b:s3+s25], $0x80, v4, vm0, $0xb8;
	[tilespmem:$0x10100] =	vst v63  }
0x90: {  	_ = 	snop  }
0x91: {  	[tilespmem:s1], [sflag:$0x1] =	stream.indirect_vreg.gather [hbm4b:s3+s25], $0x80, v3, vm0, $0xb8;
	[tilespmem:$0x10100] =	vst v63  }
0x92: {  	v3 =	vld [tilespmem:$0x100B0];
	_ =	sdelay $0x4  }
0x93: {  	v4 =	vshll.u32 v3, $0x1  }
0x94: {  	v3 =	vand.u32 $0x7, v3;
	v4 =	vand.u32 $0xFFFFFFF0, v4  }
0x95: {  	v3 =	vor.u32 v3, v4  }
0x96: {  	v4 =	vperm.xlane v3, v0;
	_ =	sdelay $0x1  }
0x97: {  	v3 =	vperm.xlane v3, v2;
	v4 =	vadd.s32 v1, v4;
	_ =	sdelay $0x1  }
0x98: {  	v3 =	vadd.s32 v1, v3;
	_ =	sdelay $0x2  }
0x99: {  	[tilespmem:s11], [sflag:$0x1] =	stream.indirect_vreg.gather [hbm4b:s3+s25], $0x80, v4, vm0, $0xb8;
	[tilespmem:$0x10100] =	vst v63  }
0x9a: {  	_ = 	snop  }
0x9b: {  	[tilespmem:s13], [sflag:$0x1] =	stream.indirect_vreg.gather [hbm4b:s3+s25], $0x80, v3, vm0, $0xb8;
	[tilespmem:$0x10100] =	vst v63  }
0x9c: {  	v3 =	vld [tilespmem:$0x100C0];
	_ =	sdelay $0x4  }
0x9d: {  	v4 =	vshll.u32 v3, $0x1  }
0x9e: {  	v3 =	vand.u32 $0x7, v3;
	v4 =	vand.u32 $0xFFFFFFF0, v4  }
0x9f: {  	v3 =	vor.u32 v3, v4  }
0xa0: {  	v4 =	vperm.xlane v3, v0;
	_ =	sdelay $0x1  }
0xa1: {  	v3 =	vperm.xlane v3, v2;
	v4 =	vadd.s32 v1, v4;
	_ =	sdelay $0x1  }
0xa2: {  	v3 =	vadd.s32 v1, v3;
	_ =	sdelay $0x2  }
0xa3: {  	[tilespmem:s14], [sflag:$0x1] =	stream.indirect_vreg.gather [hbm4b:s3+s25], $0x80, v4, vm0, $0xb8;
	[tilespmem:$0x10100] =	vst v63  }
0xa4: {  	_ = 	snop  }
0xa5: {  	[tilespmem:s15], [sflag:$0x1] =	stream.indirect_vreg.gather [hbm4b:s3+s25], $0x80, v3, vm0, $0xb8;
	[tilespmem:$0x10100] =	vst v63  }
0xa6: {  	v3 =	vld [tilespmem:$0x100D0];
	_ =	sdelay $0x4  }
0xa7: {  	v4 =	vshll.u32 v3, $0x1  }
0xa8: {  	v3 =	vand.u32 $0x7, v3;
	v4 =	vand.u32 $0xFFFFFFF0, v4  }
0xa9: {  	v3 =	vor.u32 v3, v4  }
0xaa: {  	v4 =	vperm.xlane v3, v0;
	_ =	sdelay $0x1  }
0xab: {  	v3 =	vperm.xlane v3, v2;
	v4 =	vadd.s32 v1, v4;
	_ =	sdelay $0x1  }
0xac: {  	v3 =	vadd.s32 v1, v3;
	_ =	sdelay $0x2  }
0xad: {  	[tilespmem:s16], [sflag:$0x1] =	stream.indirect_vreg.gather [hbm4b:s3+s25], $0x80, v4, vm0, $0xb8;
	[tilespmem:$0x10100] =	vst v63  }
0xae: {  	_ = 	snop  }
0xaf: {  	[tilespmem:s17], [sflag:$0x1] =	stream.indirect_vreg.gather [hbm4b:s3+s25], $0x80, v3, vm0, $0xb8;
	[tilespmem:$0x10100] =	vst v63  }
0xb0: {  	v3 =	vld [tilespmem:$0x100E0];
	_ =	sdelay $0x4  }
0xb1: {  	v4 =	vshll.u32 v3, $0x1  }
0xb2: {  	v3 =	vand.u32 $0x7, v3;
	v4 =	vand.u32 $0xFFFFFFF0, v4  }
0xb3: {  	v3 =	vor.u32 v3, v4  }
0xb4: {  	v4 =	vperm.xlane v3, v0;
	_ =	sdelay $0x1  }
0xb5: {  	v3 =	vperm.xlane v3, v2;
	v4 =	vadd.s32 v1, v4;
	_ =	sdelay $0x1  }
0xb6: {  	v3 =	vadd.s32 v1, v3;
	_ =	sdelay $0x2  }
0xb7: {  	[tilespmem:s18], [sflag:$0x1] =	stream.indirect_vreg.gather [hbm4b:s3+s25], $0x80, v4, vm0, $0xb8;
	[tilespmem:$0x10100] =	vst v63  }
0xb8: {  	_ = 	snop  }
0xb9: {  	[tilespmem:s19], [sflag:$0x1] =	stream.indirect_vreg.gather [hbm4b:s3+s25], $0x80, v3, vm0, $0xb8;
	[tilespmem:$0x10100] =	vst v63  }
0xba: {  	v3 =	vld [tilespmem:$0x100F0];
	_ =	sdelay $0x4  }
0xbb: {  	v4 =	vshll.u32 v3, $0x1  }
0xbc: {  	v3 =	vand.u32 $0x7, v3;
	v4 =	vand.u32 $0xFFFFFFF0, v4  }
0xbd: {  	v3 =	vor.u32 v3, v4  }
0xbe: {  	v4 =	vperm.xlane v3, v0;
	_ =	sdelay $0x1  }
0xbf: {  	v3 =	vperm.xlane v3, v2;
	v4 =	vadd.s32 v1, v4;
	_ =	sdelay $0x1  }
0xc0: {  	v3 =	vadd.s32 v1, v3;
	_ =	sdelay $0x2  }
0xc1: {  	[tilespmem:s20], [sflag:$0x1] =	stream.indirect_vreg.gather [hbm4b:s3+s25], $0x80, v4, vm0, $0xb8;
	[tilespmem:$0x10100] =	vst v63  }
0xc2: {  	_ = 	snop  }
0xc3: {  	[tilespmem:s21], [sflag:$0x1] =	stream.indirect_vreg.gather [hbm4b:s3+s25], $0x80, v3, vm0, $0xb8;
	[tilespmem:$0x10100] =	vst v63  }
0xc4: {  	_ =	swait.ge [sflag:s22], $0x8000  }
0xc5: {  	[sflag:s22] =	ssyncset.done $0x0  }
0xc6: {  	[sflag:s22] =	ssyncadd.s32 $0xFFFF8000  }
0xc7: {  	_ =	swait.ge [sflag:s22], $0x8000  }
0xc8: {  	s30 =	sand.u32 $0x7800, s25;
	s25 =	sand.u32 $0x380, s25;
	[sflag:s22] =	ssyncset.done $0x0  }
0xc9: {  	s25 =	sor.u32 s25, s30;
	[sflag:s22] =	ssyncadd.s32 $0xFFFF8000  }
0xca: {  	v10 =	vld [tilespmem:s25+$0x8000]  }
0xcb: {  	v11 =	vld [tilespmem:s25+$0x8010]  }
0xcc: {  	v12 =	vld [tilespmem:s25+$0x8020]  }
0xcd: {  	v13 =	vld [tilespmem:s25+$0x8030]  }
0xce: {  	v14 =	vld [tilespmem:s25+$0x8040]  }
0xcf: {  	v15 =	vld [tilespmem:s25+$0x8050]  }
0xd0: {  	v16 =	vld [tilespmem:s25+$0x8060]  }
0xd1: {  	v17 =	vld [tilespmem:s25+$0x8070]  }
0xd2: {  	v18 =	vld [tilespmem:s25+$0x8400]  }
0xd3: {  	v9 =	vld [tilespmem:s25+$0x8410]  }
0xd4: {  	v8 =	vld [tilespmem:s25+$0x8420]  }
0xd5: {  	v7 =	vld [tilespmem:s25+$0x8430]  }
0xd6: {  	v6 =	vld [tilespmem:s25+$0x8440]  }
0xd7: {  	v5 =	vld [tilespmem:s25+$0x8450]  }
0xd8: {  	v4 =	vld [tilespmem:s25+$0x8460]  }
0xd9: {  	v3 =	vld [tilespmem:s25+$0x8470]  }
0xda: {  	v19 =	vld [tilespmem:s25+$0x0]  }
0xdb: {  	v20 =	vld [tilespmem:s25+$0x10]  }
0xdc: {  	v21 =	vld [tilespmem:s25+$0x20]  }
0xdd: {  	v22 =	vld [tilespmem:s25+$0x30]  }
0xde: {  	v23 =	vld [tilespmem:s25+$0x40]  }
0xdf: {  	v10 =	vmul.f32 v10, v19;
	v19 =	vld [tilespmem:s25+$0x50]  }
0xe0: {  	v61 =	vld [tilespmem:s25+$0x60];
	v11 =	vmul.f32 v11, v20  }
0xe1: {  	v62 =	vld [tilespmem:s25+$0x70];
	[tilespmem:s25+$0x0] =	vst v10;
	v10 =	vmul.f32 v12, v21  }
0xe2: {  	v63 =	vld [tilespmem:s25+$0x400];
	[tilespmem:s25+$0x10] =	vst v11;
	v11 =	vmul.f32 v13, v22  }
0xe3: {  	v13 =	vld [tilespmem:s25+$0x410];
	[tilespmem:s25+$0x20] =	vst v10;
	v10 =	vmul.f32 v14, v23  }
0xe4: {  	v12 =	vld [tilespmem:s25+$0x420];
	[tilespmem:s25+$0x30] =	vst v11;
	v11 =	vmul.f32 v15, v19  }
0xe5: {  	v14 =	vmul.f32 v16, v61;
	[tilespmem:s25+$0x40] =	vst v10;
	v10 =	vld [tilespmem:s25+$0x430]  }
0xe6: {  	v16 =	vmul.f32 v17, v62;
	[tilespmem:s25+$0x50] =	vst v11;
	v11 =	vld [tilespmem:s25+$0x440]  }
0xe7: {  	s26 =	simm.s32 $0x80;
	s28 =	simm.s32 $0x100;
	v15 =	vmul.f32 v18, v63;
	[tilespmem:s25+$0x60] =	vst v14;
	v14 =	vld [tilespmem:s25+$0x450]  }
.LBB2_3:
0xe8: {  	s29 =	sand.u32 $0x7800, s28;
	s30 =	sand.u32 $0x380, s26;
	p0 =	sne.s32 s28, $0x7F00;
	[tilespmem:s25+$0x70] =	vst v16;
	v9 =	vmul.f32 v9, v13;
	v13 =	vld [tilespmem:s25+$0x460]  }
0xe9: {  	s29 =	sor.u32 s30, s29;
	[tilespmem:s25+$0x400] =	vst v15;
	v8 =	vmul.f32 v8, v12;
	v12 =	vld [tilespmem:s25+$0x470]  }
0xea: {  	v15 =	vld [tilespmem:s29+$0x8000];
	[tilespmem:s25+$0x410] =	vst v9;
	v7 =	vmul.f32 v7, v10  }
0xeb: {  	v10 =	vld [tilespmem:s29+$0x8010];
	[tilespmem:s25+$0x420] =	vst v8;
	v6 =	vmul.f32 v6, v11  }
0xec: {  	v11 =	vld [tilespmem:s29+$0x8020];
	[tilespmem:s25+$0x430] =	vst v7;
	v5 =	vmul.f32 v5, v14  }
0xed: {  	v14 =	vld [tilespmem:s29+$0x8030];
	[tilespmem:s25+$0x440] =	vst v6;
	v4 =	vmul.f32 v4, v13  }
0xee: {  	v13 =	vld [tilespmem:s29+$0x8040];
	[tilespmem:s25+$0x450] =	vst v5;
	v3 =	vmul.f32 v3, v12  }
0xef: {  	v12 =	vld [tilespmem:s29+$0x8050];
	[tilespmem:s25+$0x460] =	vst v4  }
0xf0: {  	v16 =	vld [tilespmem:s29+$0x8060];
	[tilespmem:s25+$0x470] =	vst v3;
	s25 =	smov.u32 s29  }
0xf1: {  	v17 =	vld [tilespmem:s25+$0x8070]  }
0xf2: {  	v18 =	vld [tilespmem:s25+$0x8400]  }
0xf3: {  	v9 =	vld [tilespmem:s25+$0x8410]  }
0xf4: {  	v8 =	vld [tilespmem:s25+$0x8420]  }
0xf5: {  	v7 =	vld [tilespmem:s25+$0x8430]  }
0xf6: {  	v6 =	vld [tilespmem:s25+$0x8440]  }
0xf7: {  	v5 =	vld [tilespmem:s25+$0x8450]  }
0xf8: {  	v4 =	vld [tilespmem:s25+$0x8460]  }
0xf9: {  	v3 =	vld [tilespmem:s25+$0x8470]  }
0xfa: {  	v19 =	vld [tilespmem:s25+$0x0]  }
0xfb: {  	v20 =	vld [tilespmem:s25+$0x10]  }
0xfc: {  	v21 =	vld [tilespmem:s25+$0x20]  }
0xfd: {  	v22 =	vld [tilespmem:s25+$0x30]  }
0xfe: {  	v23 =	vld [tilespmem:s25+$0x40]  }
0xff: {  	v15 =	vmul.f32 v15, v19;
	v19 =	vld [tilespmem:s25+$0x50]  }
0x100: {  	v10 =	vmul.f32 v10, v20;
	v20 =	vld [tilespmem:s25+$0x60]  }
0x101: {  	[tilespmem:s25+$0x0] =	vst v15;
	v11 =	vmul.f32 v11, v21;
	v15 =	vld [tilespmem:s25+$0x70]  }
0x102: {  	[tilespmem:s25+$0x10] =	vst v10;
	v10 =	vmul.f32 v14, v22;
	v14 =	vld [tilespmem:s25+$0x400]  }
.Ltmp0:
0x103: {  	[tilespmem:s25+$0x20] =	vst v11;
	v11 =	vmul.f32 v13, v23;
	v13 =	vld [tilespmem:s25+$0x410];
	(pc) =	sbr.rel @p0 .LBB2_3-.Ltmp0, $4  }
0x104: {  	[tilespmem:s25+$0x30] =	vst v10;
	v19 =	vmul.f32 v12, v19;
	v12 =	vld [tilespmem:s25+$0x420]  }
0x105: {  	[tilespmem:s25+$0x40] =	vst v11;
	v20 =	vmul.f32 v16, v20;
	v10 =	vld [tilespmem:s25+$0x430]  }
0x106: {  	[tilespmem:s25+$0x50] =	vst v19;
	v16 =	vmul.f32 v17, v15;
	v11 =	vld [tilespmem:s25+$0x440]  }
0x107: {  	s26 =	sadd.s32 $0x80, s26;
	s28 =	sadd.s32 $0x100, s28;
	[tilespmem:s25+$0x60] =	vst v20;
	v15 =	vmul.f32 v18, v14;
	v14 =	vld [tilespmem:s25+$0x450]  }
0x108: {  	[tilespmem:s25+$0x70] =	vst v16;
	v9 =	vmul.f32 v9, v13;
	v62 =	vld [tilespmem:s25+$0x460]  }
0x109: {  	v63 =	vld [tilespmem:s25+$0x470];
	[tilespmem:s25+$0x400] =	vst v15;
	v8 =	vmul.f32 v8, v12  }
0x10a: {  	[tilespmem:s25+$0x410] =	vst v9;
	v7 =	vmul.f32 v7, v10  }
0x10b: {  	[tilespmem:s25+$0x420] =	vst v8;
	v6 =	vmul.f32 v6, v11  }
0x10c: {  	[tilespmem:s25+$0x430] =	vst v7;
	v5 =	vmul.f32 v5, v14  }
0x10d: {  	[tilespmem:s25+$0x440] =	vst v6;
	v4 =	vmul.f32 v4, v62  }
0x10e: {  	s23 =	sadd.s32 $0x1, s23;
	v3 =	vmul.f32 v3, v63;
	[tilespmem:s25+$0x450] =	vst v5  }
0x10f: {  	s24 =	sshll.u32 s24, $0x5;
	p0 =	sne.s32 s23, s8;
	[tilespmem:s25+$0x460] =	vst v4  }
.Ltmp1:
0x110: {  	s30 =	simm.s32 $0x0;
	s24 =	sadd.s32 s7, s24;
	[tilespmem:s25+$0x470] =	vst v3;
	(pc) =	sbr.rel @p0 .LBB2_2-.Ltmp1, $4  }
0x111: {  	[hbm4b:s24+s30] =	stream.linear.scatter [tilespmem:s30], [sflag:$0x2], $0x8000, $0x38;
	[tilespmem:$0x10100] =	vst v63  }
0x112: {  	_ =	swait.ge [sflag:s12], $0x8000  }
0x113: {  	[sflag:s12] =	ssyncset.done $0x0  }
0x114: {  	[sflag:s12] =	ssyncadd.s32 $0xFFFF8000  }
0x115: {  	s24 =	rddreg [dreg:$0x3]  }
0x116: {  	s23 =	rddreg [dreg:$0x2];
	s24 =	sadd.s32 $0x1, s24  }
0x117: {  	p0 =	sne.s32 s24, s23  }
.Ltmp2:
0x118: {  	_ = 	snop;
	(pc) =	sbr.rel @p0 .LBB2_1-.Ltmp2, $1  }
0x119: {  	_ =	sdelay $0x3  }
0x11a: {  	_ =	sfence.sel $0x180000  }
0x11b: {  	[bflag:$0x0] =	sbarrier.arrive $0xFFFF  }
0x11c: {  	_ =	strace $0x90000047  }
0x11d: {  	s0 =	stileid.u32;
	[bflag:$0x2] =	sbarrier.arrive $0xFFFF  }
0x11e: {  	p0 =	sne.s32 s0, $0x0;
	s0 =	rddreg [dreg:$0x1]  }
0x11f: {  	s0 =	sadd.s32 @!p0 $0x100000, s0  }
0x120: {  	[sflag:s0] =	ssyncadd.tile.s32 @!p0 $0x1;
	_ =	shalt  }
.Lfunc_end2:
_tile_overlayer_lowered:
.L_overlay_start_2:
0x121: {  	(tag) =	ssettag $0x2  }
0x122: {  	s0 =	rddreg [dreg:$0x0];
	s2 =	stileid.u32  }
0x123: {  	s1 =	rddreg [dreg:$0x1];
	p0 =	sne.s32 s2, $0x0  }
0x124: {  	s3 =	rddreg [dreg:$0x2];
	[bflag:$0x3] =	sbarrier.arrive $0xFFFF;
	s2 =	simm.s32 @!p0 $0x1C02  }
0x125: {  	[timem:s3], [sflag:s2] =	dma.local @!p0 [hbm:s0], s1  }
0x126: {  	s0 =	simm.s32 @!p0 $0x2  }
0x127: {  	_ =	swait.ge @!p0 [sflag:s0], s1  }
0x128: {  	s1 =	ssub.s32 @!p0 $0x0, s1;
	[sflag:s0] =	ssyncset.done @!p0 $0x0  }
0x129: {  	[sflag:s0] =	ssyncadd.s32 @!p0 s1  }
0x12a: {  	[bflag:$0x3] =	sbarrier.arrive $0xFFFF  }
0x12b: {  	_ =	shalt  }

// kernel: _run.13.cloned.1.call-start
scs
__scs_entry_jumppad:
0x0: {  	(pc) =	sbr.rel $0x88, $3  }
0x1: {  	(tag) =	ssettag $0x0;
	lr =	simm.s32 $0x1  }
0x2: {  	[smem:$0x3F92] =	sst lr;
	_ =	strace $0xD0000000  }
0x3: {  	_ = 	snop  }
0x4: {  	_ = 	snop  }
0x5: {  	_ = 	snop  }
0x6: {  	_ = 	snop  }
0x7: {  	_ = 	snop  }
__scs_overlays_trampoline_lowered:
0x8: {  	[smem:$0x3FA1] =	sst s0  }
0x9: {  	[smem:$0x3FA2] =	sst s1  }
0xa: {  	[smem:$0x3FA3] =	sst s2  }
0xb: {  	[smem:$0x3FA4] =	sst s3  }
0xc: {  	[smem:$0x3FA5] =	sst s4  }
0xd: {  	[smem:$0x3FA6] =	sst s5  }
0xe: {  	[smem:$0x3FA7] =	sst s6  }
0xf: {  	[smem:$0x3FA8] =	sst s7  }
0x10: {  	[smem:$0x3FA9] =	sst s8  }
0x11: {  	[smem:$0x3FAA] =	sst s9;
	s0 =	simm.s32 @!p0 $0x0  }
0x12: {  	s1 =	sld [smem:$0x3F90];
	s0 =	simm.s32 @p0 $0x1  }
0x13: {  	[smem:$0x3FAB] =	sst s0;
	s0 =	simm.s32 @!p1 $0x0  }
0x14: {  	s2 =	sld [smem:$0x3F8F];
	s0 =	simm.s32 @p1 $0x1  }
0x15: {  	[smem:$0x3FAC] =	sst s0;
	s0 =	simm.s32 @!p2 $0x0  }
0x16: {  	s3 =	sld [smem:$0x3FDB];
	s0 =	simm.s32 @p2 $0x1  }
0x17: {  	s4 =	simm.s32 $0x1BF5;
	[smem:$0x3FAE] =	sst s0  }
0x18: {  	s0 =	sld [smem:$0x3F91];
	_ =	swait.ge [sflag:s4], $0x0  }
0x19: {  	s7 =	sld [smem:$0x3F92]  }
0x1a: {  	s8 =	sadd.s32 $0xFFFFE003, lr  }
0x1b: {  	s9 =	sadd.s32 $0xFFFFFEF7, lr;
	s5 =	simm.s32 $0xFFFFFFFF;
	p2 =	slt.u32 s8, $0xFFFFF086  }
0x1c: {  	p1 =	slt.u32 s9, $0xF7A;
	s5 =	simm.s32 @!p2 $0x0  }
0x1d: {  	s5 =	simm.s32 @p1 $0x1;
	p0 =	seq.s32 s7, s2  }
0x1e: {  	s7 =	smul.u32 @!p0 $0xF7A, s2;
	p2 =	seq.s32 @!p0 s5, $0x0  }
0x1f: {  	s9 =	smul.u32 $0xF7A, s1;
	s8 =	simm.s32 @!p0 $0x1BF5;
	p2 =	por !p2, p0  }
0x20: {  	[sflag:s8] =	ssyncset.s32 @!p0 $0xFFFFF086;
	s6 =	sadd.s32 @!p0 s3, s7;
	s7 =	simm.s32 @!p0 $0x108  }
0x21: {  	s3 =	sadd.s32 s3, s9;
	s6 =	sadd.s32 @!p0 $0x88, s6;
	s7 =	simm.s32 @p2 $0x1082  }
0x22: {  	[simem:s7], [sflag:s8] =	dma.local @!p0 [hbm:s6], $0xF7A  }
0x23: {  	s9 =	sor.u32 $0xD0000000, s2;
	s6 =	simm.s32 $0x108;
	_ =	swait.ge @!p0 [sflag:s8], $0x0  }
0x24: {  	s3 =	sadd.s32 $0x88, s3;
	s6 =	simm.s32 @!p1 $0x1082;
	[sflag:s4] =	ssyncset.s32 $0xFFFFF086  }
0x25: {  	[simem:s6], [sflag:s4] =	dma.local [hbm:s3], $0xF7A  }
0x26: {  	[smem:$0x3F92] =	sst s1;
	(tag) =	ssettag s2;
	_ =	strace s9  }
0x27: {  	s1 =	sld [smem:$0x3FA2]  }
0x28: {  	s2 =	sld [smem:$0x3FA3]  }
0x29: {  	s4 =	sld [smem:$0x3FA5]  }
0x2a: {  	p0 =	seq.s32 s5, $0x0;
	s5 =	sld [smem:$0x3FA6]  }
0x2b: {  	s6 =	sld [smem:$0x3FA7]  }
0x2c: {  	s7 =	sld [smem:$0x3FA8]  }
0x2d: {  	s3 =	simm.s32 $0x108;
	s8 =	sld [smem:$0x3FA9]  }
0x2e: {  	s3 =	simm.s32 @!p0 $0x1082;
	s9 =	sld [smem:$0x3FAA]  }
0x2f: {  	lr =	sadd.s32 s0, s3;
	s0 =	sld [smem:$0x3FA1]  }
0x30: {  	s3 =	sld [smem:$0x3FA4]  }
0x31: {  	[smem:$0x3FAD] =	sst s10  }
0x32: {  	s10 =	sld [smem:$0x3FAB];
	_ =	sdelay $0x3  }
0x33: {  	p0 =	seq.s32 s10, $0x1;
	s10 =	sld [smem:$0x3FAD];
	_ =	sdelay $0x3  }
0x34: {  	[smem:$0x3FAD] =	sst s10  }
0x35: {  	s10 =	sld [smem:$0x3FAC];
	_ =	sdelay $0x3  }
0x36: {  	p1 =	seq.s32 s10, $0x1;
	s10 =	sld [smem:$0x3FAD];
	_ =	sdelay $0x3  }
0x37: {  	[smem:$0x3FAD] =	sst s10  }
0x38: {  	s10 =	sld [smem:$0x3FAE]  }
0x39: {  	_ = 	snop;
	(pc) =	sbr.ind lr, $3  }
0x3a: {  	_ = 	snop  }
0x3b: {  	_ = 	snop  }
0x3c: {  	p2 =	seq.s32 s10, $0x1;
	s10 =	sld [smem:$0x3FAD]  }
0x3d: {  	_ =	shalt  }
0x3e: {  	_ =	shalt  }
0x3f: {  	_ =	shalt  }
0x40: {  	_ =	shalt  }
0x41: {  	_ =	shalt  }
0x42: {  	_ =	shalt  }
0x43: {  	_ =	shalt  }
0x44: {  	_ =	shalt  }
0x45: {  	_ =	shalt  }
0x46: {  	_ =	shalt  }
0x47: {  	_ =	shalt  }
0x48: {  	_ =	shalt  }
0x49: {  	_ =	shalt  }
0x4a: {  	_ =	shalt  }
0x4b: {  	_ =	shalt  }
0x4c: {  	_ =	shalt  }
0x4d: {  	_ =	shalt  }
0x4e: {  	_ =	shalt  }
0x4f: {  	_ =	shalt  }
0x50: {  	_ =	shalt  }
0x51: {  	_ =	shalt  }
0x52: {  	_ =	shalt  }
0x53: {  	_ =	shalt  }
0x54: {  	_ =	shalt  }
0x55: {  	_ =	shalt  }
0x56: {  	_ =	shalt  }
0x57: {  	_ =	shalt  }
0x58: {  	_ =	shalt  }
0x59: {  	_ =	shalt  }
0x5a: {  	_ =	shalt  }
0x5b: {  	_ =	shalt  }
0x5c: {  	_ =	shalt  }
0x5d: {  	_ =	shalt  }
0x5e: {  	_ =	shalt  }
0x5f: {  	_ =	shalt  }
0x60: {  	_ =	shalt  }
0x61: {  	_ =	shalt  }
0x62: {  	_ =	shalt  }
0x63: {  	_ =	shalt  }
0x64: {  	_ =	shalt  }
0x65: {  	_ =	shalt  }
0x66: {  	_ =	shalt  }
0x67: {  	_ =	shalt  }
0x68: {  	_ =	shalt  }
0x69: {  	_ =	shalt  }
0x6a: {  	_ =	shalt  }
0x6b: {  	_ =	shalt  }
0x6c: {  	_ =	shalt  }
0x6d: {  	_ =	shalt  }
0x6e: {  	_ =	shalt  }
0x6f: {  	_ =	shalt  }
0x70: {  	_ =	shalt  }
0x71: {  	_ =	shalt  }
0x72: {  	_ =	shalt  }
0x73: {  	_ =	shalt  }
0x74: {  	_ =	shalt  }
0x75: {  	_ =	shalt  }
0x76: {  	_ =	shalt  }
0x77: {  	_ =	shalt  }
0x78: {  	_ =	shalt  }
0x79: {  	_ =	shalt  }
0x7a: {  	_ =	shalt  }
0x7b: {  	_ =	shalt  }
0x7c: {  	_ =	shalt  }
0x7d: {  	_ =	shalt  }
0x7e: {  	_ =	shalt  }
0x7f: {  	_ =	shalt  }
0x80: {  	_ =	shalt  }
0x81: {  	_ =	shalt  }
0x82: {  	_ =	shalt  }
0x83: {  	_ =	shalt  }
0x84: {  	_ =	shalt  }
0x85: {  	_ =	shalt  }
0x86: {  	_ =	shalt  }
0x87: {  	_ =	shalt  }
.Lfunc_end0:
.L_simem_size_0:
called_computation.1_lowered:
.L_overlay_start_0:
0x88: {  	s2 =	sld [smem:$0x3FD9]  }
0x89: {  	s3 =	sld [smem:$0x3FFE];
	_ =	sdelay $0x1  }
0x8a: {  	s1 =	srdreg.scid  }
0x8b: {  	s0 =	sand.u32 $0x1, s1  }
0x8c: {  	s17 =	sshll.u32 s0, $0xA;
	s2 =	sadd.s32 s3, s2  }
0x8d: {  	s2 =	sadd.s32 s2, s17  }
0x8e: {  	[smem:$0x3FB9] =	sst s2  }
0x8f: {  	_ = 	snop  }
0x90: {  	s2 =	sld [smem:$0x3FD0];
	(tm) =	ssettm $0x1  }
0x91: {  	s18 =	sld [smem:$0x3FFB];
	_ =	sdelay $0x3  }
0x92: {  	_ =	strace s18  }
0x93: {  	s3 =	sld [smem:$0x3FFC];
	_ =	sdelay $0x3  }
0x94: {  	_ =	strace s3  }
0x95: {  	s3 =	sld [smem:$0x3FFD];
	_ =	sdelay $0x3  }
0x96: {  	_ =	strace s3  }
0x97: {  	_ =	strace $0x8FFFFFFF  }
0x98: {  	s19 =	sld [smem:$0x3FDB];
	_ =	sdelay $0x1  }
0x99: {  	s4 =	simm.s32 $_scs_section_size  }
0x9a: {  	s5 =	simm.s32 $_size__tile_overlayer_lowered;
	s6 =	simm.s32 $_tile_overlayer_lowered  }
0x9b: {  	s22 =	simm.s32 $0x1BFF;
	s21 =	sshll.u32 s6, $0x1;
	s3 =	sadd.s32 s4, s19  }
0x9c: {  	s7 =	simm.s32 $0x0;
	s20 =	sshll.u32 s5, $0x1;
	s5 =	sadd.s32 s21, s3  }
0x9d: {  	[timem:s7], [sflag:s22] =	dma.local [hbm:s5], s20  }
0x9e: {  	_ =	swait.ge [sflag:s22], s20  }
0x9f: {  	s4 =	ssub.s32 $0x0, s20;
	[sflag:s22] =	ssyncset.done $0x0  }
0xa0: {  	[sflag:s22] =	ssyncadd.s32 s4;
	_ =	sdelay $0x1  }
0xa1: {  	s23 =	simm.s32 $0x1B8B  }
0xa2: {  	_ =	swait.ge [sflag:s23], $0x1  }
0xa3: {  	[sflag:s23] =	ssyncset.done $0x0  }
0xa4: {  	s25 =	simm.s32 $0x1B8E;
	s24 =	sld [smem:$0x3FFE];
	[sflag:s23] =	ssyncadd.s32 $0xFFFFFFFF  }
0xa5: {  	s26 =	simm.s32 $execute0_lowered;
	[smem:$0x3FD2] =	sst s25  }
0xa6: {  	s5 =	sshll.u32 s26, $0x1;
	_ =	strace $0x80000049;
	[dreg:$0x1] =	wrdreg $0xFFFFFFFF  }
0xa7: {  	s28 =	simm.s32 $_size_execute0_lowered;
	s3 =	sadd.s32 s3, s5;
	[dreg:$0x0] =	wrdreg $0x0  }
0xa8: {  	s5 =	sshll.u32 s28, $0x1;
	[dreg:$0x2] =	wrdreg s3  }
0xa9: {  	[dreg:$0x3] =	wrdreg s5  }
0xaa: {  	[dreg:$0x4] =	wrdreg $0xC0  }
0xab: {  	_ =	task [dreg:s7], $0x5FFFF  }
0xac: {  	[dreg:$0x1] =	wrdreg $0xFFFFFFFF  }
0xad: {  	[dreg:$0x0] =	wrdreg $0x60  }
0xae: {  	[dreg:$0x2] =	wrdreg s2  }
0xaf: {  	[dreg:$0x3] =	wrdreg s24  }
0xb0: {  	[dreg:$0x4] =	wrdreg $0x9  }
0xb1: {  	_ =	task.clear_ibuf [dreg:s7], $0x5FFFF;
	_ =	strace $0x90000049  }
0xb2: {  	s29 =	simm.s32 $0x9;
	_ =	strace $0x8000004B  }
0xb3: {  	_ =	swait.ge [sflag:s29], $0x1  }
0xb4: {  	[sflag:s29] =	ssyncadd.s32 $0xFFFFFFFF  }
0xb5: {  	_ =	strace $0x9000004B  }
0xb6: {  	_ =	sfence  }
0xb7: {  	s30 =	sld [smem:$0x0];
	_ =	sdelay $0x2  }
0xb8: {  	s31 =	sshll.u32 s1, $0xD;
	s1 =	sshrl.u32 s1, $0x2  }
0xb9: {  	s3 =	sand.u32 $0x4000, s31;
	s1 =	sadd.s32 s1, s30  }
0xba: {  	s0 =	sor.u32 s3, s0;
	s1 =	sshll.u32 s1, $0x11  }
0xbb: {  	s0 =	sor.u32 s1, s0  }
0xbc: {  	s0 =	sadd.s32 $0x8F2B, s0  }
0xbd: {  	[sflag:s0] =	ssyncadd.remote.s32 $0x1  }
0xbe: {  	_ =	sfence.sel $0xFFFF  }
0xbf: {  	[dreg:$0x0] =	wrdreg $0xFFFFFFFF;
	(pc) =	sbr.abs _section_cstart, $3  }
0xc0: {  	[dreg:$0x1] =	wrdreg $0xFFFFFFFF  }
0xc1: {  	_ =	task.clear_ibuf [dreg:s7], $0x2FFFF;
	_ =	strace $0x9FFFFFFF  }
0xc2: {  	(tm) =	ssettm $0x7FFFFFFF  }
0xc3: {  	_ =	shalt  }
tec
execute0_lowered:
.L_overlay_start_1:
0x0: {  	(tag) =	ssettag $0x1  }
0x1: {  	s1 =	rddreg [dreg:$0x0]  }
0x2: {  	s0 =	rddreg [dreg:$0x1];
	s2 =	simm.s32 $0x0  }
0x3: {  	s30 =	srdreg.scid;
	s6 =	stileid.u32;
	s11 =	simm.s32 $0x2  }
0x4: {  	s13 =	simm.s32 $0x1000;
	s14 =	simm.s32 $0x1800;
	s15 =	simm.s32 $0x2000  }
0x5: {  	s16 =	simm.s32 $0x2800;
	s17 =	simm.s32 $0x3000;
	s18 =	simm.s32 $0x3800  }
0x6: {  	s19 =	simm.s32 $0x4000;
	s20 =	simm.s32 $0x4800;
	s21 =	simm.s32 $0x5000  }
0x7: {  	s22 =	simm.s32 $0x5800;
	s23 =	simm.s32 $0x6000;
	s24 =	simm.s32 $0x6800  }
0x8: {  	s25 =	simm.s32 $0x7000;
	s26 =	simm.s32 $0x7800;
	s28 =	simm.s32 $0x1  }
0x9: {  	[smem:$0x7FF] =	sst s2;
	s2 =	sand.u32 $0x1, s30;
	s4 =	sadd.s32 $0x7400, s0  }
0xa: {  	s5 =	sadd.s32 $0x58A800, s0;
	s3 =	sshll.u32 s2, $0x4;
	s2 =	ssub.s32 $0x2, s2  }
0xb: {  	s7 =	sadd.s32 $0xC400, s0;
	_ =	strace $0x8000004A;
	s8 =	sshrl.u32 s2, $0x1  }
0xc: {  	v2 =	vlaneseq.u32;
	s3 =	sor.u32 s6, s3;
	s6 =	simm.s32 $0x28;
	s31 =	ssub.s32 s2, s8  }
0xd: {  	vm0 =	vmmov $0xffff;
	v1 =	vshrl.u32 v2, $0x3;
	p0 =	slt.u32 s3, $0x2;
	s8 =	sshll.u32 s3, $0x7;
	s0 =	smax.u32 s31, $0x1  }
0xe: {  	v0 =	vand.u32 $0x7, v2;
	v2 =	vor.u32 $0x8, v2;
	v1 =	vmul.u32 $0x8, v1;
	s2 =	simm.s32 $0x0;
	s6 =	simm.s32 @!p0 $0x27;
	[dreg:$0x3] =	wrdreg s0  }
.LBB2_1:
0xf: {  	[dreg:$0x4] =	wrdreg s2;
	s30 =	simm.s32 $0x0  }
.LBB2_2:
0x10: {  	s0 =	sshll.u32 s30, $0xC  }
0x11: {  	s31 =	sor.u32 s8, s0  }
0x12: {  	s0 =	sshrl.u32 s31, $0x3  }
0x13: {  	s2 =	simm.s32 $0x0;
	s3 =	simm.s32 $0xC000;
	s0 =	sadd.s32 s4, s0  }
0x14: {  	[tilespmem:s3], [sflag:$0x2] =	stream.linear.gather [hbm4b:s0+s2], $0x80, $0x38;
	[tilespmem:$0xC080] =	vst v63  }
0x15: {  	_ =	swait.ge [sflag:s11], $0x80  }
0x16: {  	s9 =	sshll.u32 s31, $0x4;
	[sflag:s11] =	ssyncset.done $0x0  }
0x17: {  	s12 =	simm.s32 $0x8000;
	s10 =	sadd.s32 s5, s9;
	[sflag:s11] =	ssyncadd.s32 $0xFFFFFF80  }
0x18: {  	[tilespmem:s12], [sflag:$0x2] =	stream.linear.gather [hbm4b:s10+s2], $0x4000, $0x38;
	[tilespmem:$0xC080] =	vst v63  }
0x19: {  	_ =	swait.ge [sflag:s11], $0x4000  }
0x1a: {  	[sflag:s11] =	ssyncset.done $0x0  }
0x1b: {  	[sflag:s11] =	ssyncadd.s32 $0xFFFFC000  }
0x1c: {  	v3 =	vld [tilespmem:$0xC000];
	_ =	sdelay $0x4  }
0x1d: {  	v4 =	vshll.u32 v3, $0x1  }
0x1e: {  	v3 =	vand.u32 $0x7, v3;
	v4 =	vand.u32 $0xFFFFFFF0, v4  }
0x1f: {  	v3 =	vor.u32 v3, v4  }
0x20: {  	v4 =	vperm.xlane v3, v0;
	_ =	sdelay $0x1  }
0x21: {  	v3 =	vperm.xlane v3, v2;
	v4 =	vadd.s32 v1, v4;
	_ =	sdelay $0x1  }
0x22: {  	v3 =	vadd.s32 v1, v3;
	_ =	sdelay $0x2  }
0x23: {  	[tilespmem:s2], [sflag:$0x1] =	stream.indirect_vreg.gather [hbm4b:s1+s2], $0x80, v4, vm0, $0xb8;
	[tilespmem:$0xC080] =	vst v63  }
0x24: {  	s9 =	simm.s32 $0x800  }
0x25: {  	[tilespmem:s9], [sflag:$0x1] =	stream.indirect_vreg.gather [hbm4b:s1+s2], $0x80, v3, vm0, $0xb8;
	[tilespmem:$0xC080] =	vst v63  }
0x26: {  	v3 =	vld [tilespmem:$0xC010];
	_ =	sdelay $0x4  }
0x27: {  	v4 =	vshll.u32 v3, $0x1  }
0x28: {  	v3 =	vand.u32 $0x7, v3;
	v4 =	vand.u32 $0xFFFFFFF0, v4  }
0x29: {  	v3 =	vor.u32 v3, v4  }
0x2a: {  	v4 =	vperm.xlane v3, v0;
	_ =	sdelay $0x1  }
0x2b: {  	v3 =	vperm.xlane v3, v2;
	v4 =	vadd.s32 v1, v4;
	_ =	sdelay $0x1  }
0x2c: {  	v3 =	vadd.s32 v1, v3;
	_ =	sdelay $0x2  }
0x2d: {  	[tilespmem:s13], [sflag:$0x1] =	stream.indirect_vreg.gather [hbm4b:s1+s2], $0x80, v4, vm0, $0xb8;
	[tilespmem:$0xC080] =	vst v63  }
0x2e: {  	_ = 	snop  }
0x2f: {  	[tilespmem:s14], [sflag:$0x1] =	stream.indirect_vreg.gather [hbm4b:s1+s2], $0x80, v3, vm0, $0xb8;
	[tilespmem:$0xC080] =	vst v63  }
0x30: {  	v3 =	vld [tilespmem:$0xC020];
	_ =	sdelay $0x4  }
0x31: {  	v4 =	vshll.u32 v3, $0x1  }
0x32: {  	v3 =	vand.u32 $0x7, v3;
	v4 =	vand.u32 $0xFFFFFFF0, v4  }
0x33: {  	v3 =	vor.u32 v3, v4  }
0x34: {  	v4 =	vperm.xlane v3, v0;
	_ =	sdelay $0x1  }
0x35: {  	v3 =	vperm.xlane v3, v2;
	v4 =	vadd.s32 v1, v4;
	_ =	sdelay $0x1  }
0x36: {  	v3 =	vadd.s32 v1, v3;
	_ =	sdelay $0x2  }
0x37: {  	[tilespmem:s15], [sflag:$0x1] =	stream.indirect_vreg.gather [hbm4b:s1+s2], $0x80, v4, vm0, $0xb8;
	[tilespmem:$0xC080] =	vst v63  }
0x38: {  	_ = 	snop  }
0x39: {  	[tilespmem:s16], [sflag:$0x1] =	stream.indirect_vreg.gather [hbm4b:s1+s2], $0x80, v3, vm0, $0xb8;
	[tilespmem:$0xC080] =	vst v63  }
0x3a: {  	v3 =	vld [tilespmem:$0xC030];
	_ =	sdelay $0x4  }
0x3b: {  	v4 =	vshll.u32 v3, $0x1  }
0x3c: {  	v3 =	vand.u32 $0x7, v3;
	v4 =	vand.u32 $0xFFFFFFF0, v4  }
0x3d: {  	v3 =	vor.u32 v3, v4  }
0x3e: {  	v4 =	vperm.xlane v3, v0;
	_ =	sdelay $0x1  }
0x3f: {  	v3 =	vperm.xlane v3, v2;
	v4 =	vadd.s32 v1, v4;
	_ =	sdelay $0x1  }
0x40: {  	v3 =	vadd.s32 v1, v3;
	_ =	sdelay $0x2  }
0x41: {  	[tilespmem:s17], [sflag:$0x1] =	stream.indirect_vreg.gather [hbm4b:s1+s2], $0x80, v4, vm0, $0xb8;
	[tilespmem:$0xC080] =	vst v63  }
0x42: {  	_ = 	snop  }
0x43: {  	[tilespmem:s18], [sflag:$0x1] =	stream.indirect_vreg.gather [hbm4b:s1+s2], $0x80, v3, vm0, $0xb8;
	[tilespmem:$0xC080] =	vst v63  }
0x44: {  	v3 =	vld [tilespmem:$0xC040];
	_ =	sdelay $0x4  }
0x45: {  	v4 =	vshll.u32 v3, $0x1  }
0x46: {  	v3 =	vand.u32 $0x7, v3;
	v4 =	vand.u32 $0xFFFFFFF0, v4  }
0x47: {  	v3 =	vor.u32 v3, v4  }
0x48: {  	v4 =	vperm.xlane v3, v0;
	_ =	sdelay $0x1  }
0x49: {  	v3 =	vperm.xlane v3, v2;
	v4 =	vadd.s32 v1, v4;
	_ =	sdelay $0x1  }
0x4a: {  	v3 =	vadd.s32 v1, v3;
	_ =	sdelay $0x2  }
0x4b: {  	[tilespmem:s19], [sflag:$0x1] =	stream.indirect_vreg.gather [hbm4b:s1+s2], $0x80, v4, vm0, $0xb8;
	[tilespmem:$0xC080] =	vst v63  }
0x4c: {  	_ = 	snop  }
0x4d: {  	[tilespmem:s20], [sflag:$0x1] =	stream.indirect_vreg.gather [hbm4b:s1+s2], $0x80, v3, vm0, $0xb8;
	[tilespmem:$0xC080] =	vst v63  }
0x4e: {  	v3 =	vld [tilespmem:$0xC050];
	_ =	sdelay $0x4  }
0x4f: {  	v4 =	vshll.u32 v3, $0x1  }
0x50: {  	v3 =	vand.u32 $0x7, v3;
	v4 =	vand.u32 $0xFFFFFFF0, v4  }
0x51: {  	v3 =	vor.u32 v3, v4  }
0x52: {  	v4 =	vperm.xlane v3, v0;
	_ =	sdelay $0x1  }
0x53: {  	v3 =	vperm.xlane v3, v2;
	v4 =	vadd.s32 v1, v4;
	_ =	sdelay $0x1  }
0x54: {  	v3 =	vadd.s32 v1, v3;
	_ =	sdelay $0x2  }
0x55: {  	[tilespmem:s21], [sflag:$0x1] =	stream.indirect_vreg.gather [hbm4b:s1+s2], $0x80, v4, vm0, $0xb8;
	[tilespmem:$0xC080] =	vst v63  }
0x56: {  	_ = 	snop  }
0x57: {  	[tilespmem:s22], [sflag:$0x1] =	stream.indirect_vreg.gather [hbm4b:s1+s2], $0x80, v3, vm0, $0xb8;
	[tilespmem:$0xC080] =	vst v63  }
0x58: {  	v3 =	vld [tilespmem:$0xC060];
	_ =	sdelay $0x4  }
0x59: {  	v4 =	vshll.u32 v3, $0x1  }
0x5a: {  	v3 =	vand.u32 $0x7, v3;
	v4 =	vand.u32 $0xFFFFFFF0, v4  }
0x5b: {  	v3 =	vor.u32 v3, v4  }
0x5c: {  	v4 =	vperm.xlane v3, v0;
	_ =	sdelay $0x1  }
0x5d: {  	v3 =	vperm.xlane v3, v2;
	v4 =	vadd.s32 v1, v4;
	_ =	sdelay $0x1  }
0x5e: {  	v3 =	vadd.s32 v1, v3;
	_ =	sdelay $0x2  }
0x5f: {  	[tilespmem:s23], [sflag:$0x1] =	stream.indirect_vreg.gather [hbm4b:s1+s2], $0x80, v4, vm0, $0xb8;
	[tilespmem:$0xC080] =	vst v63  }
0x60: {  	_ = 	snop  }
0x61: {  	[tilespmem:s24], [sflag:$0x1] =	stream.indirect_vreg.gather [hbm4b:s1+s2], $0x80, v3, vm0, $0xb8;
	[tilespmem:$0xC080] =	vst v63  }
0x62: {  	v3 =	vld [tilespmem:$0xC070];
	_ =	sdelay $0x4  }
0x63: {  	v4 =	vshll.u32 v3, $0x1  }
0x64: {  	v3 =	vand.u32 $0x7, v3;
	v4 =	vand.u32 $0xFFFFFFF0, v4  }
0x65: {  	v3 =	vor.u32 v3, v4  }
0x66: {  	v4 =	vperm.xlane v3, v0;
	_ =	sdelay $0x1  }
0x67: {  	v3 =	vperm.xlane v3, v2;
	v4 =	vadd.s32 v1, v4;
	_ =	sdelay $0x1  }
0x68: {  	v3 =	vadd.s32 v1, v3;
	_ =	sdelay $0x2  }
0x69: {  	[tilespmem:s25], [sflag:$0x1] =	stream.indirect_vreg.gather [hbm4b:s1+s2], $0x80, v4, vm0, $0xb8;
	[tilespmem:$0xC080] =	vst v63  }
0x6a: {  	_ = 	snop  }
0x6b: {  	[tilespmem:s26], [sflag:$0x1] =	stream.indirect_vreg.gather [hbm4b:s1+s2], $0x80, v3, vm0, $0xb8;
	[tilespmem:$0xC080] =	vst v63  }
0x6c: {  	_ =	swait.ge [sflag:s28], $0x8000  }
0x6d: {  	s10 =	sand.u32 $0x7800, s2;
	s2 =	sand.u32 $0x380, s2;
	[sflag:s28] =	ssyncset.done $0x0  }
0x6e: {  	s3 =	sor.u32 s2, s10;
	[sflag:s28] =	ssyncadd.s32 $0xFFFF8000  }
0x6f: {  	v3 =	vld [tilespmem:s3+$0x0]  }
0x70: {  	v11 =	vld [tilespmem:s3+$0x50]  }
0x71: {  	v7 =	vld [tilespmem:s3+$0x60]  }
0x72: {  	v5 =	vld [tilespmem:s3+$0x420]  }
0x73: {  	v4 =	vld [tilespmem:s3+$0x30]  }
0x74: {  	v10 =	vld [tilespmem:s12+$0x0]  }
0x75: {  	v6 =	vld [tilespmem:s3+$0x70]  }
0x76: {  	v17 =	vld [tilespmem:s3+$0x400]  }
0x77: {  	v22 =	vld [tilespmem:s3+$0x40]  }
0x78: {  	v14 =	vld [tilespmem:s3+$0x10]  }
0x79: {  	v19 =	vld [tilespmem:s3+$0x470];
	v20 =	vbroadcast v10, $0x2;
	v12 =	vbroadcast v10, $0x3  }
0x7a: {  	s29 =	simm.s32 $0x80;
	s12 =	simm.s32 $0x100;
	v13 =	vld [tilespmem:s3+$0x440];
	v8 =	vbroadcast v10, $0x5;
	v9 =	vbroadcast v10, $0x7  }
0x7b: {  	s9 =	sand.u32 $0x380, s29;
	s2 =	simm.s32 $0x8080;
	v15 =	vld [tilespmem:s3+$0x430];
	s0 =	sand.u32 $0x7800, s12;
	v16 =	vbroadcast v10, $0x0;
	v21 =	vmul.f32 v7, v12  }
0x7c: {  	s10 =	simm.s32 $0x200;
	v18 =	vld [tilespmem:s3+$0x20];
	s0 =	sor.u32 s9, s0;
	s9 =	simm.s32 $0x8080;
	v22 =	vmul.f32 v22, v20;
	v7 =	vbroadcast v10, $0x4  }
.LBB2_3:
0x7d: {  	p0 =	sne.s32 s10, $0x7F00;
	s29 =	sadd.s32 $0x80, s29;
	s2 =	sadd.s32 $0x80, s2;
	v14 =	vmul.f32 v14, v16;
	v11 =	vmul.f32 v11, v20;
	[tilespmem:s3+$0x60] =	vst v21  }
0x7e: {  	s12 =	smov.u32 s10;
	s10 =	sadd.s32 $0x100, s10;
	[tilespmem:s3+$0x40] =	vst v22;
	v17 =	vmul.f32 v17, v7;
	v20 =	vld [tilespmem:s3+$0x450];
	v19 =	vmul.f32 v19, v9  }
0x7f: {  	v21 =	vbroadcast v10, $0x1;
	v10 =	vbroadcast v10, $0x6;
	[tilespmem:s3+$0x50] =	vst v11;
	v11 =	vld [tilespmem:s3+$0x460]  }
0x80: {  	v3 =	vmul.f32 v16, v3;
	v5 =	vmul.f32 v5, v8;
	[tilespmem:s3+$0x470] =	vst v19  }
0x81: {  	v4 =	vmul.f32 v4, v21;
	v16 =	vmul.f32 v18, v21;
	[tilespmem:s3+$0x400] =	vst v17  }
0x82: {  	[tilespmem:s3+$0x0] =	vst v3;
	v3 =	vmul.f32 v6, v12;
	v6 =	vmul.f32 v13, v10  }
0x83: {  	[tilespmem:s3+$0x420] =	vst v5;
	v5 =	vmul.f32 v15, v8;
	v8 =	vmul.f32 v20, v10  }
0x84: {  	[tilespmem:s3+$0x70] =	vst v3;
	v10 =	vld [tilespmem:s3+$0x410];
	v9 =	vmul.f32 v11, v9  }
0x85: {  	[tilespmem:s3+$0x450] =	vst v8  }
0x86: {  	[tilespmem:s3+$0x30] =	vst v4  }
0x87: {  	[tilespmem:s3+$0x440] =	vst v6  }
0x88: {  	v3 =	vld [tilespmem:s0+$0x0];
	[tilespmem:s3+$0x460] =	vst v9  }
0x89: {  	v11 =	vld [tilespmem:s0+$0x50];
	[tilespmem:s3+$0x20] =	vst v16;
	v6 =	vmul.f32 v10, v7  }
0x8a: {  	v7 =	vld [tilespmem:s0+$0x60];
	[tilespmem:s3+$0x430] =	vst v5  }
0x8b: {  	v5 =	vld [tilespmem:s0+$0x420];
	[tilespmem:s3+$0x10] =	vst v14  }
0x8c: {  	v4 =	vld [tilespmem:s0+$0x30];
	[tilespmem:s3+$0x410] =	vst v6;
	s3 =	smov.u32 s0  }
0x8d: {  	s0 =	sand.u32 $0x7800, s12;
	s12 =	sand.u32 $0x380, s29;
	v10 =	vld [tilespmem:s9+$0x0];
	s9 =	smov.u32 s2  }
0x8e: {  	s0 =	sor.u32 s12, s0;
	v6 =	vld [tilespmem:s3+$0x70]  }
0x8f: {  	v17 =	vld [tilespmem:s3+$0x400]  }
0x90: {  	v22 =	vld [tilespmem:s3+$0x40]  }
.Ltmp0:
0x91: {  	v14 =	vld [tilespmem:s3+$0x10];
	(pc) =	sbr.rel @p0 .LBB2_3-.Ltmp0, $4  }
0x92: {  	v20 =	vbroadcast v10, $0x2;
	v12 =	vbroadcast v10, $0x3;
	v19 =	vld [tilespmem:s3+$0x470]  }
0x93: {  	v8 =	vbroadcast v10, $0x5;
	v9 =	vbroadcast v10, $0x7;
	v13 =	vld [tilespmem:s3+$0x440]  }
0x94: {  	v16 =	vbroadcast v10, $0x0;
	v21 =	vmul.f32 v7, v12;
	v15 =	vld [tilespmem:s3+$0x430]  }
0x95: {  	v7 =	vbroadcast v10, $0x4;
	v18 =	vld [tilespmem:s3+$0x20];
	v22 =	vmul.f32 v22, v20  }
0x96: {  	v11 =	vmul.f32 v11, v20;
	[tilespmem:s3+$0x60] =	vst v21  }
0x97: {  	v3 =	vmul.f32 v16, v3;
	[tilespmem:s3+$0x40] =	vst v22  }
0x98: {  	v5 =	vmul.f32 v5, v8;
	[tilespmem:s3+$0x50] =	vst v11  }
0x99: {  	v19 =	vmul.f32 v19, v9;
	[tilespmem:s3+$0x0] =	vst v3  }
0x9a: {  	v32 =	vbroadcast v10, $0x1;
	v17 =	vmul.f32 v17, v7;
	[tilespmem:s3+$0x420] =	vst v5  }
0x9b: {  	v3 =	vmul.f32 v6, v12;
	[tilespmem:s3+$0x470] =	vst v19  }
0x9c: {  	v29 =	vld [tilespmem:s3+$0x450];
	v31 =	vbroadcast v10, $0x6;
	v4 =	vmul.f32 v4, v32;
	[tilespmem:s3+$0x400] =	vst v17  }
0x9d: {  	v30 =	vld [tilespmem:s3+$0x460];
	v37 =	vmul.f32 v15, v8;
	[tilespmem:s3+$0x70] =	vst v3  }
0x9e: {  	v34 =	vld [tilespmem:s3+$0x410];
	v3 =	vmul.f32 v13, v31;
	[tilespmem:s3+$0x30] =	vst v4  }
0x9f: {  	v36 =	vmul.f32 v18, v32;
	[tilespmem:s3+$0x430] =	vst v37  }
0xa0: {  	v39 =	vmul.f32 v14, v16;
	v38 =	vld [tilespmem:s0+$0x50];
	[tilespmem:s3+$0x440] =	vst v3  }
0xa1: {  	v33 =	vmul.f32 v29, v31;
	v3 =	vld [tilespmem:s0+$0x0];
	[tilespmem:s3+$0x20] =	vst v36  }
0xa2: {  	v35 =	vmul.f32 v30, v9;
	[tilespmem:s3+$0x10] =	vst v39  }
0xa3: {  	v40 =	vmul.f32 v34, v7;
	[tilespmem:s3+$0x450] =	vst v33  }
0xa4: {  	[tilespmem:s3+$0x460] =	vst v35  }
0xa5: {  	v41 =	vld [tilespmem:s0+$0x420];
	[tilespmem:s3+$0x410] =	vst v40  }
0xa6: {  	v4 =	vld [tilespmem:s9+$0x0];
	_ =	sdelay $0x1  }
0xa7: {  	v42 =	vld [tilespmem:s0+$0x60]  }
0xa8: {  	v9 =	vld [tilespmem:s0+$0x40];
	_ =	sdelay $0x1  }
0xa9: {  	v46 =	vld [tilespmem:s0+$0x470];
	v45 =	vbroadcast v4, $0x3  }
0xaa: {  	v47 =	vld [tilespmem:s0+$0x400];
	v48 =	vbroadcast v4, $0x2  }
0xab: {  	v7 =	vmul.f32 v42, v45  }
0xac: {  	v51 =	vbroadcast v4, $0x7;
	v9 =	vmul.f32 v9, v48  }
0xad: {  	v55 =	vld [tilespmem:s0+$0x450];
	v53 =	vbroadcast v4, $0x4;
	v5 =	vmul.f32 v38, v48;
	[tilespmem:s0+$0x60] =	vst v7  }
0xae: {  	v43 =	vld [tilespmem:s0+$0x30];
	v54 =	vbroadcast v4, $0x0;
	v12 =	vmul.f32 v46, v51;
	[tilespmem:s0+$0x40] =	vst v9  }
0xaf: {  	v52 =	vld [tilespmem:s0+$0x20];
	v56 =	vbroadcast v4, $0x5;
	v13 =	vmul.f32 v47, v53;
	[tilespmem:s0+$0x50] =	vst v5  }
0xb0: {  	v49 =	vld [tilespmem:s0+$0x10];
	v59 =	vbroadcast v4, $0x6;
	v3 =	vmul.f32 v54, v3;
	[tilespmem:s0+$0x470] =	vst v12  }
0xb1: {  	v44 =	vld [tilespmem:s0+$0x70];
	v4 =	vbroadcast v4, $0x1;
	v6 =	vmul.f32 v41, v56;
	[tilespmem:s0+$0x400] =	vst v13  }
0xb2: {  	v61 =	vld [tilespmem:s0+$0x410];
	v60 =	vmul.f32 v55, v59;
	[tilespmem:s0+$0x0] =	vst v3  }
0xb3: {  	v50 =	vld [tilespmem:s0+$0x440];
	v8 =	vmul.f32 v43, v4;
	[tilespmem:s0+$0x420] =	vst v6  }
0xb4: {  	v57 =	vld [tilespmem:s0+$0x460];
	v4 =	vmul.f32 v52, v4;
	[tilespmem:s0+$0x450] =	vst v60  }
0xb5: {  	v58 =	vld [tilespmem:s0+$0x430];
	v62 =	vmul.f32 v49, v54;
	[tilespmem:s0+$0x30] =	vst v8  }
0xb6: {  	v3 =	vmul.f32 v44, v45;
	[tilespmem:s0+$0x20] =	vst v4  }
0xb7: {  	v63 =	vmul.f32 v61, v53;
	[tilespmem:s0+$0x10] =	vst v62  }
0xb8: {  	[tilespmem:s0+$0x70] =	vst v3;
	v3 =	vmul.f32 v50, v59  }
0xb9: {  	v5 =	vmul.f32 v57, v51;
	[tilespmem:s0+$0x410] =	vst v63  }
0xba: {  	s30 =	sadd.s32 $0x1, s30;
	[tilespmem:s0+$0x440] =	vst v3;
	v3 =	vmul.f32 v58, v56  }
0xbb: {  	s2 =	sshll.u32 s31, $0x5;
	p0 =	sne.s32 s30, s6;
	[tilespmem:s0+$0x460] =	vst v5  }
.Ltmp1:
0xbc: {  	s31 =	simm.s32 $0x0;
	s29 =	sadd.s32 s7, s2;
	[tilespmem:s0+$0x430] =	vst v3;
	(pc) =	sbr.rel @p0 .LBB2_2-.Ltmp1, $4  }
0xbd: {  	[hbm4b:s29+s31] =	stream.linear.scatter [tilespmem:s31], [sflag:$0x2], $0x8000, $0x38;
	[tilespmem:$0xC080] =	vst v63  }
0xbe: {  	_ =	swait.ge [sflag:s11], $0x8000  }
0xbf: {  	[sflag:s11] =	ssyncset.done $0x0  }
0xc0: {  	[sflag:s11] =	ssyncadd.s32 $0xFFFF8000  }
0xc1: {  	s2 =	rddreg [dreg:$0x4]  }
0xc2: {  	s0 =	rddreg [dreg:$0x3];
	s2 =	sadd.s32 $0x1, s2  }
0xc3: {  	p0 =	sne.s32 s2, s0  }
.Ltmp2:
0xc4: {  	_ = 	snop;
	(pc) =	sbr.rel @p0 .LBB2_1-.Ltmp2, $1  }
0xc5: {  	_ =	sdelay $0x3  }
0xc6: {  	_ =	sfence.sel $0x180000  }
0xc7: {  	[bflag:$0x0] =	sbarrier.arrive $0xFFFF  }
0xc8: {  	_ =	strace $0x9000004A  }
0xc9: {  	s0 =	stileid.u32;
	[bflag:$0x2] =	sbarrier.arrive $0xFFFF  }
0xca: {  	p0 =	sne.s32 s0, $0x0;
	s0 =	rddreg [dreg:$0x2]  }
0xcb: {  	s0 =	sadd.s32 @!p0 $0x100000, s0  }
0xcc: {  	[sflag:s0] =	ssyncadd.tile.s32 @!p0 $0x1;
	_ =	shalt  }
.Lfunc_end2:
_tile_overlayer_lowered:
.L_overlay_start_2:
0xcd: {  	(tag) =	ssettag $0x2  }
0xce: {  	s0 =	rddreg [dreg:$0x0];
	s2 =	stileid.u32  }
0xcf: {  	s1 =	rddreg [dreg:$0x1];
	p0 =	sne.s32 s2, $0x0  }
0xd0: {  	s3 =	rddreg [dreg:$0x2];
	[bflag:$0x3] =	sbarrier.arrive $0xFFFF;
	s2 =	simm.s32 @!p0 $0x1C02  }
0xd1: {  	[timem:s3], [sflag:s2] =	dma.local @!p0 [hbm:s0], s1  }
0xd2: {  	s0 =	simm.s32 @!p0 $0x2  }
0xd3: {  	_ =	swait.ge @!p0 [sflag:s0], s1  }
0xd4: {  	s1 =	ssub.s32 @!p0 $0x0, s1;
	[sflag:s0] =	ssyncset.done @!p0 $0x0  }
0xd5: {  	[sflag:s0] =	ssyncadd.s32 @!p0 s1  }
0xd6: {  	[bflag:$0x3] =	sbarrier.arrive $0xFFFF  }
0xd7: {  	_ =	shalt  }

</sc_bundles>
